<compile_context>
chip_gen: v7x
topology: tpu7x:2x2x1
jax: 0.10.2.dev20260603
libtpu: 0.0.44.dev20260713+nightly
codegen_flags: <defaults>
</compile_context>

<pallas_src>
import functools

import jax
import jax.numpy as jnp
from jax import lax
from jax.experimental import pallas as pl
from jax.experimental.pallas import tpu as pltpu
from jax.experimental.pallas import tpu_sc as plsc

F32 = jnp.float32
_KNN = 16
_HI = "highest"



def _bf16_rne(v):
    u = lax.bitcast_convert_type(v, jnp.uint32)
    r = (u + jnp.uint32(0x7FFF) + ((u >> 16) & jnp.uint32(1))) \
        & jnp.uint32(0xFFFF0000)
    return lax.bitcast_convert_type(r, F32)


def _topk_body(posR_ref, posC_ref, idx_ref, *, n, nb, k):
    b = pl.program_id(0)
    pr = posR_ref[...]
    pc = posC_ref[0]
    prx, pry, prz = pr[:, 0:1], pr[:, 1:2], pr[:, 2:3]
    pcx, pcy, pcz = pc[0:1, :], pc[1:2, :], pc[2:3, :]
    sqr = prx * prx + pry * pry + prz * prz
    sqc = pcx * pcx + pcy * pcy + pcz * pcz
    bx, by, bz = _bf16_rne(prx), _bf16_rne(pry), _bf16_rne(prz)
    cx, cy, cz = _bf16_rne(pcx), _bf16_rne(pcy), _bf16_rne(pcz)
    d = sqr + sqc - 2.0 * (bx * cx + by * cy + bz * cz)
    iota = lax.broadcasted_iota(jnp.int32, (nb, n), 1)
    kio = lax.broadcasted_iota(jnp.int32, (nb, k), 1)
    idx = jnp.zeros((nb, k), jnp.int32)
    for j in range(k):
        ind = jnp.argmin(d, axis=1).astype(jnp.int32)[:, None]
        idx = jnp.where(kio == j, ind, idx)
        d = jnp.where(iota == ind, jnp.inf, d)
    idx_ref[0] = idx + b * n


def _knn_topk(posR, posC, b, n, k):
    nb = 256 if n % 256 == 0 else n
    nblk = n // nb
    return pl.pallas_call(
        functools.partial(_topk_body, n=n, nb=nb, k=k),
        grid=(b, nblk),
        in_specs=[
            pl.BlockSpec((nb, 128), lambda bi, i: (bi * nblk + i, 0)),
            pl.BlockSpec((1, 8, n), lambda bi, i: (bi, 0, 0)),
        ],
        out_specs=pl.BlockSpec((1, nb, k), lambda bi, i: (bi, i, 0)),
        out_shape=jax.ShapeDtypeStruct((b, n, k), jnp.int32),
    )(posR, posC)




def _rne_bits(u):
    return (u + jnp.uint32(0x7FFF) + ((u >> 16) & jnp.uint32(1))) \
        & jnp.uint32(0xFFFF0000)


def _kf_body(keyT_ref, wkT_ref, bk_ref, kfp_ref, *, dim):
    h = dim // 2
    kf = jnp.dot(keyT_ref[...], wkT_ref[...],
                 preferred_element_type=F32, precision=_HI) + bk_ref[...]
    u_lo = lax.bitcast_convert_type(kf[:, :h], jnp.uint32)
    u_hi = lax.bitcast_convert_type(kf[:, h:], jnp.uint32)
    kfp_ref[...] = _rne_bits(u_hi) | (_rne_bits(u_lo) >> 16)


def _kf_proj_packed(keyT, wkT, bk, c, dim):
    rows = keyT.shape[0]
    nb = 512
    return pl.pallas_call(
        functools.partial(_kf_body, dim=dim),
        grid=(rows // nb,),
        in_specs=[
            pl.BlockSpec((nb, c), lambda i: (i, 0)),
            pl.BlockSpec((c, dim), lambda i: (0, 0)),
            pl.BlockSpec((1, dim), lambda i: (0, 0)),
        ],
        out_specs=pl.BlockSpec((nb, dim // 2), lambda i: (i, 0)),
        out_shape=jax.ShapeDtypeStruct((rows, dim // 2), jnp.uint32),
    )(keyT, wkT, bk)


def _unpack_key(gk_u32, dim):
    lo = lax.bitcast_convert_type(gk_u32 << 16, F32)
    hi = lax.bitcast_convert_type(gk_u32 & jnp.uint32(0xFFFF0000), F32)
    return jnp.concatenate([lo, hi], axis=1)


def _mlp_body(keyT_ref, queryT_ref, w1T_ref, b1_ref, w2T_ref, b2_ref,
              wsT_ref, bs_ref, wqT_ref, bq_ref,
              wvT_ref, bv_ref, val_ref, qf_ref, vf_ref):
    def mm(a, w):
        return jnp.dot(a, w, preferred_element_type=F32, precision=_HI)

    xT = jnp.concatenate([keyT_ref[...], queryT_ref[...]], axis=1)
    sc = mm(xT, wsT_ref[...]) + bs_ref[...]
    h = jnp.maximum(mm(xT, w1T_ref[...]) + b1_ref[...], 0.0)
    v = mm(h, w2T_ref[...]) + b2_ref[...] + sc
    val_ref[...] = v
    qf_ref[...] = mm(queryT_ref[...], wqT_ref[...]) + bq_ref[...]
    vf_ref[...] = mm(v, wvT_ref[...]) + bv_ref[...]


def _front_mlp(keyT, queryT, wts, c, dim):
    rows = keyT.shape[0]
    nb = 256
    grid = (rows // nb,)

    def fullspec(a):
        return pl.BlockSpec(a.shape, lambda i: tuple(0 for _ in a.shape))

    return pl.pallas_call(
        _mlp_body,
        grid=grid,
        in_specs=[
            pl.BlockSpec((nb, c), lambda i: (i, 0)),
            pl.BlockSpec((nb, c), lambda i: (i, 0)),
        ] + [fullspec(w) for w in wts],
        out_specs=[
            pl.BlockSpec((nb, c), lambda i: (i, 0)),
            pl.BlockSpec((nb, dim), lambda i: (i, 0)),
            pl.BlockSpec((nb, dim), lambda i: (i, 0)),
        ],
        out_shape=[
            jax.ShapeDtypeStruct((rows, c), F32),
            jax.ShapeDtypeStruct((rows, dim), F32),
            jax.ShapeDtypeStruct((rows, dim), F32),
        ],
    )(keyT, queryT, *wts)



_NC, _NS = 2, 16
_NW = _NC * _NS
_CH = 128


def _sc_gather(table, idx_flat):
    idx2d = idx_flat.reshape(-1, _CH)
    nrow, ch = idx2d.shape
    r = nrow * ch
    w = table.shape[1]
    dt = table.dtype
    per_w = r // _NW
    nch = per_w // _CH
    mesh = plsc.VectorSubcoreMesh(core_axis_name="c", subcore_axis_name="s")

    @functools.partial(
        pl.kernel,
        out_type=jax.ShapeDtypeStruct((r, w), dt),
        mesh=mesh,
        scratch_types=[
            pltpu.VMEM((nch, _CH), jnp.int32),
            pltpu.VMEM((_CH, w), dt),
            pltpu.VMEM((_CH, w), dt),
            pltpu.SemaphoreType.DMA,
            pltpu.SemaphoreType.DMA,
            pltpu.SemaphoreType.DMA,
            pltpu.SemaphoreType.DMA,
        ],
    )
    def gk(tb, ix, out, idx_v, rows_a, rows_b, gsem_a, gsem_b, osem_a,
           osem_b):
        wid = lax.axis_index("s") * _NC + lax.axis_index("c")
        pltpu.sync_copy(ix.at[pl.ds(wid * nch, nch)], idx_v)
        bufs = ((rows_a, gsem_a, osem_a), (rows_b, gsem_b, osem_b))

        def issue(ci):
            buf, gsem, _ = bufs[ci % 2]
            return pltpu.async_copy(tb.at[idx_v.at[ci]], buf, gsem)

        gcp = {0: issue(0)}
        ocp = {}
        for ci in range(nch):
            if ci + 1 < nch:
                if ci >= 1:
                    ocp[ci - 1].wait()
                gcp[ci + 1] = issue(ci + 1)
            gcp[ci].wait()
            buf, _, osem = bufs[ci % 2]
            base = (wid * nch + ci) * _CH
            ocp[ci] = pltpu.async_copy(buf, out.at[pl.ds(base, _CH)], osem)
        ocp[nch - 1].wait()
        if nch >= 2:
            ocp[nch - 2].wait()

    return gk(table, idx2d)




def _pe_rel(posR_blk, pos_g_blk, nb, k):
    rows = nb * k

    def rep(col):
        return jnp.broadcast_to(col[:, None, :], (nb, k, 1)).reshape(rows, 1)

    prx = rep(posR_blk[:, 0:1]) - pos_g_blk[:, 0:1]
    pry = rep(posR_blk[:, 1:2]) - pos_g_blk[:, 1:2]
    prz = rep(posR_blk[:, 2:3]) - pos_g_blk[:, 2:3]
    return prx, pry, prz


def _pe1_from_rel(prx, pry, prz, pwrow):
    return (prx * pwrow[0:1, :] + pry * pwrow[1:2, :] + prz * pwrow[2:3, :]
            + pwrow[3:4, :])


def _mom_body(posR_ref, gp_ref, s1_ref, m2_ref, *, nb, k, dim):
    i = pl.program_id(0)
    rows = nb * k
    pos_g = lax.bitcast_convert_type(gp_ref[...][:, :16], F32)
    rep = jnp.broadcast_to(posR_ref[...][:, None, :16],
                           (nb, k, 16)).reshape(rows, 16)
    p = rep - pos_g
    s1 = jnp.broadcast_to(jnp.sum(p, axis=0, keepdims=True), s1_ref.shape)
    m2 = lax.dot_general(p, p, (((0,), (0,)), ((), ())),
                         preferred_element_type=F32, precision=_HI)

    @pl.when(i == 0)
    def _():
        s1_ref[...] = jnp.zeros_like(s1_ref)
        m2_ref[...] = jnp.zeros_like(m2_ref)

    s1_ref[...] += s1
    m2_ref[...] += m2


def _mom_pass(posR, g, nb, k, dim):
    rows_n = posR.shape[0]
    pcol = dim // 256
    grid = (rows_n // nb,)
    return pl.pallas_call(
        functools.partial(_mom_body, nb=nb, k=k, dim=dim),
        grid=grid,
        in_specs=[
            pl.BlockSpec((nb, 128), lambda i: (i, 0)),
            pl.BlockSpec((nb * k, 128), lambda i: (i, pcol)),
        ],
        out_specs=[
            pl.BlockSpec((8, 16), lambda i: (0, 0)),
            pl.BlockSpec((16, 16), lambda i: (0, 0)),
        ],
        out_shape=[
            jax.ShapeDtypeStruct((8, 16), F32),
            jax.ShapeDtypeStruct((16, 16), F32),
        ],
        compiler_params=pltpu.CompilerParams(
            dimension_semantics=("arbitrary",)),
    )(posR, g)




def _z_body(posR_ref, gk_ref, gp_ref, qf_ref, pwrow_ref, pw2T_ref,
            pb2_ref, zz_ref, zs_ref, *, nb, k, dim):
    i = pl.program_id(0)
    rows = nb * k
    kg = _unpack_key(gk_ref[...], dim)
    pos_g = lax.bitcast_convert_type(gp_ref[...][:, :16], F32)
    prx, pry, prz = _pe_rel(posR_ref[...], pos_g, nb, k)
    pe1 = _pe1_from_rel(prx, pry, prz, pwrow_ref[...])
    rp = jnp.maximum(pe1, 0.0)
    pe = jnp.dot(rp, pw2T_ref[...], preferred_element_type=F32) \
        + pb2_ref[...]
    qf = qf_ref[...]
    qfr = jnp.broadcast_to(qf[:, None, :], (nb, k, dim)).reshape(rows, dim)
    z = qfr - kg + pe
    zzb = lax.dot_general(z, z, (((0,), (0,)), ((), ())),
                          preferred_element_type=F32)
    zsb = jnp.broadcast_to(jnp.sum(z, axis=0, keepdims=True), zs_ref.shape)

    @pl.when(i == 0)
    def _():
        zz_ref[...] = jnp.zeros_like(zz_ref)
        zs_ref[...] = jnp.zeros_like(zs_ref)

    zz_ref[...] += zzb
    zs_ref[...] += zsb


def _z_pass(posR, g, qfT, pwrow, pw2T, pb2, nb, k, dim, ph):
    rows_n = posR.shape[0]
    pcol = dim // 256
    grid = (rows_n // nb,)
    return pl.pallas_call(
        functools.partial(_z_body, nb=nb, k=k, dim=dim),
        grid=grid,
        in_specs=[
            pl.BlockSpec((nb, 128), lambda i: (i, 0)),
            pl.BlockSpec((nb * k, dim // 2), lambda i: (i, 0)),
            pl.BlockSpec((nb * k, 128), lambda i: (i, pcol)),
            pl.BlockSpec((nb, dim), lambda i: (i, 0)),
            pl.BlockSpec((8, ph), lambda i: (0, 0)),
            pl.BlockSpec((ph, dim), lambda i: (0, 0)),
            pl.BlockSpec((1, dim), lambda i: (0, 0)),
        ],
        out_specs=[
            pl.BlockSpec((dim, dim), lambda i: (0, 0)),
            pl.BlockSpec((8, dim), lambda i: (0, 0)),
        ],
        out_shape=[
            jax.ShapeDtypeStruct((dim, dim), F32),
            jax.ShapeDtypeStruct((8, dim), F32),
        ],
        compiler_params=pltpu.CompilerParams(
            dimension_semantics=("arbitrary",)),
    )(posR, g, g, qfT, pwrow, pw2T, pb2)




def _attn_body(posR_ref, gk_ref, gp_ref, qf_ref, vf_ref, val_ref, pwrow_ref,
               aw1fT_ref, b1f_ref, aw2T_ref, ab2_ref, pw2T_ref, pb2_ref,
               weT_ref, be_ref, out_ref, *, nb, k, dim):
    def mm(a, w):
        return jnp.dot(a, w, preferred_element_type=F32)

    rows = nb * k
    kg = _unpack_key(gk_ref[...], dim)
    pos_g = lax.bitcast_convert_type(gp_ref[...][:, :16], F32)
    prx, pry, prz = _pe_rel(posR_ref[...], pos_g, nb, k)
    rp = jnp.maximum(_pe1_from_rel(prx, pry, prz, pwrow_ref[...]), 0.0)
    pe = mm(rp, pw2T_ref[...]) + pb2_ref[...]
    qfr = jnp.broadcast_to(qf_ref[...][:, None, :],
                           (nb, k, dim)).reshape(rows, dim)
    z = qfr - kg + pe
    hh = jnp.maximum(mm(z, aw1fT_ref[...]) + b1f_ref[...], 0.0)
    at = mm(hh, aw2T_ref[...]) + ab2_ref[...]
    at3 = at.reshape(nb, k, dim)
    m = jnp.max(at3, axis=1, keepdims=True)
    e = jnp.exp(at3 - m)
    sm = e / jnp.sum(e, axis=1, keepdims=True)
    vf3 = jnp.broadcast_to(vf_ref[...][:, None, :], (nb, k, dim))
    val3 = vf3 + pe.reshape(nb, k, dim)
    agg = jnp.sum(sm * val3, axis=1)
    out_ref[...] = mm(agg, weT_ref[...]) + be_ref[...] + val_ref[...]


def _attn_pass(posR, g, qfT, vfT, valT, pwrow, aw1fT, b1f, aw2T, ab2, pw2T,
               pb2, weT, be, nb, k, dim, ph, c):
    rows_n = vfT.shape[0]
    pcol = dim // 256
    grid = (rows_n // nb,)

    def fullspec(a):
        return pl.BlockSpec(a.shape, lambda i: tuple(0 for _ in a.shape))

    return pl.pallas_call(
        functools.partial(_attn_body, nb=nb, k=k, dim=dim),
        grid=grid,
        in_specs=[
            pl.BlockSpec((nb, 128), lambda i: (i, 0)),
            pl.BlockSpec((nb * k, dim // 2), lambda i: (i, 0)),
            pl.BlockSpec((nb * k, 128), lambda i: (i, pcol)),
            pl.BlockSpec((nb, dim), lambda i: (i, 0)),
            pl.BlockSpec((nb, dim), lambda i: (i, 0)),
            pl.BlockSpec((nb, c), lambda i: (i, 0)),
            fullspec(pwrow),
            fullspec(aw1fT), fullspec(b1f), fullspec(aw2T), fullspec(ab2),
            fullspec(pw2T), fullspec(pb2), fullspec(weT), fullspec(be),
        ],
        out_specs=pl.BlockSpec((nb, c), lambda i: (i, 0)),
        out_shape=jax.ShapeDtypeStruct((rows_n, c), F32),
    )(posR, g, g, qfT, vfT, valT, pwrow, aw1fT, b1f, aw2T, ab2, pw2T, pb2,
      weT, be)




def kernel(pos, key, query, w1, b1, w2, b2, ws, bs, wk, bk, wq, bq, wv, bv,
           pw1, pb1, pg1, pbe1, pw2, pb2, aw1, ab1, ag1, abe1, aw2, ab2,
           we, be):
    b, c, n = key.shape
    dim = wk.shape[0]
    ph = pw1.shape[0]
    ah = aw1.shape[0]
    k = _KNN
    rows_n = b * n
    rows = rows_n * k
    eps = 1e-5

    keyT = key.transpose(0, 2, 1).reshape(rows_n, c)
    queryT = query.transpose(0, 2, 1).reshape(rows_n, c)
    posT = pos.transpose(0, 2, 1).reshape(rows_n, 3)
    posR = jnp.zeros((rows_n, 128), F32).at[:, 0:3].set(posT)
    posC = jnp.zeros((b, 8, n), F32).at[:, 0:3, :].set(pos)

    idx = _knn_topk(posR, posC, b, n, k)
    idx_flat = idx.reshape(rows)

    r2 = lambda x: x.reshape(1, -1)
    kfp = _kf_proj_packed(keyT, wk.T, r2(bk), c, dim)
    pos16u = lax.bitcast_convert_type(posR[:, :16], jnp.uint32)
    wt = dim // 2 + 16
    wpad = -wt % 128
    table = jnp.concatenate(
        [kfp, pos16u, jnp.zeros((rows_n, wpad), jnp.uint32)], axis=1)

    g = _sc_gather(table, idx_flat)

    wts = (w1.T, r2(b1), w2.T, r2(b2), ws.T, r2(bs), wq.T, r2(bq),
           wv.T, r2(bv))
    valT, qfT, vfT = _front_mlp(keyT, queryT, wts, c, dim)

    nb = 256
    s1, m2 = _mom_pass(posR, g, nb, k, dim)
    cnt = jnp.float32(rows)
    mu_rel = s1[0, :3] / cnt
    cov_rel = m2[:3, :3] / cnt - jnp.outer(mu_rel, mu_rel)
    mu1 = pw1 @ mu_rel + pb1
    var1 = jnp.maximum(jnp.sum((pw1 @ cov_rel) * pw1, axis=1), 0.0)
    sc1 = pg1 / jnp.sqrt(var1 + eps)
    pw1f = pw1 * sc1[:, None]
    pb1f = sc1 * (pb1 - mu1) + pbe1
    pwrow_f = (jnp.zeros((8, ph), F32).at[0:3, :].set(pw1f.T)
               .at[3, :].set(pb1f))

    zz, zs = _z_pass(posR, g, qfT, pwrow_f, pw2.T, r2(pb2), nb, k, dim, ph)
    mu_z = zs[0] / cnt
    cov = zz / cnt - jnp.outer(mu_z, mu_z)
    mean_a = aw1 @ mu_z + ab1
    var_a = jnp.maximum(jnp.sum((aw1 @ cov) * aw1, axis=1), 0.0)
    sca = ag1 / jnp.sqrt(var_a + eps)
    aw1f = aw1 * sca[:, None]
    b1f = sca * (ab1 - mean_a) + abe1

    y = _attn_pass(posR, g, qfT, vfT, valT, pwrow_f, aw1f.T, r2(b1f),
                   aw2.T, r2(ab2), pw2.T, r2(pb2), we.T, r2(be), nb, k,
                   dim, ph, c)

    return y.reshape(b, n, c).transpose(0, 2, 1)

# --- scband reference (transcript-rebuilt; emitter-appended) ---
"""Pipeline reference for scband-skip-transformer-87101936763055 (READ-ONLY COPY).

The authoritative reference and input builder live on the scoring server;
editing this copy changes nothing except your own understanding.
"""

import jax, jax.numpy as jnp
import numpy as np

B, N, C, DIM, KNN, PH, AH = 2, 1024, 128, 256, 16, 64, 1024

def _bn2d(x, gamma, beta):
    mean = jnp.mean(x, axis=(0, 2, 3), keepdims=True)
    var = jnp.var(x, axis=(0, 2, 3), keepdims=True)
    xn = (x - mean) / jnp.sqrt(var + 1e-5)
    return xn * gamma.reshape(1, -1, 1, 1) + beta.reshape(1, -1, 1, 1)

def _conv1d(x, w, b):
    return jnp.einsum('oc,bcn->bon', w, x) + b[None, :, None]

def _conv2d(x, w, b):
    return jnp.einsum('oc,bcnk->bonk', w, x) + b[None, :, None, None]

def _group(feat, idx):
    return jax.vmap(lambda f, i: f[:, i])(feat, idx)

def reference(pos, key, query, w1, b1, w2, b2, ws, bs, wk, bk, wq, bq, wv, bv, pw1, pb1, pg1, pbe1, pw2, pb2, aw1, ab1, ag1, abe1, aw2, ab2, we, be):
    x = jnp.concatenate([key, query], axis=1)
    shortcut = _conv1d(x, ws, bs)
    value = _conv1d(jax.nn.relu(_conv1d(x, w1, b1)), w2, b2) + shortcut
    identity = value
    kf = _conv1d(key, wk, bk)
    qf = _conv1d(query, wq, bq)
    vf = _conv1d(value, wv, bv)
    sq = jnp.sum(pos ** 2, axis=1)
    inner = jnp.einsum('bcn,bcm->bnm', pos, pos)
    dist = sq[:, :, None] + sq[:, None, :] - 2.0 * inner
    _, idx = jax.lax.top_k(-dist, KNN)
    key_g = _group(kf, idx)
    qk_rel = qf[:, :, :, None] - key_g
    pos_rel = pos[:, :, :, None] - _group(pos, idx)
    pe = _conv2d(pos_rel, pw1, pb1)
    pe = jax.nn.relu(_bn2d(pe, pg1, pbe1))
    pe = _conv2d(pe, pw2, pb2)
    attn = _conv2d(qk_rel + pe, aw1, ab1)
    attn = jax.nn.relu(_bn2d(attn, ag1, abe1))
    attn = _conv2d(attn, aw2, ab2)
    attn = jax.nn.softmax(attn, axis=-1)
    val = vf[:, :, :, None] + pe
    agg = jnp.sum(attn * val, axis=-1)
    y = _conv1d(agg, we, be)
    return y + identity

def setup_inputs(seed=0):
    ks = jax.random.split(jax.random.key(seed), 32)
    s = 0.05
    d = {}
    d['pos'] = jax.random.normal(ks[0], (B, 3, N), dtype=jnp.float32)
    d['key'] = jax.random.normal(ks[1], (B, C, N), dtype=jnp.float32)
    d['query'] = jax.random.normal(ks[2], (B, C, N), dtype=jnp.float32)
    d['w1'] = jax.random.normal(ks[3], (C, 2 * C), dtype=jnp.float32) * s
    d['b1'] = jnp.zeros((C,), dtype=jnp.float32)
    d['w2'] = jax.random.normal(ks[4], (C, C), dtype=jnp.float32) * s
    d['b2'] = jnp.zeros((C,), dtype=jnp.float32)
    d['ws'] = jax.random.normal(ks[5], (C, 2 * C), dtype=jnp.float32) * s
    d['bs'] = jnp.zeros((C,), dtype=jnp.float32)
    d['wk'] = jax.random.normal(ks[6], (DIM, C), dtype=jnp.float32) * s
    d['bk'] = jnp.zeros((DIM,), dtype=jnp.float32)
    d['wq'] = jax.random.normal(ks[7], (DIM, C), dtype=jnp.float32) * s
    d['bq'] = jnp.zeros((DIM,), dtype=jnp.float32)
    d['wv'] = jax.random.normal(ks[8], (DIM, C), dtype=jnp.float32) * s
    d['bv'] = jnp.zeros((DIM,), dtype=jnp.float32)
    d['pw1'] = jax.random.normal(ks[9], (PH, 3), dtype=jnp.float32) * s
    d['pb1'] = jnp.zeros((PH,), dtype=jnp.float32)
    d['pg1'] = jnp.ones((PH,), dtype=jnp.float32)
    d['pbe1'] = jnp.zeros((PH,), dtype=jnp.float32)
    d['pw2'] = jax.random.normal(ks[10], (DIM, PH), dtype=jnp.float32) * s
    d['pb2'] = jnp.zeros((DIM,), dtype=jnp.float32)
    d['aw1'] = jax.random.normal(ks[11], (AH, DIM), dtype=jnp.float32) * s
    d['ab1'] = jnp.zeros((AH,), dtype=jnp.float32)
    d['ag1'] = jnp.ones((AH,), dtype=jnp.float32)
    d['abe1'] = jnp.zeros((AH,), dtype=jnp.float32)
    d['aw2'] = jax.random.normal(ks[12], (DIM, AH), dtype=jnp.float32) * s
    d['ab2'] = jnp.zeros((DIM,), dtype=jnp.float32)
    d['we'] = jax.random.normal(ks[13], (C, DIM), dtype=jnp.float32) * s
    d['be'] = jnp.zeros((C,), dtype=jnp.float32)
    return d

if __name__ == "__main__":
    import jax
    _d = setup_inputs()
    print(jax.jit(kernel)(*tuple(_d.values())))

</pallas_src>

<mosaic_0001>
#map = affine_map<(d0, d1) -> (0, 0)>
module attributes {stable_mosaic.version = 14 : i64} {
  func.func @gk(%arg0: i32, %arg1: i32, %arg2: memref<2048x256xi32, #tpu.memory_space<hbm>>, %arg3: memref<256x128xi32, #tpu.memory_space<hbm>>, %arg4: memref<32768x256xi32, #tpu.memory_space<hbm>>, %arg5: memref<8x128xi32, #tpu.memory_space<vmem>>, %arg6: memref<128x256xi32, #tpu.memory_space<vmem>>, %arg7: memref<128x256xi32, #tpu.memory_space<vmem>>, %arg8: memref<!tpu.dma_semaphore, #tpu.memory_space<semaphore_mem>>, %arg9: memref<!tpu.dma_semaphore, #tpu.memory_space<semaphore_mem>>, %arg10: memref<!tpu.dma_semaphore, #tpu.memory_space<semaphore_mem>>, %arg11: memref<!tpu.dma_semaphore, #tpu.memory_space<semaphore_mem>>) attributes {dimension_semantics = [#tpu.dimension_semantics<core_parallel>, #tpu.dimension_semantics<subcore_parallel>], iteration_bounds = array<i64: 2, 16>, scalar_prefetch = 0 : i64, scratch_operands = 7 : i64, tpu.core_type = #tpu.core_type<sc_vector_subcore>, window_params = [{transform_indices = #map}, {transform_indices = #map}, {transform_indices = #map}]} {
    %mul3A = arith.constant 2 : i32
    %mul3A_0 = arith.muli %arg1, %mul3A : i32
    %add3A = arith.addi %mul3A_0, %arg0 : i32
    %mul3A_1 = arith.constant 8 : i32
    %mul3A_2 = arith.muli %add3A, %mul3A_1 : i32
    "tpu.region"() ({
      %run_scoped3A = tpu.sem_alloc : memref<!tpu.dma_semaphore, #tpu.memory_space<semaphore_mem>>
      %dma_start3A_225 = arith.constant 0 : i32
      %dma_start3A_226 = tpu.memref_slice %arg3[%mul3A_2, %dma_start3A_225] : memref<256x128xi32, #tpu.memory_space<hbm>> -> memref<8x128xi32, #tpu.memory_space<hbm>>
      %dma_start3A_227 = arith.constant 0 : i32
      %dma_start3A_228 = tpu.memref_slice %arg3[%mul3A_2, %dma_start3A_227] : memref<256x128xi32, #tpu.memory_space<hbm>> -> memref<8x128xi32, #tpu.memory_space<hbm>>
      tpu.enqueue_dma source(%dma_start3A_228 : memref<8x128xi32, #tpu.memory_space<hbm>>) target(%arg5 : memref<8x128xi32, #tpu.memory_space<vmem>>) target_semaphore(%run_scoped3A : memref<!tpu.dma_semaphore, #tpu.memory_space<semaphore_mem>>)
      %dma_wait3A_229 = arith.constant 0 : i32
      %dma_wait3A_230 = tpu.memref_slice %arg3[%mul3A_2, %dma_wait3A_229] : memref<256x128xi32, #tpu.memory_space<hbm>> -> memref<8x128xi32, #tpu.memory_space<hbm>>
      %dma_wait3A_231 = arith.constant 0 : i32
      %dma_wait3A_232 = tpu.memref_slice %arg3[%mul3A_2, %dma_wait3A_231] : memref<256x128xi32, #tpu.memory_space<hbm>> -> memref<8x128xi32, #tpu.memory_space<hbm>>
      tpu.wait_dma2 semaphore(%run_scoped3A : memref<!tpu.dma_semaphore, #tpu.memory_space<semaphore_mem>>) src(%dma_wait3A_232 : memref<8x128xi32, #tpu.memory_space<hbm>>) dst(%arg5 : memref<8x128xi32, #tpu.memory_space<vmem>>)
      tpu.yield
    }) : () -> ()
    %dma_start3A = arith.constant 0 : i32
    %dma_start3A_3 = arith.constant 0 : i32
    %dma_start3A_4 = tpu.memref_slice %arg5[%dma_start3A, %dma_start3A_3] : memref<8x128xi32, #tpu.memory_space<vmem>> -> memref<1x128xi32, #tpu.memory_space<vmem>>
    %dma_start3A_5 = tpu.memref_squeeze %dma_start3A_4 : memref<1x128xi32, #tpu.memory_space<vmem>> -> memref<128xi32, #tpu.memory_space<vmem>>
    %dma_start3A_6 = arith.constant 0 : i32
    %dma_start3A_7 = arith.constant 0 : i32
    %dma_start3A_8 = tpu.memref_slice %arg2[%dma_start3A_6, %dma_start3A_7] : memref<2048x256xi32, #tpu.memory_space<hbm>> -> memref<2048x256xi32, #tpu.memory_space<hbm>>
    tpu.enqueue_indirect_dma source(%dma_start3A_8 : memref<2048x256xi32, #tpu.memory_space<hbm>>) target(%arg6 : memref<128x256xi32, #tpu.memory_space<vmem>>) offsets(%dma_start3A_5 : memref<128xi32, #tpu.memory_space<vmem>>) semaphore(%arg8 : memref<!tpu.dma_semaphore, #tpu.memory_space<semaphore_mem>>)
    %dma_start3A_9 = arith.constant 1 : i32
    %dma_start3A_10 = arith.constant 0 : i32
    %dma_start3A_11 = tpu.memref_slice %arg5[%dma_start3A_9, %dma_start3A_10] : memref<8x128xi32, #tpu.memory_space<vmem>> -> memref<1x128xi32, #tpu.memory_space<vmem>>
    %dma_start3A_12 = tpu.memref_squeeze %dma_start3A_11 : memref<1x128xi32, #tpu.memory_space<vmem>> -> memref<128xi32, #tpu.memory_space<vmem>>
    %dma_start3A_13 = arith.constant 0 : i32
    %dma_start3A_14 = arith.constant 0 : i32
    %dma_start3A_15 = tpu.memref_slice %arg2[%dma_start3A_13, %dma_start3A_14] : memref<2048x256xi32, #tpu.memory_space<hbm>> -> memref<2048x256xi32, #tpu.memory_space<hbm>>
    tpu.enqueue_indirect_dma source(%dma_start3A_15 : memref<2048x256xi32, #tpu.memory_space<hbm>>) target(%arg7 : memref<128x256xi32, #tpu.memory_space<vmem>>) offsets(%dma_start3A_12 : memref<128xi32, #tpu.memory_space<vmem>>) semaphore(%arg9 : memref<!tpu.dma_semaphore, #tpu.memory_space<semaphore_mem>>)
    %dma_wait3A = arith.constant 0 : i32
    %dma_wait3A_16 = arith.constant 0 : i32
    %dma_wait3A_17 = tpu.memref_slice %arg5[%dma_wait3A, %dma_wait3A_16] : memref<8x128xi32, #tpu.memory_space<vmem>> -> memref<1x128xi32, #tpu.memory_space<vmem>>
    %dma_wait3A_18 = tpu.memref_squeeze %dma_wait3A_17 : memref<1x128xi32, #tpu.memory_space<vmem>> -> memref<128xi32, #tpu.memory_space<vmem>>
    %dma_wait3A_19 = arith.constant 0 : i32
    %dma_wait3A_20 = arith.constant 0 : i32
    %dma_wait3A_21 = tpu.memref_slice %arg2[%dma_wait3A_19, %dma_wait3A_20] : memref<2048x256xi32, #tpu.memory_space<hbm>> -> memref<2048x256xi32, #tpu.memory_space<hbm>>
    tpu.wait_indirect_dma semaphore(%arg8 : memref<!tpu.dma_semaphore, #tpu.memory_space<semaphore_mem>>) src(%dma_wait3A_21 : memref<2048x256xi32, #tpu.memory_space<hbm>>) dst(%arg6 : memref<128x256xi32, #tpu.memory_space<vmem>>)
    %mul3A_22 = arith.constant 8 : i32
    %mul3A_23 = arith.muli %add3A, %mul3A_22 : i32
    %add3A_24 = arith.constant 0 : i32
    %add3A_25 = arith.addi %mul3A_23, %add3A_24 : i32
    %mul3A_26 = arith.constant 128 : i32
    %mul3A_27 = arith.muli %add3A_25, %mul3A_26 : i32
    %dma_start3A_28 = arith.constant 0 : i32
    %dma_start3A_29 = tpu.memref_slice %arg4[%mul3A_27, %dma_start3A_28] : memref<32768x256xi32, #tpu.memory_space<hbm>> -> memref<128x256xi32, #tpu.memory_space<hbm>>
    %dma_start3A_30 = arith.constant 0 : i32
    %dma_start3A_31 = tpu.memref_slice %arg4[%mul3A_27, %dma_start3A_30] : memref<32768x256xi32, #tpu.memory_space<hbm>> -> memref<128x256xi32, #tpu.memory_space<hbm>>
    tpu.enqueue_dma source(%arg6 : memref<128x256xi32, #tpu.memory_space<vmem>>) target(%dma_start3A_31 : memref<128x256xi32, #tpu.memory_space<hbm>>) target_semaphore(%arg10 : memref<!tpu.dma_semaphore, #tpu.memory_space<semaphore_mem>>)
    %dma_wait3A_32 = arith.constant 0 : i32
    %dma_wait3A_33 = tpu.memref_slice %arg4[%mul3A_27, %dma_wait3A_32] : memref<32768x256xi32, #tpu.memory_space<hbm>> -> memref<128x256xi32, #tpu.memory_space<hbm>>
    %dma_wait3A_34 = arith.constant 0 : i32
    %dma_wait3A_35 = tpu.memref_slice %arg4[%mul3A_27, %dma_wait3A_34] : memref<32768x256xi32, #tpu.memory_space<hbm>> -> memref<128x256xi32, #tpu.memory_space<hbm>>
    tpu.wait_dma2 semaphore(%arg10 : memref<!tpu.dma_semaphore, #tpu.memory_space<semaphore_mem>>) src(%arg6 : memref<128x256xi32, #tpu.memory_space<vmem>>) dst(%dma_wait3A_35 : memref<128x256xi32, #tpu.memory_space<hbm>>)
    %dma_start3A_36 = arith.constant 2 : i32
    %dma_start3A_37 = arith.constant 0 : i32
    %dma_start3A_38 = tpu.memref_slice %arg5[%dma_start3A_36, %dma_start3A_37] : memref<8x128xi32, #tpu.memory_space<vmem>> -> memref<1x128xi32, #tpu.memory_space<vmem>>
    %dma_start3A_39 = tpu.memref_squeeze %dma_start3A_38 : memref<1x128xi32, #tpu.memory_space<vmem>> -> memref<128xi32, #tpu.memory_space<vmem>>
    %dma_start3A_40 = arith.constant 0 : i32
    %dma_start3A_41 = arith.constant 0 : i32
    %dma_start3A_42 = tpu.memref_slice %arg2[%dma_start3A_40, %dma_start3A_41] : memref<2048x256xi32, #tpu.memory_space<hbm>> -> memref<2048x256xi32, #tpu.memory_space<hbm>>
    tpu.enqueue_indirect_dma source(%dma_start3A_42 : memref<2048x256xi32, #tpu.memory_space<hbm>>) target(%arg6 : memref<128x256xi32, #tpu.memory_space<vmem>>) offsets(%dma_start3A_39 : memref<128xi32, #tpu.memory_space<vmem>>) semaphore(%arg8 : memref<!tpu.dma_semaphore, #tpu.memory_space<semaphore_mem>>)
    %dma_wait3A_43 = arith.constant 1 : i32
    %dma_wait3A_44 = arith.constant 0 : i32
    %dma_wait3A_45 = tpu.memref_slice %arg5[%dma_wait3A_43, %dma_wait3A_44] : memref<8x128xi32, #tpu.memory_space<vmem>> -> memref<1x128xi32, #tpu.memory_space<vmem>>
    %dma_wait3A_46 = tpu.memref_squeeze %dma_wait3A_45 : memref<1x128xi32, #tpu.memory_space<vmem>> -> memref<128xi32, #tpu.memory_space<vmem>>
    %dma_wait3A_47 = arith.constant 0 : i32
    %dma_wait3A_48 = arith.constant 0 : i32
    %dma_wait3A_49 = tpu.memref_slice %arg2[%dma_wait3A_47, %dma_wait3A_48] : memref<2048x256xi32, #tpu.memory_space<hbm>> -> memref<2048x256xi32, #tpu.memory_space<hbm>>
    tpu.wait_indirect_dma semaphore(%arg9 : memref<!tpu.dma_semaphore, #tpu.memory_space<semaphore_mem>>) src(%dma_wait3A_49 : memref<2048x256xi32, #tpu.memory_space<hbm>>) dst(%arg7 : memref<128x256xi32, #tpu.memory_space<vmem>>)
    %mul3A_50 = arith.constant 8 : i32
    %mul3A_51 = arith.muli %add3A, %mul3A_50 : i32
    %add3A_52 = arith.constant 1 : i32
    %add3A_53 = arith.addi %mul3A_51, %add3A_52 : i32
    %mul3A_54 = arith.constant 128 : i32
    %mul3A_55 = arith.muli %add3A_53, %mul3A_54 : i32
    %dma_start3A_56 = arith.constant 0 : i32
    %dma_start3A_57 = tpu.memref_slice %arg4[%mul3A_55, %dma_start3A_56] : memref<32768x256xi32, #tpu.memory_space<hbm>> -> memref<128x256xi32, #tpu.memory_space<hbm>>
    %dma_start3A_58 = arith.constant 0 : i32
    %dma_start3A_59 = tpu.memref_slice %arg4[%mul3A_55, %dma_start3A_58] : memref<32768x256xi32, #tpu.memory_space<hbm>> -> memref<128x256xi32, #tpu.memory_space<hbm>>
    tpu.enqueue_dma source(%arg7 : memref<128x256xi32, #tpu.memory_space<vmem>>) target(%dma_start3A_59 : memref<128x256xi32, #tpu.memory_space<hbm>>) target_semaphore(%arg11 : memref<!tpu.dma_semaphore, #tpu.memory_space<semaphore_mem>>)
    %dma_wait3A_60 = arith.constant 0 : i32
    %dma_wait3A_61 = tpu.memref_slice %arg4[%mul3A_55, %dma_wait3A_60] : memref<32768x256xi32, #tpu.memory_space<hbm>> -> memref<128x256xi32, #tpu.memory_space<hbm>>
    %dma_wait3A_62 = arith.constant 0 : i32
    %dma_wait3A_63 = tpu.memref_slice %arg4[%mul3A_55, %dma_wait3A_62] : memref<32768x256xi32, #tpu.memory_space<hbm>> -> memref<128x256xi32, #tpu.memory_space<hbm>>
    tpu.wait_dma2 semaphore(%arg11 : memref<!tpu.dma_semaphore, #tpu.memory_space<semaphore_mem>>) src(%arg7 : memref<128x256xi32, #tpu.memory_space<vmem>>) dst(%dma_wait3A_63 : memref<128x256xi32, #tpu.memory_space<hbm>>)
    %dma_start3A_64 = arith.constant 3 : i32
    %dma_start3A_65 = arith.constant 0 : i32
    %dma_start3A_66 = tpu.memref_slice %arg5[%dma_start3A_64, %dma_start3A_65] : memref<8x128xi32, #tpu.memory_space<vmem>> -> memref<1x128xi32, #tpu.memory_space<vmem>>
    %dma_start3A_67 = tpu.memref_squeeze %dma_start3A_66 : memref<1x128xi32, #tpu.memory_space<vmem>> -> memref<128xi32, #tpu.memory_space<vmem>>
    %dma_start3A_68 = arith.constant 0 : i32
    %dma_start3A_69 = arith.constant 0 : i32
    %dma_start3A_70 = tpu.memref_slice %arg2[%dma_start3A_68, %dma_start3A_69] : memref<2048x256xi32, #tpu.memory_space<hbm>> -> memref<2048x256xi32, #tpu.memory_space<hbm>>
    tpu.enqueue_indirect_dma source(%dma_start3A_70 : memref<2048x256xi32, #tpu.memory_space<hbm>>) target(%arg7 : memref<128x256xi32, #tpu.memory_space<vmem>>) offsets(%dma_start3A_67 : memref<128xi32, #tpu.memory_space<vmem>>) semaphore(%arg9 : memref<!tpu.dma_semaphore, #tpu.memory_space<semaphore_mem>>)
    %dma_wait3A_71 = arith.constant 2 : i32
    %dma_wait3A_72 = arith.constant 0 : i32
    %dma_wait3A_73 = tpu.memref_slice %arg5[%dma_wait3A_71, %dma_wait3A_72] : memref<8x128xi32, #tpu.memory_space<vmem>> -> memref<1x128xi32, #tpu.memory_space<vmem>>
    %dma_wait3A_74 = tpu.memref_squeeze %dma_wait3A_73 : memref<1x128xi32, #tpu.memory_space<vmem>> -> memref<128xi32, #tpu.memory_space<vmem>>
    %dma_wait3A_75 = arith.constant 0 : i32
    %dma_wait3A_76 = arith.constant 0 : i32
    %dma_wait3A_77 = tpu.memref_slice %arg2[%dma_wait3A_75, %dma_wait3A_76] : memref<2048x256xi32, #tpu.memory_space<hbm>> -> memref<2048x256xi32, #tpu.memory_space<hbm>>
    tpu.wait_indirect_dma semaphore(%arg8 : memref<!tpu.dma_semaphore, #tpu.memory_space<semaphore_mem>>) src(%dma_wait3A_77 : memref<2048x256xi32, #tpu.memory_space<hbm>>) dst(%arg6 : memref<128x256xi32, #tpu.memory_space<vmem>>)
    %mul3A_78 = arith.constant 8 : i32
    %mul3A_79 = arith.muli %add3A, %mul3A_78 : i32
    %add3A_80 = arith.constant 2 : i32
    %add3A_81 = arith.addi %mul3A_79, %add3A_80 : i32
    %mul3A_82 = arith.constant 128 : i32
    %mul3A_83 = arith.muli %add3A_81, %mul3A_82 : i32
    %dma_start3A_84 = arith.constant 0 : i32
    %dma_start3A_85 = tpu.memref_slice %arg4[%mul3A_83, %dma_start3A_84] : memref<32768x256xi32, #tpu.memory_space<hbm>> -> memref<128x256xi32, #tpu.memory_space<hbm>>
    %dma_start3A_86 = arith.constant 0 : i32
    %dma_start3A_87 = tpu.memref_slice %arg4[%mul3A_83, %dma_start3A_86] : memref<32768x256xi32, #tpu.memory_space<hbm>> -> memref<128x256xi32, #tpu.memory_space<hbm>>
    tpu.enqueue_dma source(%arg6 : memref<128x256xi32, #tpu.memory_space<vmem>>) target(%dma_start3A_87 : memref<128x256xi32, #tpu.memory_space<hbm>>) target_semaphore(%arg10 : memref<!tpu.dma_semaphore, #tpu.memory_space<semaphore_mem>>)
    %dma_wait3A_88 = arith.constant 0 : i32
    %dma_wait3A_89 = tpu.memref_slice %arg4[%mul3A_83, %dma_wait3A_88] : memref<32768x256xi32, #tpu.memory_space<hbm>> -> memref<128x256xi32, #tpu.memory_space<hbm>>
    %dma_wait3A_90 = arith.constant 0 : i32
    %dma_wait3A_91 = tpu.memref_slice %arg4[%mul3A_83, %dma_wait3A_90] : memref<32768x256xi32, #tpu.memory_space<hbm>> -> memref<128x256xi32, #tpu.memory_space<hbm>>
    tpu.wait_dma2 semaphore(%arg10 : memref<!tpu.dma_semaphore, #tpu.memory_space<semaphore_mem>>) src(%arg6 : memref<128x256xi32, #tpu.memory_space<vmem>>) dst(%dma_wait3A_91 : memref<128x256xi32, #tpu.memory_space<hbm>>)
    %dma_start3A_92 = arith.constant 4 : i32
    %dma_start3A_93 = arith.constant 0 : i32
    %dma_start3A_94 = tpu.memref_slice %arg5[%dma_start3A_92, %dma_start3A_93] : memref<8x128xi32, #tpu.memory_space<vmem>> -> memref<1x128xi32, #tpu.memory_space<vmem>>
    %dma_start3A_95 = tpu.memref_squeeze %dma_start3A_94 : memref<1x128xi32, #tpu.memory_space<vmem>> -> memref<128xi32, #tpu.memory_space<vmem>>
    %dma_start3A_96 = arith.constant 0 : i32
    %dma_start3A_97 = arith.constant 0 : i32
    %dma_start3A_98 = tpu.memref_slice %arg2[%dma_start3A_96, %dma_start3A_97] : memref<2048x256xi32, #tpu.memory_space<hbm>> -> memref<2048x256xi32, #tpu.memory_space<hbm>>
    tpu.enqueue_indirect_dma source(%dma_start3A_98 : memref<2048x256xi32, #tpu.memory_space<hbm>>) target(%arg6 : memref<128x256xi32, #tpu.memory_space<vmem>>) offsets(%dma_start3A_95 : memref<128xi32, #tpu.memory_space<vmem>>) semaphore(%arg8 : memref<!tpu.dma_semaphore, #tpu.memory_space<semaphore_mem>>)
    %dma_wait3A_99 = arith.constant 3 : i32
    %dma_wait3A_100 = arith.constant 0 : i32
    %dma_wait3A_101 = tpu.memref_slice %arg5[%dma_wait3A_99, %dma_wait3A_100] : memref<8x128xi32, #tpu.memory_space<vmem>> -> memref<1x128xi32, #tpu.memory_space<vmem>>
    %dma_wait3A_102 = tpu.memref_squeeze %dma_wait3A_101 : memref<1x128xi32, #tpu.memory_space<vmem>> -> memref<128xi32, #tpu.memory_space<vmem>>
    %dma_wait3A_103 = arith.constant 0 : i32
    %dma_wait3A_104 = arith.constant 0 : i32
    %dma_wait3A_105 = tpu.memref_slice %arg2[%dma_wait3A_103, %dma_wait3A_104] : memref<2048x256xi32, #tpu.memory_space<hbm>> -> memref<2048x256xi32, #tpu.memory_space<hbm>>
    tpu.wait_indirect_dma semaphore(%arg9 : memref<!tpu.dma_semaphore, #tpu.memory_space<semaphore_mem>>) src(%dma_wait3A_105 : memref<2048x256xi32, #tpu.memory_space<hbm>>) dst(%arg7 : memref<128x256xi32, #tpu.memory_space<vmem>>)
    %mul3A_106 = arith.constant 8 : i32
    %mul3A_107 = arith.muli %add3A, %mul3A_106 : i32
    %add3A_108 = arith.constant 3 : i32
    %add3A_109 = arith.addi %mul3A_107, %add3A_108 : i32
    %mul3A_110 = arith.constant 128 : i32
    %mul3A_111 = arith.muli %add3A_109, %mul3A_110 : i32
    %dma_start3A_112 = arith.constant 0 : i32
    %dma_start3A_113 = tpu.memref_slice %arg4[%mul3A_111, %dma_start3A_112] : memref<32768x256xi32, #tpu.memory_space<hbm>> -> memref<128x256xi32, #tpu.memory_space<hbm>>
    %dma_start3A_114 = arith.constant 0 : i32
    %dma_start3A_115 = tpu.memref_slice %arg4[%mul3A_111, %dma_start3A_114] : memref<32768x256xi32, #tpu.memory_space<hbm>> -> memref<128x256xi32, #tpu.memory_space<hbm>>
    tpu.enqueue_dma source(%arg7 : memref<128x256xi32, #tpu.memory_space<vmem>>) target(%dma_start3A_115 : memref<128x256xi32, #tpu.memory_space<hbm>>) target_semaphore(%arg11 : memref<!tpu.dma_semaphore, #tpu.memory_space<semaphore_mem>>)
    %dma_wait3A_116 = arith.constant 0 : i32
    %dma_wait3A_117 = tpu.memref_slice %arg4[%mul3A_111, %dma_wait3A_116] : memref<32768x256xi32, #tpu.memory_space<hbm>> -> memref<128x256xi32, #tpu.memory_space<hbm>>
    %dma_wait3A_118 = arith.constant 0 : i32
    %dma_wait3A_119 = tpu.memref_slice %arg4[%mul3A_111, %dma_wait3A_118] : memref<32768x256xi32, #tpu.memory_space<hbm>> -> memref<128x256xi32, #tpu.memory_space<hbm>>
    tpu.wait_dma2 semaphore(%arg11 : memref<!tpu.dma_semaphore, #tpu.memory_space<semaphore_mem>>) src(%arg7 : memref<128x256xi32, #tpu.memory_space<vmem>>) dst(%dma_wait3A_119 : memref<128x256xi32, #tpu.memory_space<hbm>>)
    %dma_start3A_120 = arith.constant 5 : i32
    %dma_start3A_121 = arith.constant 0 : i32
    %dma_start3A_122 = tpu.memref_slice %arg5[%dma_start3A_120, %dma_start3A_121] : memref<8x128xi32, #tpu.memory_space<vmem>> -> memref<1x128xi32, #tpu.memory_space<vmem>>
    %dma_start3A_123 = tpu.memref_squeeze %dma_start3A_122 : memref<1x128xi32, #tpu.memory_space<vmem>> -> memref<128xi32, #tpu.memory_space<vmem>>
    %dma_start3A_124 = arith.constant 0 : i32
    %dma_start3A_125 = arith.constant 0 : i32
    %dma_start3A_126 = tpu.memref_slice %arg2[%dma_start3A_124, %dma_start3A_125] : memref<2048x256xi32, #tpu.memory_space<hbm>> -> memref<2048x256xi32, #tpu.memory_space<hbm>>
    tpu.enqueue_indirect_dma source(%dma_start3A_126 : memref<2048x256xi32, #tpu.memory_space<hbm>>) target(%arg7 : memref<128x256xi32, #tpu.memory_space<vmem>>) offsets(%dma_start3A_123 : memref<128xi32, #tpu.memory_space<vmem>>) semaphore(%arg9 : memref<!tpu.dma_semaphore, #tpu.memory_space<semaphore_mem>>)
    %dma_wait3A_127 = arith.constant 4 : i32
    %dma_wait3A_128 = arith.constant 0 : i32
    %dma_wait3A_129 = tpu.memref_slice %arg5[%dma_wait3A_127, %dma_wait3A_128] : memref<8x128xi32, #tpu.memory_space<vmem>> -> memref<1x128xi32, #tpu.memory_space<vmem>>
    %dma_wait3A_130 = tpu.memref_squeeze %dma_wait3A_129 : memref<1x128xi32, #tpu.memory_space<vmem>> -> memref<128xi32, #tpu.memory_space<vmem>>
    %dma_wait3A_131 = arith.constant 0 : i32
    %dma_wait3A_132 = arith.constant 0 : i32
    %dma_wait3A_133 = tpu.memref_slice %arg2[%dma_wait3A_131, %dma_wait3A_132] : memref<2048x256xi32, #tpu.memory_space<hbm>> -> memref<2048x256xi32, #tpu.memory_space<hbm>>
    tpu.wait_indirect_dma semaphore(%arg8 : memref<!tpu.dma_semaphore, #tpu.memory_space<semaphore_mem>>) src(%dma_wait3A_133 : memref<2048x256xi32, #tpu.memory_space<hbm>>) dst(%arg6 : memref<128x256xi32, #tpu.memory_space<vmem>>)
    %mul3A_134 = arith.constant 8 : i32
    %mul3A_135 = arith.muli %add3A, %mul3A_134 : i32
    %add3A_136 = arith.constant 4 : i32
    %add3A_137 = arith.addi %mul3A_135, %add3A_136 : i32
    %mul3A_138 = arith.constant 128 : i32
    %mul3A_139 = arith.muli %add3A_137, %mul3A_138 : i32
    %dma_start3A_140 = arith.constant 0 : i32
    %dma_start3A_141 = tpu.memref_slice %arg4[%mul3A_139, %dma_start3A_140] : memref<32768x256xi32, #tpu.memory_space<hbm>> -> memref<128x256xi32, #tpu.memory_space<hbm>>
    %dma_start3A_142 = arith.constant 0 : i32
    %dma_start3A_143 = tpu.memref_slice %arg4[%mul3A_139, %dma_start3A_142] : memref<32768x256xi32, #tpu.memory_space<hbm>> -> memref<128x256xi32, #tpu.memory_space<hbm>>
    tpu.enqueue_dma source(%arg6 : memref<128x256xi32, #tpu.memory_space<vmem>>) target(%dma_start3A_143 : memref<128x256xi32, #tpu.memory_space<hbm>>) target_semaphore(%arg10 : memref<!tpu.dma_semaphore, #tpu.memory_space<semaphore_mem>>)
    %dma_wait3A_144 = arith.constant 0 : i32
    %dma_wait3A_145 = tpu.memref_slice %arg4[%mul3A_139, %dma_wait3A_144] : memref<32768x256xi32, #tpu.memory_space<hbm>> -> memref<128x256xi32, #tpu.memory_space<hbm>>
    %dma_wait3A_146 = arith.constant 0 : i32
    %dma_wait3A_147 = tpu.memref_slice %arg4[%mul3A_139, %dma_wait3A_146] : memref<32768x256xi32, #tpu.memory_space<hbm>> -> memref<128x256xi32, #tpu.memory_space<hbm>>
    tpu.wait_dma2 semaphore(%arg10 : memref<!tpu.dma_semaphore, #tpu.memory_space<semaphore_mem>>) src(%arg6 : memref<128x256xi32, #tpu.memory_space<vmem>>) dst(%dma_wait3A_147 : memref<128x256xi32, #tpu.memory_space<hbm>>)
    %dma_start3A_148 = arith.constant 6 : i32
    %dma_start3A_149 = arith.constant 0 : i32
    %dma_start3A_150 = tpu.memref_slice %arg5[%dma_start3A_148, %dma_start3A_149] : memref<8x128xi32, #tpu.memory_space<vmem>> -> memref<1x128xi32, #tpu.memory_space<vmem>>
    %dma_start3A_151 = tpu.memref_squeeze %dma_start3A_150 : memref<1x128xi32, #tpu.memory_space<vmem>> -> memref<128xi32, #tpu.memory_space<vmem>>
    %dma_start3A_152 = arith.constant 0 : i32
    %dma_start3A_153 = arith.constant 0 : i32
    %dma_start3A_154 = tpu.memref_slice %arg2[%dma_start3A_152, %dma_start3A_153] : memref<2048x256xi32, #tpu.memory_space<hbm>> -> memref<2048x256xi32, #tpu.memory_space<hbm>>
    tpu.enqueue_indirect_dma source(%dma_start3A_154 : memref<2048x256xi32, #tpu.memory_space<hbm>>) target(%arg6 : memref<128x256xi32, #tpu.memory_space<vmem>>) offsets(%dma_start3A_151 : memref<128xi32, #tpu.memory_space<vmem>>) semaphore(%arg8 : memref<!tpu.dma_semaphore, #tpu.memory_space<semaphore_mem>>)
    %dma_wait3A_155 = arith.constant 5 : i32
    %dma_wait3A_156 = arith.constant 0 : i32
    %dma_wait3A_157 = tpu.memref_slice %arg5[%dma_wait3A_155, %dma_wait3A_156] : memref<8x128xi32, #tpu.memory_space<vmem>> -> memref<1x128xi32, #tpu.memory_space<vmem>>
    %dma_wait3A_158 = tpu.memref_squeeze %dma_wait3A_157 : memref<1x128xi32, #tpu.memory_space<vmem>> -> memref<128xi32, #tpu.memory_space<vmem>>
    %dma_wait3A_159 = arith.constant 0 : i32
    %dma_wait3A_160 = arith.constant 0 : i32
    %dma_wait3A_161 = tpu.memref_slice %arg2[%dma_wait3A_159, %dma_wait3A_160] : memref<2048x256xi32, #tpu.memory_space<hbm>> -> memref<2048x256xi32, #tpu.memory_space<hbm>>
    tpu.wait_indirect_dma semaphore(%arg9 : memref<!tpu.dma_semaphore, #tpu.memory_space<semaphore_mem>>) src(%dma_wait3A_161 : memref<2048x256xi32, #tpu.memory_space<hbm>>) dst(%arg7 : memref<128x256xi32, #tpu.memory_space<vmem>>)
    %mul3A_162 = arith.constant 8 : i32
    %mul3A_163 = arith.muli %add3A, %mul3A_162 : i32
    %add3A_164 = arith.constant 5 : i32
    %add3A_165 = arith.addi %mul3A_163, %add3A_164 : i32
    %mul3A_166 = arith.constant 128 : i32
    %mul3A_167 = arith.muli %add3A_165, %mul3A_166 : i32
    %dma_start3A_168 = arith.constant 0 : i32
    %dma_start3A_169 = tpu.memref_slice %arg4[%mul3A_167, %dma_start3A_168] : memref<32768x256xi32, #tpu.memory_space<hbm>> -> memref<128x256xi32, #tpu.memory_space<hbm>>
    %dma_start3A_170 = arith.constant 0 : i32
    %dma_start3A_171 = tpu.memref_slice %arg4[%mul3A_167, %dma_start3A_170] : memref<32768x256xi32, #tpu.memory_space<hbm>> -> memref<128x256xi32, #tpu.memory_space<hbm>>
    tpu.enqueue_dma source(%arg7 : memref<128x256xi32, #tpu.memory_space<vmem>>) target(%dma_start3A_171 : memref<128x256xi32, #tpu.memory_space<hbm>>) target_semaphore(%arg11 : memref<!tpu.dma_semaphore, #tpu.memory_space<semaphore_mem>>)
    %dma_wait3A_172 = arith.constant 0 : i32
    %dma_wait3A_173 = tpu.memref_slice %arg4[%mul3A_167, %dma_wait3A_172] : memref<32768x256xi32, #tpu.memory_space<hbm>> -> memref<128x256xi32, #tpu.memory_space<hbm>>
    %dma_wait3A_174 = arith.constant 0 : i32
    %dma_wait3A_175 = tpu.memref_slice %arg4[%mul3A_167, %dma_wait3A_174] : memref<32768x256xi32, #tpu.memory_space<hbm>> -> memref<128x256xi32, #tpu.memory_space<hbm>>
    tpu.wait_dma2 semaphore(%arg11 : memref<!tpu.dma_semaphore, #tpu.memory_space<semaphore_mem>>) src(%arg7 : memref<128x256xi32, #tpu.memory_space<vmem>>) dst(%dma_wait3A_175 : memref<128x256xi32, #tpu.memory_space<hbm>>)
    %dma_start3A_176 = arith.constant 7 : i32
    %dma_start3A_177 = arith.constant 0 : i32
    %dma_start3A_178 = tpu.memref_slice %arg5[%dma_start3A_176, %dma_start3A_177] : memref<8x128xi32, #tpu.memory_space<vmem>> -> memref<1x128xi32, #tpu.memory_space<vmem>>
    %dma_start3A_179 = tpu.memref_squeeze %dma_start3A_178 : memref<1x128xi32, #tpu.memory_space<vmem>> -> memref<128xi32, #tpu.memory_space<vmem>>
    %dma_start3A_180 = arith.constant 0 : i32
    %dma_start3A_181 = arith.constant 0 : i32
    %dma_start3A_182 = tpu.memref_slice %arg2[%dma_start3A_180, %dma_start3A_181] : memref<2048x256xi32, #tpu.memory_space<hbm>> -> memref<2048x256xi32, #tpu.memory_space<hbm>>
    tpu.enqueue_indirect_dma source(%dma_start3A_182 : memref<2048x256xi32, #tpu.memory_space<hbm>>) target(%arg7 : memref<128x256xi32, #tpu.memory_space<vmem>>) offsets(%dma_start3A_179 : memref<128xi32, #tpu.memory_space<vmem>>) semaphore(%arg9 : memref<!tpu.dma_semaphore, #tpu.memory_space<semaphore_mem>>)
    %dma_wait3A_183 = arith.constant 6 : i32
    %dma_wait3A_184 = arith.constant 0 : i32
    %dma_wait3A_185 = tpu.memref_slice %arg5[%dma_wait3A_183, %dma_wait3A_184] : memref<8x128xi32, #tpu.memory_space<vmem>> -> memref<1x128xi32, #tpu.memory_space<vmem>>
    %dma_wait3A_186 = tpu.memref_squeeze %dma_wait3A_185 : memref<1x128xi32, #tpu.memory_space<vmem>> -> memref<128xi32, #tpu.memory_space<vmem>>
    %dma_wait3A_187 = arith.constant 0 : i32
    %dma_wait3A_188 = arith.constant 0 : i32
    %dma_wait3A_189 = tpu.memref_slice %arg2[%dma_wait3A_187, %dma_wait3A_188] : memref<2048x256xi32, #tpu.memory_space<hbm>> -> memref<2048x256xi32, #tpu.memory_space<hbm>>
    tpu.wait_indirect_dma semaphore(%arg8 : memref<!tpu.dma_semaphore, #tpu.memory_space<semaphore_mem>>) src(%dma_wait3A_189 : memref<2048x256xi32, #tpu.memory_space<hbm>>) dst(%arg6 : memref<128x256xi32, #tpu.memory_space<vmem>>)
    %mul3A_190 = arith.constant 8 : i32
    %mul3A_191 = arith.muli %add3A, %mul3A_190 : i32
    %add3A_192 = arith.constant 6 : i32
    %add3A_193 = arith.addi %mul3A_191, %add3A_192 : i32
    %mul3A_194 = arith.constant 128 : i32
    %mul3A_195 = arith.muli %add3A_193, %mul3A_194 : i32
    %dma_start3A_196 = arith.constant 0 : i32
    %dma_start3A_197 = tpu.memref_slice %arg4[%mul3A_195, %dma_start3A_196] : memref<32768x256xi32, #tpu.memory_space<hbm>> -> memref<128x256xi32, #tpu.memory_space<hbm>>
    %dma_start3A_198 = arith.constant 0 : i32
    %dma_start3A_199 = tpu.memref_slice %arg4[%mul3A_195, %dma_start3A_198] : memref<32768x256xi32, #tpu.memory_space<hbm>> -> memref<128x256xi32, #tpu.memory_space<hbm>>
    tpu.enqueue_dma source(%arg6 : memref<128x256xi32, #tpu.memory_space<vmem>>) target(%dma_start3A_199 : memref<128x256xi32, #tpu.memory_space<hbm>>) target_semaphore(%arg10 : memref<!tpu.dma_semaphore, #tpu.memory_space<semaphore_mem>>)
    %dma_wait3A_200 = arith.constant 7 : i32
    %dma_wait3A_201 = arith.constant 0 : i32
    %dma_wait3A_202 = tpu.memref_slice %arg5[%dma_wait3A_200, %dma_wait3A_201] : memref<8x128xi32, #tpu.memory_space<vmem>> -> memref<1x128xi32, #tpu.memory_space<vmem>>
    %dma_wait3A_203 = tpu.memref_squeeze %dma_wait3A_202 : memref<1x128xi32, #tpu.memory_space<vmem>> -> memref<128xi32, #tpu.memory_space<vmem>>
    %dma_wait3A_204 = arith.constant 0 : i32
    %dma_wait3A_205 = arith.constant 0 : i32
    %dma_wait3A_206 = tpu.memref_slice %arg2[%dma_wait3A_204, %dma_wait3A_205] : memref<2048x256xi32, #tpu.memory_space<hbm>> -> memref<2048x256xi32, #tpu.memory_space<hbm>>
    tpu.wait_indirect_dma semaphore(%arg9 : memref<!tpu.dma_semaphore, #tpu.memory_space<semaphore_mem>>) src(%dma_wait3A_206 : memref<2048x256xi32, #tpu.memory_space<hbm>>) dst(%arg7 : memref<128x256xi32, #tpu.memory_space<vmem>>)
    %mul3A_207 = arith.constant 8 : i32
    %mul3A_208 = arith.muli %add3A, %mul3A_207 : i32
    %add3A_209 = arith.constant 7 : i32
    %add3A_210 = arith.addi %mul3A_208, %add3A_209 : i32
    %mul3A_211 = arith.constant 128 : i32
    %mul3A_212 = arith.muli %add3A_210, %mul3A_211 : i32
    %dma_start3A_213 = arith.constant 0 : i32
    %dma_start3A_214 = tpu.memref_slice %arg4[%mul3A_212, %dma_start3A_213] : memref<32768x256xi32, #tpu.memory_space<hbm>> -> memref<128x256xi32, #tpu.memory_space<hbm>>
    %dma_start3A_215 = arith.constant 0 : i32
    %dma_start3A_216 = tpu.memref_slice %arg4[%mul3A_212, %dma_start3A_215] : memref<32768x256xi32, #tpu.memory_space<hbm>> -> memref<128x256xi32, #tpu.memory_space<hbm>>
    tpu.enqueue_dma source(%arg7 : memref<128x256xi32, #tpu.memory_space<vmem>>) target(%dma_start3A_216 : memref<128x256xi32, #tpu.memory_space<hbm>>) target_semaphore(%arg11 : memref<!tpu.dma_semaphore, #tpu.memory_space<semaphore_mem>>)
    %dma_wait3A_217 = arith.constant 0 : i32
    %dma_wait3A_218 = tpu.memref_slice %arg4[%mul3A_212, %dma_wait3A_217] : memref<32768x256xi32, #tpu.memory_space<hbm>> -> memref<128x256xi32, #tpu.memory_space<hbm>>
    %dma_wait3A_219 = arith.constant 0 : i32
    %dma_wait3A_220 = tpu.memref_slice %arg4[%mul3A_212, %dma_wait3A_219] : memref<32768x256xi32, #tpu.memory_space<hbm>> -> memref<128x256xi32, #tpu.memory_space<hbm>>
    tpu.wait_dma2 semaphore(%arg11 : memref<!tpu.dma_semaphore, #tpu.memory_space<semaphore_mem>>) src(%arg7 : memref<128x256xi32, #tpu.memory_space<vmem>>) dst(%dma_wait3A_220 : memref<128x256xi32, #tpu.memory_space<hbm>>)
    %dma_wait3A_221 = arith.constant 0 : i32
    %dma_wait3A_222 = tpu.memref_slice %arg4[%mul3A_195, %dma_wait3A_221] : memref<32768x256xi32, #tpu.memory_space<hbm>> -> memref<128x256xi32, #tpu.memory_space<hbm>>
    %dma_wait3A_223 = arith.constant 0 : i32
    %dma_wait3A_224 = tpu.memref_slice %arg4[%mul3A_195, %dma_wait3A_223] : memref<32768x256xi32, #tpu.memory_space<hbm>> -> memref<128x256xi32, #tpu.memory_space<hbm>>
    tpu.wait_dma2 semaphore(%arg10 : memref<!tpu.dma_semaphore, #tpu.memory_space<semaphore_mem>>) src(%arg6 : memref<128x256xi32, #tpu.memory_space<vmem>>) dst(%dma_wait3A_224 : memref<128x256xi32, #tpu.memory_space<hbm>>)
    return
  }
}

module attributes {stable_mosaic.version = 14 : i64} {
  func.func @_topk_body(%arg0: i32, %arg1: i32, %arg2: memref<256x128xf32, #tpu.memory_space<vmem>>, %arg3: memref<1x8x1024xf32, #tpu.memory_space<vmem>>, %arg4: memref<1x256x16xi32, #tpu.memory_space<vmem>>) attributes {dimension_semantics = [#tpu.dimension_semantics<arbitrary>, #tpu.dimension_semantics<arbitrary>], iteration_bounds = array<i64: 2, 4>, scalar_prefetch = 0 : i64, scratch_operands = 0 : i64, tpu.core_type = #tpu.core_type<tc>, window_params = [{transform_indices = @transform_0, window_bounds = array<i64: 256, 128>}, {transform_indices = @transform_1, window_bounds = array<i64: 1, 8, 1024>}, {transform_indices = @transform_2, window_bounds = array<i64: 1, 256, 16>}]} {
    %get3A = arith.constant 0 : index
    %get3A_0 = arith.constant 0 : index
    %get3A_1 = vector.load %arg2[%get3A, %get3A_0] : memref<256x128xf32, #tpu.memory_space<vmem>>, vector<256x128xf32>
    %get3A_2 = arith.constant 0 : index
    %get3A_3 = arith.constant 0 : index
    %get3A_4 = arith.constant 0 : index
    %get3A_5 = vector.load %arg3[%get3A_2, %get3A_3, %get3A_4] : memref<1x8x1024xf32, #tpu.memory_space<vmem>>, vector<1x8x1024xf32>
    %get3A_6 = vector.shape_cast %get3A_5 : vector<1x8x1024xf32> to vector<8x1024xf32>
    %slice3A = vector.extract_strided_slice %get3A_1 {offsets = [0, 0], sizes = [256, 1], strides = [1, 1]} : vector<256x128xf32> to vector<256x1xf32>
    %slice3A_7 = vector.extract_strided_slice %get3A_1 {offsets = [0, 1], sizes = [256, 1], strides = [1, 1]} : vector<256x128xf32> to vector<256x1xf32>
    %slice3A_8 = vector.extract_strided_slice %get3A_1 {offsets = [0, 2], sizes = [256, 1], strides = [1, 1]} : vector<256x128xf32> to vector<256x1xf32>
    %slice3A_9 = vector.extract_strided_slice %get3A_6 {offsets = [0, 0], sizes = [1, 1024], strides = [1, 1]} : vector<8x1024xf32> to vector<1x1024xf32>
    %slice3A_10 = vector.extract_strided_slice %get3A_6 {offsets = [1, 0], sizes = [1, 1024], strides = [1, 1]} : vector<8x1024xf32> to vector<1x1024xf32>
    %slice3A_11 = vector.extract_strided_slice %get3A_6 {offsets = [2, 0], sizes = [1, 1024], strides = [1, 1]} : vector<8x1024xf32> to vector<1x1024xf32>
    %mul3A = arith.mulf %slice3A, %slice3A : vector<256x1xf32>
    %mul3A_12 = arith.mulf %slice3A_7, %slice3A_7 : vector<256x1xf32>
    %add3A = arith.addf %mul3A, %mul3A_12 : vector<256x1xf32>
    %mul3A_13 = arith.mulf %slice3A_8, %slice3A_8 : vector<256x1xf32>
    %add3A_14 = arith.addf %add3A, %mul3A_13 : vector<256x1xf32>
    %mul3A_15 = arith.mulf %slice3A_9, %slice3A_9 : vector<1x1024xf32>
    %mul3A_16 = arith.mulf %slice3A_10, %slice3A_10 : vector<1x1024xf32>
    %add3A_17 = arith.addf %mul3A_15, %mul3A_16 : vector<1x1024xf32>
    %mul3A_18 = arith.mulf %slice3A_11, %slice3A_11 : vector<1x1024xf32>
    %add3A_19 = arith.addf %add3A_17, %mul3A_18 : vector<1x1024xf32>
    %bitcast_convert_type3A = tpu.bitcast %slice3A : vector<256x1xf32> -> vector<256x1xi32>
    %add3A_20 = arith.constant 32767 : i32
    %add3A_21 = vector.broadcast %add3A_20 : i32 to vector<256x1xi32>
    %add3A_22 = arith.addi %bitcast_convert_type3A, %add3A_21 : vector<256x1xi32>
    %shift_right_logical3A = arith.constant 16 : i32
    %shift_right_logical3A_23 = vector.broadcast %shift_right_logical3A : i32 to vector<256x1xi32>
    %shift_right_logical3A_24 = arith.shrui %bitcast_convert_type3A, %shift_right_logical3A_23 : vector<256x1xi32>
    %and3A = arith.constant 1 : i32
    %and3A_25 = vector.broadcast %and3A : i32 to vector<256x1xi32>
    %and3A_26 = arith.andi %shift_right_logical3A_24, %and3A_25 : vector<256x1xi32>
    %add3A_27 = arith.addi %add3A_22, %and3A_26 : vector<256x1xi32>
    %and3A_28 = arith.constant -65536 : i32
    %and3A_29 = vector.broadcast %and3A_28 : i32 to vector<256x1xi32>
    %and3A_30 = arith.andi %add3A_27, %and3A_29 : vector<256x1xi32>
    %bitcast_convert_type3A_31 = tpu.bitcast %and3A_30 : vector<256x1xi32> -> vector<256x1xf32>
    %bitcast_convert_type3A_32 = tpu.bitcast %slice3A_7 : vector<256x1xf32> -> vector<256x1xi32>
    %add3A_33 = arith.constant 32767 : i32
    %add3A_34 = vector.broadcast %add3A_33 : i32 to vector<256x1xi32>
    %add3A_35 = arith.addi %bitcast_convert_type3A_32, %add3A_34 : vector<256x1xi32>
    %shift_right_logical3A_36 = arith.constant 16 : i32
    %shift_right_logical3A_37 = vector.broadcast %shift_right_logical3A_36 : i32 to vector<256x1xi32>
    %shift_right_logical3A_38 = arith.shrui %bitcast_convert_type3A_32, %shift_right_logical3A_37 : vector<256x1xi32>
    %and3A_39 = arith.constant 1 : i32
    %and3A_40 = vector.broadcast %and3A_39 : i32 to vector<256x1xi32>
    %and3A_41 = arith.andi %shift_right_logical3A_38, %and3A_40 : vector<256x1xi32>
    %add3A_42 = arith.addi %add3A_35, %and3A_41 : vector<256x1xi32>
    %and3A_43 = arith.constant -65536 : i32
    %and3A_44 = vector.broadcast %and3A_43 : i32 to vector<256x1xi32>
    %and3A_45 = arith.andi %add3A_42, %and3A_44 : vector<256x1xi32>
    %bitcast_convert_type3A_46 = tpu.bitcast %and3A_45 : vector<256x1xi32> -> vector<256x1xf32>
    %bitcast_convert_type3A_47 = tpu.bitcast %slice3A_8 : vector<256x1xf32> -> vector<256x1xi32>
    %add3A_48 = arith.constant 32767 : i32
    %add3A_49 = vector.broadcast %add3A_48 : i32 to vector<256x1xi32>
    %add3A_50 = arith.addi %bitcast_convert_type3A_47, %add3A_49 : vector<256x1xi32>
    %shift_right_logical3A_51 = arith.constant 16 : i32
    %shift_right_logical3A_52 = vector.broadcast %shift_right_logical3A_51 : i32 to vector<256x1xi32>
    %shift_right_logical3A_53 = arith.shrui %bitcast_convert_type3A_47, %shift_right_logical3A_52 : vector<256x1xi32>
    %and3A_54 = arith.constant 1 : i32
    %and3A_55 = vector.broadcast %and3A_54 : i32 to vector<256x1xi32>
    %and3A_56 = arith.andi %shift_right_logical3A_53, %and3A_55 : vector<256x1xi32>
    %add3A_57 = arith.addi %add3A_50, %and3A_56 : vector<256x1xi32>
    %and3A_58 = arith.constant -65536 : i32
    %and3A_59 = vector.broadcast %and3A_58 : i32 to vector<256x1xi32>
    %and3A_60 = arith.andi %add3A_57, %and3A_59 : vector<256x1xi32>
    %bitcast_convert_type3A_61 = tpu.bitcast %and3A_60 : vector<256x1xi32> -> vector<256x1xf32>
    %bitcast_convert_type3A_62 = tpu.bitcast %slice3A_9 : vector<1x1024xf32> -> vector<1x1024xi32>
    %add3A_63 = arith.constant 32767 : i32
    %add3A_64 = vector.broadcast %add3A_63 : i32 to vector<1x1024xi32>
    %add3A_65 = arith.addi %bitcast_convert_type3A_62, %add3A_64 : vector<1x1024xi32>
    %shift_right_logical3A_66 = arith.constant 16 : i32
    %shift_right_logical3A_67 = vector.broadcast %shift_right_logical3A_66 : i32 to vector<1x1024xi32>
    %shift_right_logical3A_68 = arith.shrui %bitcast_convert_type3A_62, %shift_right_logical3A_67 : vector<1x1024xi32>
    %and3A_69 = arith.constant 1 : i32
    %and3A_70 = vector.broadcast %and3A_69 : i32 to vector<1x1024xi32>
    %and3A_71 = arith.andi %shift_right_logical3A_68, %and3A_70 : vector<1x1024xi32>
    %add3A_72 = arith.addi %add3A_65, %and3A_71 : vector<1x1024xi32>
    %and3A_73 = arith.constant -65536 : i32
    %and3A_74 = vector.broadcast %and3A_73 : i32 to vector<1x1024xi32>
    %and3A_75 = arith.andi %add3A_72, %and3A_74 : vector<1x1024xi32>
    %bitcast_convert_type3A_76 = tpu.bitcast %and3A_75 : vector<1x1024xi32> -> vector<1x1024xf32>
    %bitcast_convert_type3A_77 = tpu.bitcast %slice3A_10 : vector<1x1024xf32> -> vector<1x1024xi32>
    %add3A_78 = arith.constant 32767 : i32
    %add3A_79 = vector.broadcast %add3A_78 : i32 to vector<1x1024xi32>
    %add3A_80 = arith.addi %bitcast_convert_type3A_77, %add3A_79 : vector<1x1024xi32>
    %shift_right_logical3A_81 = arith.constant 16 : i32
    %shift_right_logical3A_82 = vector.broadcast %shift_right_logical3A_81 : i32 to vector<1x1024xi32>
    %shift_right_logical3A_83 = arith.shrui %bitcast_convert_type3A_77, %shift_right_logical3A_82 : vector<1x1024xi32>
    %and3A_84 = arith.constant 1 : i32
    %and3A_85 = vector.broadcast %and3A_84 : i32 to vector<1x1024xi32>
    %and3A_86 = arith.andi %shift_right_logical3A_83, %and3A_85 : vector<1x1024xi32>
    %add3A_87 = arith.addi %add3A_80, %and3A_86 : vector<1x1024xi32>
    %and3A_88 = arith.constant -65536 : i32
    %and3A_89 = vector.broadcast %and3A_88 : i32 to vector<1x1024xi32>
    %and3A_90 = arith.andi %add3A_87, %and3A_89 : vector<1x1024xi32>
    %bitcast_convert_type3A_91 = tpu.bitcast %and3A_90 : vector<1x1024xi32> -> vector<1x1024xf32>
    %bitcast_convert_type3A_92 = tpu.bitcast %slice3A_11 : vector<1x1024xf32> -> vector<1x1024xi32>
    %add3A_93 = arith.constant 32767 : i32
    %add3A_94 = vector.broadcast %add3A_93 : i32 to vector<1x1024xi32>
    %add3A_95 = arith.addi %bitcast_convert_type3A_92, %add3A_94 : vector<1x1024xi32>
    %shift_right_logical3A_96 = arith.constant 16 : i32
    %shift_right_logical3A_97 = vector.broadcast %shift_right_logical3A_96 : i32 to vector<1x1024xi32>
    %shift_right_logical3A_98 = arith.shrui %bitcast_convert_type3A_92, %shift_right_logical3A_97 : vector<1x1024xi32>
    %and3A_99 = arith.constant 1 : i32
    %and3A_100 = vector.broadcast %and3A_99 : i32 to vector<1x1024xi32>
    %and3A_101 = arith.andi %shift_right_logical3A_98, %and3A_100 : vector<1x1024xi32>
    %add3A_102 = arith.addi %add3A_95, %and3A_101 : vector<1x1024xi32>
    %and3A_103 = arith.constant -65536 : i32
    %and3A_104 = vector.broadcast %and3A_103 : i32 to vector<1x1024xi32>
    %and3A_105 = arith.andi %add3A_102, %and3A_104 : vector<1x1024xi32>
    %bitcast_convert_type3A_106 = tpu.bitcast %and3A_105 : vector<1x1024xi32> -> vector<1x1024xf32>
    %add3A_107 = vector.broadcast %add3A_14 : vector<256x1xf32> to vector<256x1024xf32>
    %add3A_108 = vector.broadcast %add3A_19 : vector<1x1024xf32> to vector<256x1024xf32>
    %add3A_109 = arith.addf %add3A_107, %add3A_108 : vector<256x1024xf32>
    %mul3A_110 = vector.broadcast %bitcast_convert_type3A_31 : vector<256x1xf32> to vector<256x1024xf32>
    %mul3A_111 = vector.broadcast %bitcast_convert_type3A_76 : vector<1x1024xf32> to vector<256x1024xf32>
    %mul3A_112 = arith.mulf %mul3A_110, %mul3A_111 : vector<256x1024xf32>
    %mul3A_113 = vector.broadcast %bitcast_convert_type3A_46 : vector<256x1xf32> to vector<256x1024xf32>
    %mul3A_114 = vector.broadcast %bitcast_convert_type3A_91 : vector<1x1024xf32> to vector<256x1024xf32>
    %mul3A_115 = arith.mulf %mul3A_113, %mul3A_114 : vector<256x1024xf32>
    %add3A_116 = arith.addf %mul3A_112, %mul3A_115 : vector<256x1024xf32>
    %mul3A_117 = vector.broadcast %bitcast_convert_type3A_61 : vector<256x1xf32> to vector<256x1024xf32>
    %mul3A_118 = vector.broadcast %bitcast_convert_type3A_106 : vector<1x1024xf32> to vector<256x1024xf32>
    %mul3A_119 = arith.mulf %mul3A_117, %mul3A_118 : vector<256x1024xf32>
    %add3A_120 = arith.addf %add3A_116, %mul3A_119 : vector<256x1024xf32>
    %mul3A_121 = arith.constant 2.000000e+00 : f32
    %mul3A_122 = vector.broadcast %mul3A_121 : f32 to vector<256x1024xf32>
    %mul3A_123 = arith.mulf %mul3A_122, %add3A_120 : vector<256x1024xf32>
    %sub3A = arith.subf %add3A_109, %mul3A_123 : vector<256x1024xf32>
    %iota3A = tpu.iota {dimensions = array<i32: 1>} : vector<256x1024xi32>
    %iota3A_124 = tpu.iota {dimensions = array<i32: 1>} : vector<256x16xi32>
    %broadcast_in_dim3A = arith.constant 0 : i32
    %broadcast_in_dim3A_125 = vector.broadcast %broadcast_in_dim3A : i32 to vector<256x16xi32>
    %argmin3A = tpu.reduce_index %sub3A {axis = 1 : i32, kind = #tpu.reduction_kind<arg_min>} : vector<256x1024xf32> -> vector<256xi32>
    %broadcast_in_dim3A_126 = vector.shape_cast %argmin3A : vector<256xi32> to vector<256x1xi32>
    %eq3A = arith.constant 0 : i32
    %eq3A_127 = vector.broadcast %eq3A : i32 to vector<256x16xi32>
    %eq3A_128 = arith.cmpi eq, %iota3A_124, %eq3A_127 : vector<256x16xi32>
    %broadcast_in_dim3A_129 = vector.shape_cast %broadcast_in_dim3A_126 : vector<256x1xi32> to vector<256x1xi32>
    %broadcast_in_dim3A_130 = vector.broadcast %broadcast_in_dim3A_129 : vector<256x1xi32> to vector<256x16xi32>
    %select_n3A = arith.select %eq3A_128, %broadcast_in_dim3A_130, %broadcast_in_dim3A_125 : vector<256x16xi1>, vector<256x16xi32>
    %eq3A_131 = vector.broadcast %broadcast_in_dim3A_126 : vector<256x1xi32> to vector<256x1024xi32>
    %eq3A_132 = arith.cmpi eq, %iota3A, %eq3A_131 : vector<256x1024xi32>
    %jit3A = arith.constant 0x7F800000 : f32
    %broadcast_in_dim3A_133 = vector.broadcast %jit3A : f32 to vector<256x1024xf32>
    %select_n3A_134 = arith.select %eq3A_132, %broadcast_in_dim3A_133, %sub3A : vector<256x1024xi1>, vector<256x1024xf32>
    %argmin3A_135 = tpu.reduce_index %select_n3A_134 {axis = 1 : i32, kind = #tpu.reduction_kind<arg_min>} : vector<256x1024xf32> -> vector<256xi32>
    %broadcast_in_dim3A_136 = vector.shape_cast %argmin3A_135 : vector<256xi32> to vector<256x1xi32>
    %eq3A_137 = arith.constant 1 : i32
    %eq3A_138 = vector.broadcast %eq3A_137 : i32 to vector<256x16xi32>
    %eq3A_139 = arith.cmpi eq, %iota3A_124, %eq3A_138 : vector<256x16xi32>
    %broadcast_in_dim3A_140 = vector.shape_cast %broadcast_in_dim3A_136 : vector<256x1xi32> to vector<256x1xi32>
    %broadcast_in_dim3A_141 = vector.broadcast %broadcast_in_dim3A_140 : vector<256x1xi32> to vector<256x16xi32>
    %select_n3A_142 = arith.select %eq3A_139, %broadcast_in_dim3A_141, %select_n3A : vector<256x16xi1>, vector<256x16xi32>
    %eq3A_143 = vector.broadcast %broadcast_in_dim3A_136 : vector<256x1xi32> to vector<256x1024xi32>
    %eq3A_144 = arith.cmpi eq, %iota3A, %eq3A_143 : vector<256x1024xi32>
    %jit3A_145 = arith.constant 0x7F800000 : f32
    %broadcast_in_dim3A_146 = vector.broadcast %jit3A_145 : f32 to vector<256x1024xf32>
    %select_n3A_147 = arith.select %eq3A_144, %broadcast_in_dim3A_146, %select_n3A_134 : vector<256x1024xi1>, vector<256x1024xf32>
    %argmin3A_148 = tpu.reduce_index %select_n3A_147 {axis = 1 : i32, kind = #tpu.reduction_kind<arg_min>} : vector<256x1024xf32> -> vector<256xi32>
    %broadcast_in_dim3A_149 = vector.shape_cast %argmin3A_148 : vector<256xi32> to vector<256x1xi32>
    %eq3A_150 = arith.constant 2 : i32
    %eq3A_151 = vector.broadcast %eq3A_150 : i32 to vector<256x16xi32>
    %eq3A_152 = arith.cmpi eq, %iota3A_124, %eq3A_151 : vector<256x16xi32>
    %broadcast_in_dim3A_153 = vector.shape_cast %broadcast_in_dim3A_149 : vector<256x1xi32> to vector<256x1xi32>
    %broadcast_in_dim3A_154 = vector.broadcast %broadcast_in_dim3A_153 : vector<256x1xi32> to vector<256x16xi32>
    %select_n3A_155 = arith.select %eq3A_152, %broadcast_in_dim3A_154, %select_n3A_142 : vector<256x16xi1>, vector<256x16xi32>
    %eq3A_156 = vector.broadcast %broadcast_in_dim3A_149 : vector<256x1xi32> to vector<256x1024xi32>
    %eq3A_157 = arith.cmpi eq, %iota3A, %eq3A_156 : vector<256x1024xi32>
    %jit3A_158 = arith.constant 0x7F800000 : f32
    %broadcast_in_dim3A_159 = vector.broadcast %jit3A_158 : f32 to vector<256x1024xf32>
    %select_n3A_160 = arith.select %eq3A_157, %broadcast_in_dim3A_159, %select_n3A_147 : vector<256x1024xi1>, vector<256x1024xf32>
    %argmin3A_161 = tpu.reduce_index %select_n3A_160 {axis = 1 : i32, kind = #tpu.reduction_kind<arg_min>} : vector<256x1024xf32> -> vector<256xi32>
    %broadcast_in_dim3A_162 = vector.shape_cast %argmin3A_161 : vector<256xi32> to vector<256x1xi32>
    %eq3A_163 = arith.constant 3 : i32
    %eq3A_164 = vector.broadcast %eq3A_163 : i32 to vector<256x16xi32>
    %eq3A_165 = arith.cmpi eq, %iota3A_124, %eq3A_164 : vector<256x16xi32>
    %broadcast_in_dim3A_166 = vector.shape_cast %broadcast_in_dim3A_162 : vector<256x1xi32> to vector<256x1xi32>
    %broadcast_in_dim3A_167 = vector.broadcast %broadcast_in_dim3A_166 : vector<256x1xi32> to vector<256x16xi32>
    %select_n3A_168 = arith.select %eq3A_165, %broadcast_in_dim3A_167, %select_n3A_155 : vector<256x16xi1>, vector<256x16xi32>
    %eq3A_169 = vector.broadcast %broadcast_in_dim3A_162 : vector<256x1xi32> to vector<256x1024xi32>
    %eq3A_170 = arith.cmpi eq, %iota3A, %eq3A_169 : vector<256x1024xi32>
    %jit3A_171 = arith.constant 0x7F800000 : f32
    %broadcast_in_dim3A_172 = vector.broadcast %jit3A_171 : f32 to vector<256x1024xf32>
    %select_n3A_173 = arith.select %eq3A_170, %broadcast_in_dim3A_172, %select_n3A_160 : vector<256x1024xi1>, vector<256x1024xf32>
    %argmin3A_174 = tpu.reduce_index %select_n3A_173 {axis = 1 : i32, kind = #tpu.reduction_kind<arg_min>} : vector<256x1024xf32> -> vector<256xi32>
    %broadcast_in_dim3A_175 = vector.shape_cast %argmin3A_174 : vector<256xi32> to vector<256x1xi32>
    %eq3A_176 = arith.constant 4 : i32
    %eq3A_177 = vector.broadcast %eq3A_176 : i32 to vector<256x16xi32>
    %eq3A_178 = arith.cmpi eq, %iota3A_124, %eq3A_177 : vector<256x16xi32>
    %broadcast_in_dim3A_179 = vector.shape_cast %broadcast_in_dim3A_175 : vector<256x1xi32> to vector<256x1xi32>
    %broadcast_in_dim3A_180 = vector.broadcast %broadcast_in_dim3A_179 : vector<256x1xi32> to vector<256x16xi32>
    %select_n3A_181 = arith.select %eq3A_178, %broadcast_in_dim3A_180, %select_n3A_168 : vector<256x16xi1>, vector<256x16xi32>
    %eq3A_182 = vector.broadcast %broadcast_in_dim3A_175 : vector<256x1xi32> to vector<256x1024xi32>
    %eq3A_183 = arith.cmpi eq, %iota3A, %eq3A_182 : vector<256x1024xi32>
    %jit3A_184 = arith.constant 0x7F800000 : f32
    %broadcast_in_dim3A_185 = vector.broadcast %jit3A_184 : f32 to vector<256x1024xf32>
    %select_n3A_186 = arith.select %eq3A_183, %broadcast_in_dim3A_185, %select_n3A_173 : vector<256x1024xi1>, vector<256x1024xf32>
    %argmin3A_187 = tpu.reduce_index %select_n3A_186 {axis = 1 : i32, kind = #tpu.reduction_kind<arg_min>} : vector<256x1024xf32> -> vector<256xi32>
    %broadcast_in_dim3A_188 = vector.shape_cast %argmin3A_187 : vector<256xi32> to vector<256x1xi32>
    %eq3A_189 = arith.constant 5 : i32
    %eq3A_190 = vector.broadcast %eq3A_189 : i32 to vector<256x16xi32>
    %eq3A_191 = arith.cmpi eq, %iota3A_124, %eq3A_190 : vector<256x16xi32>
    %broadcast_in_dim3A_192 = vector.shape_cast %broadcast_in_dim3A_188 : vector<256x1xi32> to vector<256x1xi32>
    %broadcast_in_dim3A_193 = vector.broadcast %broadcast_in_dim3A_192 : vector<256x1xi32> to vector<256x16xi32>
    %select_n3A_194 = arith.select %eq3A_191, %broadcast_in_dim3A_193, %select_n3A_181 : vector<256x16xi1>, vector<256x16xi32>
    %eq3A_195 = vector.broadcast %broadcast_in_dim3A_188 : vector<256x1xi32> to vector<256x1024xi32>
    %eq3A_196 = arith.cmpi eq, %iota3A, %eq3A_195 : vector<256x1024xi32>
    %jit3A_197 = arith.constant 0x7F800000 : f32
    %broadcast_in_dim3A_198 = vector.broadcast %jit3A_197 : f32 to vector<256x1024xf32>
    %select_n3A_199 = arith.select %eq3A_196, %broadcast_in_dim3A_198, %select_n3A_186 : vector<256x1024xi1>, vector<256x1024xf32>
    %argmin3A_200 = tpu.reduce_index %select_n3A_199 {axis = 1 : i32, kind = #tpu.reduction_kind<arg_min>} : vector<256x1024xf32> -> vector<256xi32>
    %broadcast_in_dim3A_201 = vector.shape_cast %argmin3A_200 : vector<256xi32> to vector<256x1xi32>
    %eq3A_202 = arith.constant 6 : i32
    %eq3A_203 = vector.broadcast %eq3A_202 : i32 to vector<256x16xi32>
    %eq3A_204 = arith.cmpi eq, %iota3A_124, %eq3A_203 : vector<256x16xi32>
    %broadcast_in_dim3A_205 = vector.shape_cast %broadcast_in_dim3A_201 : vector<256x1xi32> to vector<256x1xi32>
    %broadcast_in_dim3A_206 = vector.broadcast %broadcast_in_dim3A_205 : vector<256x1xi32> to vector<256x16xi32>
    %select_n3A_207 = arith.select %eq3A_204, %broadcast_in_dim3A_206, %select_n3A_194 : vector<256x16xi1>, vector<256x16xi32>
    %eq3A_208 = vector.broadcast %broadcast_in_dim3A_201 : vector<256x1xi32> to vector<256x1024xi32>
    %eq3A_209 = arith.cmpi eq, %iota3A, %eq3A_208 : vector<256x1024xi32>
    %jit3A_210 = arith.constant 0x7F800000 : f32
    %broadcast_in_dim3A_211 = vector.broadcast %jit3A_210 : f32 to vector<256x1024xf32>
    %select_n3A_212 = arith.select %eq3A_209, %broadcast_in_dim3A_211, %select_n3A_199 : vector<256x1024xi1>, vector<256x1024xf32>
    %argmin3A_213 = tpu.reduce_index %select_n3A_212 {axis = 1 : i32, kind = #tpu.reduction_kind<arg_min>} : vector<256x1024xf32> -> vector<256xi32>
    %broadcast_in_dim3A_214 = vector.shape_cast %argmin3A_213 : vector<256xi32> to vector<256x1xi32>
    %eq3A_215 = arith.constant 7 : i32
    %eq3A_216 = vector.broadcast %eq3A_215 : i32 to vector<256x16xi32>
    %eq3A_217 = arith.cmpi eq, %iota3A_124, %eq3A_216 : vector<256x16xi32>
    %broadcast_in_dim3A_218 = vector.shape_cast %broadcast_in_dim3A_214 : vector<256x1xi32> to vector<256x1xi32>
    %broadcast_in_dim3A_219 = vector.broadcast %broadcast_in_dim3A_218 : vector<256x1xi32> to vector<256x16xi32>
    %select_n3A_220 = arith.select %eq3A_217, %broadcast_in_dim3A_219, %select_n3A_207 : vector<256x16xi1>, vector<256x16xi32>
    %eq3A_221 = vector.broadcast %broadcast_in_dim3A_214 : vector<256x1xi32> to vector<256x1024xi32>
    %eq3A_222 = arith.cmpi eq, %iota3A, %eq3A_221 : vector<256x1024xi32>
    %jit3A_223 = arith.constant 0x7F800000 : f32
    %broadcast_in_dim3A_224 = vector.broadcast %jit3A_223 : f32 to vector<256x1024xf32>
    %select_n3A_225 = arith.select %eq3A_222, %broadcast_in_dim3A_224, %select_n3A_212 : vector<256x1024xi1>, vector<256x1024xf32>
    %argmin3A_226 = tpu.reduce_index %select_n3A_225 {axis = 1 : i32, kind = #tpu.reduction_kind<arg_min>} : vector<256x1024xf32> -> vector<256xi32>
    %broadcast_in_dim3A_227 = vector.shape_cast %argmin3A_226 : vector<256xi32> to vector<256x1xi32>
    %eq3A_228 = arith.constant 8 : i32
    %eq3A_229 = vector.broadcast %eq3A_228 : i32 to vector<256x16xi32>
    %eq3A_230 = arith.cmpi eq, %iota3A_124, %eq3A_229 : vector<256x16xi32>
    %broadcast_in_dim3A_231 = vector.shape_cast %broadcast_in_dim3A_227 : vector<256x1xi32> to vector<256x1xi32>
    %broadcast_in_dim3A_232 = vector.broadcast %broadcast_in_dim3A_231 : vector<256x1xi32> to vector<256x16xi32>
    %select_n3A_233 = arith.select %eq3A_230, %broadcast_in_dim3A_232, %select_n3A_220 : vector<256x16xi1>, vector<256x16xi32>
    %eq3A_234 = vector.broadcast %broadcast_in_dim3A_227 : vector<256x1xi32> to vector<256x1024xi32>
    %eq3A_235 = arith.cmpi eq, %iota3A, %eq3A_234 : vector<256x1024xi32>
    %jit3A_236 = arith.constant 0x7F800000 : f32
    %broadcast_in_dim3A_237 = vector.broadcast %jit3A_236 : f32 to vector<256x1024xf32>
    %select_n3A_238 = arith.select %eq3A_235, %broadcast_in_dim3A_237, %select_n3A_225 : vector<256x1024xi1>, vector<256x1024xf32>
    %argmin3A_239 = tpu.reduce_index %select_n3A_238 {axis = 1 : i32, kind = #tpu.reduction_kind<arg_min>} : vector<256x1024xf32> -> vector<256xi32>
    %broadcast_in_dim3A_240 = vector.shape_cast %argmin3A_239 : vector<256xi32> to vector<256x1xi32>
    %eq3A_241 = arith.constant 9 : i32
    %eq3A_242 = vector.broadcast %eq3A_241 : i32 to vector<256x16xi32>
    %eq3A_243 = arith.cmpi eq, %iota3A_124, %eq3A_242 : vector<256x16xi32>
    %broadcast_in_dim3A_244 = vector.shape_cast %broadcast_in_dim3A_240 : vector<256x1xi32> to vector<256x1xi32>
    %broadcast_in_dim3A_245 = vector.broadcast %broadcast_in_dim3A_244 : vector<256x1xi32> to vector<256x16xi32>
    %select_n3A_246 = arith.select %eq3A_243, %broadcast_in_dim3A_245, %select_n3A_233 : vector<256x16xi1>, vector<256x16xi32>
    %eq3A_247 = vector.broadcast %broadcast_in_dim3A_240 : vector<256x1xi32> to vector<256x1024xi32>
    %eq3A_248 = arith.cmpi eq, %iota3A, %eq3A_247 : vector<256x1024xi32>
    %jit3A_249 = arith.constant 0x7F800000 : f32
    %broadcast_in_dim3A_250 = vector.broadcast %jit3A_249 : f32 to vector<256x1024xf32>
    %select_n3A_251 = arith.select %eq3A_248, %broadcast_in_dim3A_250, %select_n3A_238 : vector<256x1024xi1>, vector<256x1024xf32>
    %argmin3A_252 = tpu.reduce_index %select_n3A_251 {axis = 1 : i32, kind = #tpu.reduction_kind<arg_min>} : vector<256x1024xf32> -> vector<256xi32>
    %broadcast_in_dim3A_253 = vector.shape_cast %argmin3A_252 : vector<256xi32> to vector<256x1xi32>
    %eq3A_254 = arith.constant 10 : i32
    %eq3A_255 = vector.broadcast %eq3A_254 : i32 to vector<256x16xi32>
    %eq3A_256 = arith.cmpi eq, %iota3A_124, %eq3A_255 : vector<256x16xi32>
    %broadcast_in_dim3A_257 = vector.shape_cast %broadcast_in_dim3A_253 : vector<256x1xi32> to vector<256x1xi32>
    %broadcast_in_dim3A_258 = vector.broadcast %broadcast_in_dim3A_257 : vector<256x1xi32> to vector<256x16xi32>
    %select_n3A_259 = arith.select %eq3A_256, %broadcast_in_dim3A_258, %select_n3A_246 : vector<256x16xi1>, vector<256x16xi32>
    %eq3A_260 = vector.broadcast %broadcast_in_dim3A_253 : vector<256x1xi32> to vector<256x1024xi32>
    %eq3A_261 = arith.cmpi eq, %iota3A, %eq3A_260 : vector<256x1024xi32>
    %jit3A_262 = arith.constant 0x7F800000 : f32
    %broadcast_in_dim3A_263 = vector.broadcast %jit3A_262 : f32 to vector<256x1024xf32>
    %select_n3A_264 = arith.select %eq3A_261, %broadcast_in_dim3A_263, %select_n3A_251 : vector<256x1024xi1>, vector<256x1024xf32>
    %argmin3A_265 = tpu.reduce_index %select_n3A_264 {axis = 1 : i32, kind = #tpu.reduction_kind<arg_min>} : vector<256x1024xf32> -> vector<256xi32>
    %broadcast_in_dim3A_266 = vector.shape_cast %argmin3A_265 : vector<256xi32> to vector<256x1xi32>
    %eq3A_267 = arith.constant 11 : i32
    %eq3A_268 = vector.broadcast %eq3A_267 : i32 to vector<256x16xi32>
    %eq3A_269 = arith.cmpi eq, %iota3A_124, %eq3A_268 : vector<256x16xi32>
    %broadcast_in_dim3A_270 = vector.shape_cast %broadcast_in_dim3A_266 : vector<256x1xi32> to vector<256x1xi32>
    %broadcast_in_dim3A_271 = vector.broadcast %broadcast_in_dim3A_270 : vector<256x1xi32> to vector<256x16xi32>
    %select_n3A_272 = arith.select %eq3A_269, %broadcast_in_dim3A_271, %select_n3A_259 : vector<256x16xi1>, vector<256x16xi32>
    %eq3A_273 = vector.broadcast %broadcast_in_dim3A_266 : vector<256x1xi32> to vector<256x1024xi32>
    %eq3A_274 = arith.cmpi eq, %iota3A, %eq3A_273 : vector<256x1024xi32>
    %jit3A_275 = arith.constant 0x7F800000 : f32
    %broadcast_in_dim3A_276 = vector.broadcast %jit3A_275 : f32 to vector<256x1024xf32>
    %select_n3A_277 = arith.select %eq3A_274, %broadcast_in_dim3A_276, %select_n3A_264 : vector<256x1024xi1>, vector<256x1024xf32>
    %argmin3A_278 = tpu.reduce_index %select_n3A_277 {axis = 1 : i32, kind = #tpu.reduction_kind<arg_min>} : vector<256x1024xf32> -> vector<256xi32>
    %broadcast_in_dim3A_279 = vector.shape_cast %argmin3A_278 : vector<256xi32> to vector<256x1xi32>
    %eq3A_280 = arith.constant 12 : i32
    %eq3A_281 = vector.broadcast %eq3A_280 : i32 to vector<256x16xi32>
    %eq3A_282 = arith.cmpi eq, %iota3A_124, %eq3A_281 : vector<256x16xi32>
    %broadcast_in_dim3A_283 = vector.shape_cast %broadcast_in_dim3A_279 : vector<256x1xi32> to vector<256x1xi32>
    %broadcast_in_dim3A_284 = vector.broadcast %broadcast_in_dim3A_283 : vector<256x1xi32> to vector<256x16xi32>
    %select_n3A_285 = arith.select %eq3A_282, %broadcast_in_dim3A_284, %select_n3A_272 : vector<256x16xi1>, vector<256x16xi32>
    %eq3A_286 = vector.broadcast %broadcast_in_dim3A_279 : vector<256x1xi32> to vector<256x1024xi32>
    %eq3A_287 = arith.cmpi eq, %iota3A, %eq3A_286 : vector<256x1024xi32>
    %jit3A_288 = arith.constant 0x7F800000 : f32
    %broadcast_in_dim3A_289 = vector.broadcast %jit3A_288 : f32 to vector<256x1024xf32>
    %select_n3A_290 = arith.select %eq3A_287, %broadcast_in_dim3A_289, %select_n3A_277 : vector<256x1024xi1>, vector<256x1024xf32>
    %argmin3A_291 = tpu.reduce_index %select_n3A_290 {axis = 1 : i32, kind = #tpu.reduction_kind<arg_min>} : vector<256x1024xf32> -> vector<256xi32>
    %broadcast_in_dim3A_292 = vector.shape_cast %argmin3A_291 : vector<256xi32> to vector<256x1xi32>
    %eq3A_293 = arith.constant 13 : i32
    %eq3A_294 = vector.broadcast %eq3A_293 : i32 to vector<256x16xi32>
    %eq3A_295 = arith.cmpi eq, %iota3A_124, %eq3A_294 : vector<256x16xi32>
    %broadcast_in_dim3A_296 = vector.shape_cast %broadcast_in_dim3A_292 : vector<256x1xi32> to vector<256x1xi32>
    %broadcast_in_dim3A_297 = vector.broadcast %broadcast_in_dim3A_296 : vector<256x1xi32> to vector<256x16xi32>
    %select_n3A_298 = arith.select %eq3A_295, %broadcast_in_dim3A_297, %select_n3A_285 : vector<256x16xi1>, vector<256x16xi32>
    %eq3A_299 = vector.broadcast %broadcast_in_dim3A_292 : vector<256x1xi32> to vector<256x1024xi32>
    %eq3A_300 = arith.cmpi eq, %iota3A, %eq3A_299 : vector<256x1024xi32>
    %jit3A_301 = arith.constant 0x7F800000 : f32
    %broadcast_in_dim3A_302 = vector.broadcast %jit3A_301 : f32 to vector<256x1024xf32>
    %select_n3A_303 = arith.select %eq3A_300, %broadcast_in_dim3A_302, %select_n3A_290 : vector<256x1024xi1>, vector<256x1024xf32>
    %argmin3A_304 = tpu.reduce_index %select_n3A_303 {axis = 1 : i32, kind = #tpu.reduction_kind<arg_min>} : vector<256x1024xf32> -> vector<256xi32>
    %broadcast_in_dim3A_305 = vector.shape_cast %argmin3A_304 : vector<256xi32> to vector<256x1xi32>
    %eq3A_306 = arith.constant 14 : i32
    %eq3A_307 = vector.broadcast %eq3A_306 : i32 to vector<256x16xi32>
    %eq3A_308 = arith.cmpi eq, %iota3A_124, %eq3A_307 : vector<256x16xi32>
    %broadcast_in_dim3A_309 = vector.shape_cast %broadcast_in_dim3A_305 : vector<256x1xi32> to vector<256x1xi32>
    %broadcast_in_dim3A_310 = vector.broadcast %broadcast_in_dim3A_309 : vector<256x1xi32> to vector<256x16xi32>
    %select_n3A_311 = arith.select %eq3A_308, %broadcast_in_dim3A_310, %select_n3A_298 : vector<256x16xi1>, vector<256x16xi32>
    %eq3A_312 = vector.broadcast %broadcast_in_dim3A_305 : vector<256x1xi32> to vector<256x1024xi32>
    %eq3A_313 = arith.cmpi eq, %iota3A, %eq3A_312 : vector<256x1024xi32>
    %jit3A_314 = arith.constant 0x7F800000 : f32
    %broadcast_in_dim3A_315 = vector.broadcast %jit3A_314 : f32 to vector<256x1024xf32>
    %select_n3A_316 = arith.select %eq3A_313, %broadcast_in_dim3A_315, %select_n3A_303 : vector<256x1024xi1>, vector<256x1024xf32>
    %argmin3A_317 = tpu.reduce_index %select_n3A_316 {axis = 1 : i32, kind = #tpu.reduction_kind<arg_min>} : vector<256x1024xf32> -> vector<256xi32>
    %broadcast_in_dim3A_318 = vector.shape_cast %argmin3A_317 : vector<256xi32> to vector<256x1xi32>
    %eq3A_319 = arith.constant 15 : i32
    %eq3A_320 = vector.broadcast %eq3A_319 : i32 to vector<256x16xi32>
    %eq3A_321 = arith.cmpi eq, %iota3A_124, %eq3A_320 : vector<256x16xi32>
    %broadcast_in_dim3A_322 = vector.shape_cast %broadcast_in_dim3A_318 : vector<256x1xi32> to vector<256x1xi32>
    %broadcast_in_dim3A_323 = vector.broadcast %broadcast_in_dim3A_322 : vector<256x1xi32> to vector<256x16xi32>
    %select_n3A_324 = arith.select %eq3A_321, %broadcast_in_dim3A_323, %select_n3A_311 : vector<256x16xi1>, vector<256x16xi32>
    %mul3A_325 = arith.constant 1024 : i32
    %mul3A_326 = arith.muli %arg0, %mul3A_325 : i32
    %add3A_327 = vector.broadcast %mul3A_326 : i32 to vector<256x16xi32>
    %add3A_328 = arith.addi %select_n3A_324, %add3A_327 : vector<256x16xi32>
    %swap3A = arith.constant 0 : index
    %swap3A_329 = arith.constant 0 : index
    %swap3A_330 = arith.constant 0 : index
    %swap3A_331 = vector.load %arg4[%swap3A, %swap3A_329, %swap3A_330] : memref<1x256x16xi32, #tpu.memory_space<vmem>>, vector<1x256x16xi32>
    %swap3A_332 = vector.shape_cast %swap3A_331 : vector<1x256x16xi32> to vector<256x16xi32>
    %swap3A_333 = vector.shape_cast %add3A_328 : vector<256x16xi32> to vector<1x256x16xi32>
    tpu.vector_store %arg4[%swap3A, %swap3A_329, %swap3A_330], %swap3A_333 {strides = array<i32>} : memref<1x256x16xi32, #tpu.memory_space<vmem>>, vector<1x256x16xi32>,
    return
  }
  func.func @transform_0(%arg0: i32, %arg1: i32) -> (i32, i32) {
    %mul3A = arith.constant 4 : i32
    %mul3A_0 = arith.muli %arg0, %mul3A : i32
    %add3A = arith.addi %mul3A_0, %arg1 : i32
    %c0_i32 = arith.constant 0 : i32
    %c0_i32_1 = arith.constant 0 : i32
    return %add3A, %c0_i32 : i32, i32
  }
  func.func @transform_1(%arg0: i32, %arg1: i32) -> (i32, i32, i32) {
    %c0_i32 = arith.constant 0 : i32
    %c0_i32_0 = arith.constant 0 : i32
    %c0_i32_1 = arith.constant 0 : i32
    return %arg0, %c0_i32, %c0_i32_0 : i32, i32, i32
  }
  func.func @transform_2(%arg0: i32, %arg1: i32) -> (i32, i32, i32) {
    %c0_i32 = arith.constant 0 : i32
    %c0_i32_0 = arith.constant 0 : i32
    return %arg0, %arg1, %c0_i32 : i32, i32, i32
  }
}

module attributes {stable_mosaic.version = 14 : i64} {
  func.func @_kf_body(%arg0: i32, %arg1: memref<512x128xf32, #tpu.memory_space<vmem>>, %arg2: memref<128x256xf32, #tpu.memory_space<vmem>>, %arg3: memref<1x256xf32, #tpu.memory_space<vmem>>, %arg4: memref<512x128xi32, #tpu.memory_space<vmem>>) attributes {dimension_semantics = [#tpu.dimension_semantics<arbitrary>], iteration_bounds = array<i64: 4>, scalar_prefetch = 0 : i64, scratch_operands = 0 : i64, tpu.core_type = #tpu.core_type<tc>, window_params = [{transform_indices = @transform_0, window_bounds = array<i64: 512, 128>}, {pipeline_mode = #tpu.pipeline_mode<synchronous>, transform_indices = @transform_1, window_bounds = array<i64: 128, 256>}, {pipeline_mode = #tpu.pipeline_mode<synchronous>, transform_indices = @transform_2, window_bounds = array<i64: 1, 256>}, {transform_indices = @transform_3, window_bounds = array<i64: 512, 128>}]} {
    %get3A = arith.constant 0 : index
    %get3A_0 = arith.constant 0 : index
    %get3A_1 = vector.load %arg1[%get3A, %get3A_0] : memref<512x128xf32, #tpu.memory_space<vmem>>, vector<512x128xf32>
    %get3A_2 = arith.constant 0 : index
    %get3A_3 = arith.constant 0 : index
    %get3A_4 = vector.load %arg2[%get3A_2, %get3A_3] : memref<128x256xf32, #tpu.memory_space<vmem>>, vector<128x256xf32>
    %dot_general3A = arith.constant dense<0.000000e+00> : vector<512x256xf32>
    %dot_general3A_5 = tpu.matmul %get3A_1, %get3A_4, %dot_general3A {dimension_numbers = #tpu.dot_dimension_numbers<[1], [0], [0], [1], [0, 0, 1, 1], [], []>, precision = #tpu.contract_precision<fp32>, transpose_lhs_hint = false} : vector<512x128xf32>, vector<128x256xf32>, vector<512x256xf32> -> vector<512x256xf32>
    %get3A_6 = arith.constant 0 : index
    %get3A_7 = arith.constant 0 : index
    %get3A_8 = vector.load %arg3[%get3A_6, %get3A_7] : memref<1x256xf32, #tpu.memory_space<vmem>>, vector<1x256xf32>
    %add3A = vector.broadcast %get3A_8 : vector<1x256xf32> to vector<512x256xf32>
    %add3A_9 = arith.addf %dot_general3A_5, %add3A : vector<512x256xf32>
    %slice3A = vector.extract_strided_slice %add3A_9 {offsets = [0, 0], sizes = [512, 128], strides = [1, 1]} : vector<512x256xf32> to vector<512x128xf32>
    %bitcast_convert_type3A = tpu.bitcast %slice3A : vector<512x128xf32> -> vector<512x128xi32>
    %slice3A_10 = vector.extract_strided_slice %add3A_9 {offsets = [0, 128], sizes = [512, 128], strides = [1, 1]} : vector<512x256xf32> to vector<512x128xf32>
    %bitcast_convert_type3A_11 = tpu.bitcast %slice3A_10 : vector<512x128xf32> -> vector<512x128xi32>
    %add3A_12 = arith.constant 32767 : i32
    %add3A_13 = vector.broadcast %add3A_12 : i32 to vector<512x128xi32>
    %add3A_14 = arith.addi %bitcast_convert_type3A_11, %add3A_13 : vector<512x128xi32>
    %shift_right_logical3A = arith.constant 16 : i32
    %shift_right_logical3A_15 = vector.broadcast %shift_right_logical3A : i32 to vector<512x128xi32>
    %shift_right_logical3A_16 = arith.shrui %bitcast_convert_type3A_11, %shift_right_logical3A_15 : vector<512x128xi32>
    %and3A = arith.constant 1 : i32
    %and3A_17 = vector.broadcast %and3A : i32 to vector<512x128xi32>
    %and3A_18 = arith.andi %shift_right_logical3A_16, %and3A_17 : vector<512x128xi32>
    %add3A_19 = arith.addi %add3A_14, %and3A_18 : vector<512x128xi32>
    %and3A_20 = arith.constant -65536 : i32
    %and3A_21 = vector.broadcast %and3A_20 : i32 to vector<512x128xi32>
    %and3A_22 = arith.andi %add3A_19, %and3A_21 : vector<512x128xi32>
    %add3A_23 = arith.constant 32767 : i32
    %add3A_24 = vector.broadcast %add3A_23 : i32 to vector<512x128xi32>
    %add3A_25 = arith.addi %bitcast_convert_type3A, %add3A_24 : vector<512x128xi32>
    %shift_right_logical3A_26 = arith.constant 16 : i32
    %shift_right_logical3A_27 = vector.broadcast %shift_right_logical3A_26 : i32 to vector<512x128xi32>
    %shift_right_logical3A_28 = arith.shrui %bitcast_convert_type3A, %shift_right_logical3A_27 : vector<512x128xi32>
    %and3A_29 = arith.constant 1 : i32
    %and3A_30 = vector.broadcast %and3A_29 : i32 to vector<512x128xi32>
    %and3A_31 = arith.andi %shift_right_logical3A_28, %and3A_30 : vector<512x128xi32>
    %add3A_32 = arith.addi %add3A_25, %and3A_31 : vector<512x128xi32>
    %and3A_33 = arith.constant -65536 : i32
    %and3A_34 = vector.broadcast %and3A_33 : i32 to vector<512x128xi32>
    %and3A_35 = arith.andi %add3A_32, %and3A_34 : vector<512x128xi32>
    %shift_right_logical3A_36 = arith.constant 16 : i32
    %shift_right_logical3A_37 = vector.broadcast %shift_right_logical3A_36 : i32 to vector<512x128xi32>
    %shift_right_logical3A_38 = arith.shrui %and3A_35, %shift_right_logical3A_37 : vector<512x128xi32>
    %or3A = arith.ori %and3A_22, %shift_right_logical3A_38 : vector<512x128xi32>
    %swap3A = arith.constant 0 : index
    %swap3A_39 = arith.constant 0 : index
    %swap3A_40 = vector.load %arg4[%swap3A, %swap3A_39] : memref<512x128xi32, #tpu.memory_space<vmem>>, vector<512x128xi32>
    tpu.vector_store %arg4[%swap3A, %swap3A_39], %or3A {strides = array<i32>} : memref<512x128xi32, #tpu.memory_space<vmem>>, vector<512x128xi32>,
    return
  }
  func.func @transform_0(%arg0: i32) -> (i32, i32) {
    %c0_i32 = arith.constant 0 : i32
    %c0_i32_0 = arith.constant 0 : i32
    return %arg0, %c0_i32 : i32, i32
  }
  func.func @transform_1(%arg0: i32) -> (i32, i32) {
    %c0_i32 = arith.constant 0 : i32
    %c0_i32_0 = arith.constant 0 : i32
    %c0_i32_1 = arith.constant 0 : i32
    return %c0_i32, %c0_i32_0 : i32, i32
  }
  func.func @transform_2(%arg0: i32) -> (i32, i32) {
    %c0_i32 = arith.constant 0 : i32
    %c0_i32_0 = arith.constant 0 : i32
    %c0_i32_1 = arith.constant 0 : i32
    return %c0_i32, %c0_i32_0 : i32, i32
  }
  func.func @transform_3(%arg0: i32) -> (i32, i32) {
    %c0_i32 = arith.constant 0 : i32
    %c0_i32_0 = arith.constant 0 : i32
    return %arg0, %c0_i32 : i32, i32
  }
}

module attributes {stable_mosaic.version = 14 : i64} {
  func.func @_mlp_body(%arg0: i32, %arg1: memref<256x128xf32, #tpu.memory_space<vmem>>, %arg2: memref<256x128xf32, #tpu.memory_space<vmem>>, %arg3: memref<256x128xf32, #tpu.memory_space<vmem>>, %arg4: memref<1x128xf32, #tpu.memory_space<vmem>>, %arg5: memref<128x128xf32, #tpu.memory_space<vmem>>, %arg6: memref<1x128xf32, #tpu.memory_space<vmem>>, %arg7: memref<256x128xf32, #tpu.memory_space<vmem>>, %arg8: memref<1x128xf32, #tpu.memory_space<vmem>>, %arg9: memref<128x256xf32, #tpu.memory_space<vmem>>, %arg10: memref<1x256xf32, #tpu.memory_space<vmem>>, %arg11: memref<128x256xf32, #tpu.memory_space<vmem>>, %arg12: memref<1x256xf32, #tpu.memory_space<vmem>>, %arg13: memref<256x128xf32, #tpu.memory_space<vmem>>, %arg14: memref<256x256xf32, #tpu.memory_space<vmem>>, %arg15: memref<256x256xf32, #tpu.memory_space<vmem>>) attributes {dimension_semantics = [#tpu.dimension_semantics<arbitrary>], iteration_bounds = array<i64: 8>, scalar_prefetch = 0 : i64, scratch_operands = 0 : i64, tpu.core_type = #tpu.core_type<tc>, window_params = [{transform_indices = @transform_0, window_bounds = array<i64: 256, 128>}, {transform_indices = @transform_1, window_bounds = array<i64: 256, 128>}, {pipeline_mode = #tpu.pipeline_mode<synchronous>, transform_indices = @transform_2, window_bounds = array<i64: 256, 128>}, {pipeline_mode = #tpu.pipeline_mode<synchronous>, transform_indices = @transform_3, window_bounds = array<i64: 1, 128>}, {pipeline_mode = #tpu.pipeline_mode<synchronous>, transform_indices = @transform_4, window_bounds = array<i64: 128, 128>}, {pipeline_mode = #tpu.pipeline_mode<synchronous>, transform_indices = @transform_5, window_bounds = array<i64: 1, 128>}, {pipeline_mode = #tpu.pipeline_mode<synchronous>, transform_indices = @transform_6, window_bounds = array<i64: 256, 128>}, {pipeline_mode = #tpu.pipeline_mode<synchronous>, transform_indices = @transform_7, window_bounds = array<i64: 1, 128>}, {pipeline_mode = #tpu.pipeline_mode<synchronous>, transform_indices = @transform_8, window_bounds = array<i64: 128, 256>}, {pipeline_mode = #tpu.pipeline_mode<synchronous>, transform_indices = @transform_9, window_bounds = array<i64: 1, 256>}, {pipeline_mode = #tpu.pipeline_mode<synchronous>, transform_indices = @transform_10, window_bounds = array<i64: 128, 256>}, {pipeline_mode = #tpu.pipeline_mode<synchronous>, transform_indices = @transform_11, window_bounds = array<i64: 1, 256>}, {transform_indices = @transform_12, window_bounds = array<i64: 256, 128>}, {transform_indices = @transform_13, window_bounds = array<i64: 256, 256>}, {transform_indices = @transform_14, window_bounds = array<i64: 256, 256>}]} {
    %get3A = arith.constant 0 : index
    %get3A_0 = arith.constant 0 : index
    %get3A_1 = vector.load %arg1[%get3A, %get3A_0] : memref<256x128xf32, #tpu.memory_space<vmem>>, vector<256x128xf32>
    %get3A_2 = arith.constant 0 : index
    %get3A_3 = arith.constant 0 : index
    %get3A_4 = vector.load %arg2[%get3A_2, %get3A_3] : memref<256x128xf32, #tpu.memory_space<vmem>>, vector<256x128xf32>
    %concatenate3A = tpu.concatenate %get3A_1, %get3A_4 in 1 : vector<256x128xf32>, vector<256x128xf32> -> vector<256x256xf32>
    %get3A_5 = arith.constant 0 : index
    %get3A_6 = arith.constant 0 : index
    %get3A_7 = vector.load %arg7[%get3A_5, %get3A_6] : memref<256x128xf32, #tpu.memory_space<vmem>>, vector<256x128xf32>
    %dot_general3A = arith.constant dense<0.000000e+00> : vector<256x128xf32>
    %dot_general3A_8 = tpu.matmul %concatenate3A, %get3A_7, %dot_general3A {dimension_numbers = #tpu.dot_dimension_numbers<[1], [0], [0], [1], [0, 0, 1, 1], [], []>, precision = #tpu.contract_precision<fp32>, transpose_lhs_hint = false} : vector<256x256xf32>, vector<256x128xf32>, vector<256x128xf32> -> vector<256x128xf32>
    %get3A_9 = arith.constant 0 : index
    %get3A_10 = arith.constant 0 : index
    %get3A_11 = vector.load %arg8[%get3A_9, %get3A_10] : memref<1x128xf32, #tpu.memory_space<vmem>>, vector<1x128xf32>
    %add3A = vector.broadcast %get3A_11 : vector<1x128xf32> to vector<256x128xf32>
    %add3A_12 = arith.addf %dot_general3A_8, %add3A : vector<256x128xf32>
    %get3A_13 = arith.constant 0 : index
    %get3A_14 = arith.constant 0 : index
    %get3A_15 = vector.load %arg3[%get3A_13, %get3A_14] : memref<256x128xf32, #tpu.memory_space<vmem>>, vector<256x128xf32>
    %dot_general3A_16 = arith.constant dense<0.000000e+00> : vector<256x128xf32>
    %dot_general3A_17 = tpu.matmul %concatenate3A, %get3A_15, %dot_general3A_16 {dimension_numbers = #tpu.dot_dimension_numbers<[1], [0], [0], [1], [0, 0, 1, 1], [], []>, precision = #tpu.contract_precision<fp32>, transpose_lhs_hint = false} : vector<256x256xf32>, vector<256x128xf32>, vector<256x128xf32> -> vector<256x128xf32>
    %get3A_18 = arith.constant 0 : index
    %get3A_19 = arith.constant 0 : index
    %get3A_20 = vector.load %arg4[%get3A_18, %get3A_19] : memref<1x128xf32, #tpu.memory_space<vmem>>, vector<1x128xf32>
    %add3A_21 = vector.broadcast %get3A_20 : vector<1x128xf32> to vector<256x128xf32>
    %add3A_22 = arith.addf %dot_general3A_17, %add3A_21 : vector<256x128xf32>
    %max3A = arith.constant 0.000000e+00 : f32
    %max3A_23 = vector.broadcast %max3A : f32 to vector<256x128xf32>
    %max3A_24 = arith.maximumf %add3A_22, %max3A_23 : vector<256x128xf32>
    %get3A_25 = arith.constant 0 : index
    %get3A_26 = arith.constant 0 : index
    %get3A_27 = vector.load %arg5[%get3A_25, %get3A_26] : memref<128x128xf32, #tpu.memory_space<vmem>>, vector<128x128xf32>
    %dot_general3A_28 = arith.constant dense<0.000000e+00> : vector<256x128xf32>
    %dot_general3A_29 = tpu.matmul %max3A_24, %get3A_27, %dot_general3A_28 {dimension_numbers = #tpu.dot_dimension_numbers<[1], [0], [0], [1], [0, 0, 1, 1], [], []>, precision = #tpu.contract_precision<fp32>, transpose_lhs_hint = false} : vector<256x128xf32>, vector<128x128xf32>, vector<256x128xf32> -> vector<256x128xf32>
    %get3A_30 = arith.constant 0 : index
    %get3A_31 = arith.constant 0 : index
    %get3A_32 = vector.load %arg6[%get3A_30, %get3A_31] : memref<1x128xf32, #tpu.memory_space<vmem>>, vector<1x128xf32>
    %add3A_33 = vector.broadcast %get3A_32 : vector<1x128xf32> to vector<256x128xf32>
    %add3A_34 = arith.addf %dot_general3A_29, %add3A_33 : vector<256x128xf32>
    %add3A_35 = arith.addf %add3A_34, %add3A_12 : vector<256x128xf32>
    %swap3A = arith.constant 0 : index
    %swap3A_36 = arith.constant 0 : index
    %swap3A_37 = vector.load %arg13[%swap3A, %swap3A_36] : memref<256x128xf32, #tpu.memory_space<vmem>>, vector<256x128xf32>
    tpu.vector_store %arg13[%swap3A, %swap3A_36], %add3A_35 {strides = array<i32>} : memref<256x128xf32, #tpu.memory_space<vmem>>, vector<256x128xf32>,
    %get3A_38 = arith.constant 0 : index
    %get3A_39 = arith.constant 0 : index
    %get3A_40 = vector.load %arg2[%get3A_38, %get3A_39] : memref<256x128xf32, #tpu.memory_space<vmem>>, vector<256x128xf32>
    %get3A_41 = arith.constant 0 : index
    %get3A_42 = arith.constant 0 : index
    %get3A_43 = vector.load %arg9[%get3A_41, %get3A_42] : memref<128x256xf32, #tpu.memory_space<vmem>>, vector<128x256xf32>
    %dot_general3A_44 = arith.constant dense<0.000000e+00> : vector<256x256xf32>
    %dot_general3A_45 = tpu.matmul %get3A_40, %get3A_43, %dot_general3A_44 {dimension_numbers = #tpu.dot_dimension_numbers<[1], [0], [0], [1], [0, 0, 1, 1], [], []>, precision = #tpu.contract_precision<fp32>, transpose_lhs_hint = false} : vector<256x128xf32>, vector<128x256xf32>, vector<256x256xf32> -> vector<256x256xf32>
    %get3A_46 = arith.constant 0 : index
    %get3A_47 = arith.constant 0 : index
    %get3A_48 = vector.load %arg10[%get3A_46, %get3A_47] : memref<1x256xf32, #tpu.memory_space<vmem>>, vector<1x256xf32>
    %add3A_49 = vector.broadcast %get3A_48 : vector<1x256xf32> to vector<256x256xf32>
    %add3A_50 = arith.addf %dot_general3A_45, %add3A_49 : vector<256x256xf32>
    %swap3A_51 = arith.constant 0 : index
    %swap3A_52 = arith.constant 0 : index
    %swap3A_53 = vector.load %arg14[%swap3A_51, %swap3A_52] : memref<256x256xf32, #tpu.memory_space<vmem>>, vector<256x256xf32>
    tpu.vector_store %arg14[%swap3A_51, %swap3A_52], %add3A_50 {strides = array<i32>} : memref<256x256xf32, #tpu.memory_space<vmem>>, vector<256x256xf32>,
    %get3A_54 = arith.constant 0 : index
    %get3A_55 = arith.constant 0 : index
    %get3A_56 = vector.load %arg11[%get3A_54, %get3A_55] : memref<128x256xf32, #tpu.memory_space<vmem>>, vector<128x256xf32>
    %dot_general3A_57 = arith.constant dense<0.000000e+00> : vector<256x256xf32>
    %dot_general3A_58 = tpu.matmul %add3A_35, %get3A_56, %dot_general3A_57 {dimension_numbers = #tpu.dot_dimension_numbers<[1], [0], [0], [1], [0, 0, 1, 1], [], []>, precision = #tpu.contract_precision<fp32>, transpose_lhs_hint = false} : vector<256x128xf32>, vector<128x256xf32>, vector<256x256xf32> -> vector<256x256xf32>
    %get3A_59 = arith.constant 0 : index
    %get3A_60 = arith.constant 0 : index
    %get3A_61 = vector.load %arg12[%get3A_59, %get3A_60] : memref<1x256xf32, #tpu.memory_space<vmem>>, vector<1x256xf32>
    %add3A_62 = vector.broadcast %get3A_61 : vector<1x256xf32> to vector<256x256xf32>
    %add3A_63 = arith.addf %dot_general3A_58, %add3A_62 : vector<256x256xf32>
    %swap3A_64 = arith.constant 0 : index
    %swap3A_65 = arith.constant 0 : index
    %swap3A_66 = vector.load %arg15[%swap3A_64, %swap3A_65] : memref<256x256xf32, #tpu.memory_space<vmem>>, vector<256x256xf32>
    tpu.vector_store %arg15[%swap3A_64, %swap3A_65], %add3A_63 {strides = array<i32>} : memref<256x256xf32, #tpu.memory_space<vmem>>, vector<256x256xf32>,
    return
  }
  func.func @transform_0(%arg0: i32) -> (i32, i32) {
    %c0_i32 = arith.constant 0 : i32
    %c0_i32_0 = arith.constant 0 : i32
    return %arg0, %c0_i32 : i32, i32
  }
  func.func @transform_1(%arg0: i32) -> (i32, i32) {
    %c0_i32 = arith.constant 0 : i32
    %c0_i32_0 = arith.constant 0 : i32
    return %arg0, %c0_i32 : i32, i32
  }
  func.func @transform_2(%arg0: i32) -> (i32, i32) {
    %c0_i32 = arith.constant 0 : i32
    %c0_i32_0 = arith.constant 0 : i32
    %c0_i32_1 = arith.constant 0 : i32
    return %c0_i32, %c0_i32_0 : i32, i32
  }
  func.func @transform_3(%arg0: i32) -> (i32, i32) {
    %c0_i32 = arith.constant 0 : i32
    %c0_i32_0 = arith.constant 0 : i32
    %c0_i32_1 = arith.constant 0 : i32
    return %c0_i32, %c0_i32_0 : i32, i32
  }
  func.func @transform_4(%arg0: i32) -> (i32, i32) {
    %c0_i32 = arith.constant 0 : i32
    %c0_i32_0 = arith.constant 0 : i32
    %c0_i32_1 = arith.constant 0 : i32
    return %c0_i32, %c0_i32_0 : i32, i32
  }
  func.func @transform_5(%arg0: i32) -> (i32, i32) {
    %c0_i32 = arith.constant 0 : i32
    %c0_i32_0 = arith.constant 0 : i32
    %c0_i32_1 = arith.constant 0 : i32
    return %c0_i32, %c0_i32_0 : i32, i32
  }
  func.func @transform_6(%arg0: i32) -> (i32, i32) {
    %c0_i32 = arith.constant 0 : i32
    %c0_i32_0 = arith.constant 0 : i32
    %c0_i32_1 = arith.constant 0 : i32
    return %c0_i32, %c0_i32_0 : i32, i32
  }
  func.func @transform_7(%arg0: i32) -> (i32, i32) {
    %c0_i32 = arith.constant 0 : i32
    %c0_i32_0 = arith.constant 0 : i32
    %c0_i32_1 = arith.constant 0 : i32
    return %c0_i32, %c0_i32_0 : i32, i32
  }
  func.func @transform_8(%arg0: i32) -> (i32, i32) {
    %c0_i32 = arith.constant 0 : i32
    %c0_i32_0 = arith.constant 0 : i32
    %c0_i32_1 = arith.constant 0 : i32
    return %c0_i32, %c0_i32_0 : i32, i32
  }
  func.func @transform_9(%arg0: i32) -> (i32, i32) {
    %c0_i32 = arith.constant 0 : i32
    %c0_i32_0 = arith.constant 0 : i32
    %c0_i32_1 = arith.constant 0 : i32
    return %c0_i32, %c0_i32_0 : i32, i32
  }
  func.func @transform_10(%arg0: i32) -> (i32, i32) {
    %c0_i32 = arith.constant 0 : i32
    %c0_i32_0 = arith.constant 0 : i32
    %c0_i32_1 = arith.constant 0 : i32
    return %c0_i32, %c0_i32_0 : i32, i32
  }
  func.func @transform_11(%arg0: i32) -> (i32, i32) {
    %c0_i32 = arith.constant 0 : i32
    %c0_i32_0 = arith.constant 0 : i32
    %c0_i32_1 = arith.constant 0 : i32
    return %c0_i32, %c0_i32_0 : i32, i32
  }
  func.func @transform_12(%arg0: i32) -> (i32, i32) {
    %c0_i32 = arith.constant 0 : i32
    %c0_i32_0 = arith.constant 0 : i32
    return %arg0, %c0_i32 : i32, i32
  }
  func.func @transform_13(%arg0: i32) -> (i32, i32) {
    %c0_i32 = arith.constant 0 : i32
    %c0_i32_0 = arith.constant 0 : i32
    return %arg0, %c0_i32 : i32, i32
  }
  func.func @transform_14(%arg0: i32) -> (i32, i32) {
    %c0_i32 = arith.constant 0 : i32
    %c0_i32_0 = arith.constant 0 : i32
    return %arg0, %c0_i32 : i32, i32
  }
}

module attributes {stable_mosaic.version = 14 : i64} {
  func.func @_mom_body(%arg0: i32, %arg1: memref<256x128xf32, #tpu.memory_space<vmem>>, %arg2: memref<4096x128xi32, #tpu.memory_space<vmem>>, %arg3: memref<8x16xf32, #tpu.memory_space<vmem>>, %arg4: memref<16x16xf32, #tpu.memory_space<vmem>>) attributes {dimension_semantics = [#tpu.dimension_semantics<arbitrary>], iteration_bounds = array<i64: 8>, scalar_prefetch = 0 : i64, scratch_operands = 0 : i64, tpu.core_type = #tpu.core_type<tc>, window_params = [{transform_indices = @transform_0, window_bounds = array<i64: 256, 128>}, {transform_indices = @transform_1, window_bounds = array<i64: 4096, 128>}, {pipeline_mode = #tpu.pipeline_mode<synchronous>, transform_indices = @transform_2, window_bounds = array<i64: 8, 16>}, {pipeline_mode = #tpu.pipeline_mode<synchronous>, transform_indices = @transform_3, window_bounds = array<i64: 16, 16>}]} {
    %get3A = arith.constant 0 : index
    %get3A_0 = arith.constant 0 : index
    %get3A_1 = vector.load %arg2[%get3A, %get3A_0] : memref<4096x128xi32, #tpu.memory_space<vmem>>, vector<4096x128xi32>
    %slice3A = vector.extract_strided_slice %get3A_1 {offsets = [0, 0], sizes = [4096, 16], strides = [1, 1]} : vector<4096x128xi32> to vector<4096x16xi32>
    %bitcast_convert_type3A = tpu.bitcast %slice3A : vector<4096x16xi32> -> vector<4096x16xf32>
    %get3A_2 = arith.constant 0 : index
    %get3A_3 = arith.constant 0 : index
    %get3A_4 = vector.load %arg1[%get3A_2, %get3A_3] : memref<256x128xf32, #tpu.memory_space<vmem>>, vector<256x128xf32>
    %slice3A_5 = vector.extract_strided_slice %get3A_4 {offsets = [0, 0], sizes = [256, 16], strides = [1, 1]} : vector<256x128xf32> to vector<256x16xf32>
    %broadcast_in_dim3A = vector.shape_cast %slice3A_5 : vector<256x16xf32> to vector<256x1x16xf32>
    %broadcast_in_dim3A_6 = vector.shape_cast %broadcast_in_dim3A : vector<256x1x16xf32> to vector<256x1x16xf32>
    %broadcast_in_dim3A_7 = vector.broadcast %broadcast_in_dim3A_6 : vector<256x1x16xf32> to vector<256x16x16xf32>
    %reshape3A = vector.shape_cast %broadcast_in_dim3A_7 : vector<256x16x16xf32> to vector<4096x16xf32>
    %sub3A = arith.subf %reshape3A, %bitcast_convert_type3A : vector<4096x16xf32>
    %reduce_sum3A = arith.constant dense<0.000000e+00> : vector<16xf32>
    %reduce_sum3A_8 = vector.multi_reduction <add>, %sub3A, %reduce_sum3A [0] : vector<4096x16xf32> to vector<16xf32>
    %broadcast_in_dim3A_9 = vector.shape_cast %reduce_sum3A_8 : vector<16xf32> to vector<1x16xf32>
    %broadcast_in_dim3A_10 = vector.shape_cast %broadcast_in_dim3A_9 : vector<1x16xf32> to vector<1x16xf32>
    %broadcast_in_dim3A_11 = vector.broadcast %broadcast_in_dim3A_10 : vector<1x16xf32> to vector<8x16xf32>
    %dot_general3A = arith.constant dense<0.000000e+00> : vector<16x16xf32>
    %dot_general3A_12 = tpu.matmul %sub3A, %sub3A, %dot_general3A {dimension_numbers = #tpu.dot_dimension_numbers<[0], [0], [1], [1], [0, 1, 1, 1], [], []>, precision = #tpu.contract_precision<fp32>, transpose_lhs_hint = false} : vector<4096x16xf32>, vector<4096x16xf32>, vector<16x16xf32> -> vector<16x16xf32>
    %eq3A = arith.constant 0 : i32
    %eq3A_13 = arith.cmpi eq, %arg0, %eq3A : i32
    %convert_element_type3A = arith.extui %eq3A_13 : i1 to i32
    %cond3A = arith.constant 0 : i32
    %cond3A_14 = arith.cmpi ne, %convert_element_type3A, %cond3A : i32
    scf.if %cond3A_14 {
      %broadcast_in_dim3A_27 = arith.constant 0.000000e+00 : f32
      %broadcast_in_dim3A_28 = vector.broadcast %broadcast_in_dim3A_27 : f32 to vector<8x16xf32>
      %swap3A_29 = arith.constant 0 : index
      %swap3A_30 = arith.constant 0 : index
      %swap3A_31 = vector.load %arg3[%swap3A_29, %swap3A_30] : memref<8x16xf32, #tpu.memory_space<vmem>>, vector<8x16xf32>
      tpu.vector_store %arg3[%swap3A_29, %swap3A_30], %broadcast_in_dim3A_28 {strides = array<i32>} : memref<8x16xf32, #tpu.memory_space<vmem>>, vector<8x16xf32>,
      %broadcast_in_dim3A_32 = arith.constant 0.000000e+00 : f32
      %broadcast_in_dim3A_33 = vector.broadcast %broadcast_in_dim3A_32 : f32 to vector<16x16xf32>
      %swap3A_34 = arith.constant 0 : index
      %swap3A_35 = arith.constant 0 : index
      %swap3A_36 = vector.load %arg4[%swap3A_34, %swap3A_35] : memref<16x16xf32, #tpu.memory_space<vmem>>, vector<16x16xf32>
      tpu.vector_store %arg4[%swap3A_34, %swap3A_35], %broadcast_in_dim3A_33 {strides = array<i32>} : memref<16x16xf32, #tpu.memory_space<vmem>>, vector<16x16xf32>,
    } else {
    }
    %get3A_15 = arith.constant 0 : index
    %get3A_16 = arith.constant 0 : index
    %get3A_17 = vector.load %arg3[%get3A_15, %get3A_16] : memref<8x16xf32, #tpu.memory_space<vmem>>, vector<8x16xf32>
    %add3A = arith.addf %get3A_17, %broadcast_in_dim3A_11 : vector<8x16xf32>
    %swap3A = arith.constant 0 : index
    %swap3A_18 = arith.constant 0 : index
    %swap3A_19 = vector.load %arg3[%swap3A, %swap3A_18] : memref<8x16xf32, #tpu.memory_space<vmem>>, vector<8x16xf32>
    tpu.vector_store %arg3[%swap3A, %swap3A_18], %add3A {strides = array<i32>} : memref<8x16xf32, #tpu.memory_space<vmem>>, vector<8x16xf32>,
    %get3A_20 = arith.constant 0 : index
    %get3A_21 = arith.constant 0 : index
    %get3A_22 = vector.load %arg4[%get3A_20, %get3A_21] : memref<16x16xf32, #tpu.memory_space<vmem>>, vector<16x16xf32>
    %add3A_23 = arith.addf %get3A_22, %dot_general3A_12 : vector<16x16xf32>
    %swap3A_24 = arith.constant 0 : index
    %swap3A_25 = arith.constant 0 : index
    %swap3A_26 = vector.load %arg4[%swap3A_24, %swap3A_25] : memref<16x16xf32, #tpu.memory_space<vmem>>, vector<16x16xf32>
    tpu.vector_store %arg4[%swap3A_24, %swap3A_25], %add3A_23 {strides = array<i32>} : memref<16x16xf32, #tpu.memory_space<vmem>>, vector<16x16xf32>,
    return
  }
  func.func @transform_0(%arg0: i32) -> (i32, i32) {
    %c0_i32 = arith.constant 0 : i32
    %c0_i32_0 = arith.constant 0 : i32
    return %arg0, %c0_i32 : i32, i32
  }
  func.func @transform_1(%arg0: i32) -> (i32, i32) {
    %c1_i32 = arith.constant 1 : i32
    %c0_i32 = arith.constant 0 : i32
    return %arg0, %c1_i32 : i32, i32
  }
  func.func @transform_2(%arg0: i32) -> (i32, i32) {
    %c0_i32 = arith.constant 0 : i32
    %c0_i32_0 = arith.constant 0 : i32
    %c0_i32_1 = arith.constant 0 : i32
    return %c0_i32, %c0_i32_0 : i32, i32
  }
  func.func @transform_3(%arg0: i32) -> (i32, i32) {
    %c0_i32 = arith.constant 0 : i32
    %c0_i32_0 = arith.constant 0 : i32
    %c0_i32_1 = arith.constant 0 : i32
    return %c0_i32, %c0_i32_0 : i32, i32
  }
}

module attributes {stable_mosaic.version = 14 : i64} {
  func.func @_z_body(%arg0: i32, %arg1: memref<256x128xf32, #tpu.memory_space<vmem>>, %arg2: memref<4096x128xi32, #tpu.memory_space<vmem>>, %arg3: memref<4096x128xi32, #tpu.memory_space<vmem>>, %arg4: memref<256x256xf32, #tpu.memory_space<vmem>>, %arg5: memref<8x64xf32, #tpu.memory_space<vmem>>, %arg6: memref<64x256xf32, #tpu.memory_space<vmem>>, %arg7: memref<1x256xf32, #tpu.memory_space<vmem>>, %arg8: memref<256x256xf32, #tpu.memory_space<vmem>>, %arg9: memref<8x256xf32, #tpu.memory_space<vmem>>) attributes {dimension_semantics = [#tpu.dimension_semantics<arbitrary>], iteration_bounds = array<i64: 8>, scalar_prefetch = 0 : i64, scratch_operands = 0 : i64, tpu.core_type = #tpu.core_type<tc>, window_params = [{transform_indices = @transform_0, window_bounds = array<i64: 256, 128>}, {transform_indices = @transform_1, window_bounds = array<i64: 4096, 128>}, {transform_indices = @transform_2, window_bounds = array<i64: 4096, 128>}, {transform_indices = @transform_3, window_bounds = array<i64: 256, 256>}, {pipeline_mode = #tpu.pipeline_mode<synchronous>, transform_indices = @transform_4, window_bounds = array<i64: 8, 64>}, {pipeline_mode = #tpu.pipeline_mode<synchronous>, transform_indices = @transform_5, window_bounds = array<i64: 64, 256>}, {pipeline_mode = #tpu.pipeline_mode<synchronous>, transform_indices = @transform_6, window_bounds = array<i64: 1, 256>}, {pipeline_mode = #tpu.pipeline_mode<synchronous>, transform_indices = @transform_7, window_bounds = array<i64: 256, 256>}, {pipeline_mode = #tpu.pipeline_mode<synchronous>, transform_indices = @transform_8, window_bounds = array<i64: 8, 256>}]} {
    %get3A = arith.constant 0 : index
    %get3A_0 = arith.constant 0 : index
    %get3A_1 = vector.load %arg2[%get3A, %get3A_0] : memref<4096x128xi32, #tpu.memory_space<vmem>>, vector<4096x128xi32>
    %shift_left3A = arith.constant 16 : i32
    %shift_left3A_2 = vector.broadcast %shift_left3A : i32 to vector<4096x128xi32>
    %shift_left3A_3 = arith.shli %get3A_1, %shift_left3A_2 : vector<4096x128xi32>
    %bitcast_convert_type3A = tpu.bitcast %shift_left3A_3 : vector<4096x128xi32> -> vector<4096x128xf32>
    %and3A = arith.constant -65536 : i32
    %and3A_4 = vector.broadcast %and3A : i32 to vector<4096x128xi32>
    %and3A_5 = arith.andi %get3A_1, %and3A_4 : vector<4096x128xi32>
    %bitcast_convert_type3A_6 = tpu.bitcast %and3A_5 : vector<4096x128xi32> -> vector<4096x128xf32>
    %concatenate3A = tpu.concatenate %bitcast_convert_type3A, %bitcast_convert_type3A_6 in 1 : vector<4096x128xf32>, vector<4096x128xf32> -> vector<4096x256xf32>
    %get3A_7 = arith.constant 0 : index
    %get3A_8 = arith.constant 0 : index
    %get3A_9 = vector.load %arg3[%get3A_7, %get3A_8] : memref<4096x128xi32, #tpu.memory_space<vmem>>, vector<4096x128xi32>
    %slice3A = vector.extract_strided_slice %get3A_9 {offsets = [0, 0], sizes = [4096, 16], strides = [1, 1]} : vector<4096x128xi32> to vector<4096x16xi32>
    %bitcast_convert_type3A_10 = tpu.bitcast %slice3A : vector<4096x16xi32> -> vector<4096x16xf32>
    %get3A_11 = arith.constant 0 : index
    %get3A_12 = arith.constant 0 : index
    %get3A_13 = vector.load %arg1[%get3A_11, %get3A_12] : memref<256x128xf32, #tpu.memory_space<vmem>>, vector<256x128xf32>
    %slice3A_14 = vector.extract_strided_slice %get3A_13 {offsets = [0, 0], sizes = [256, 1], strides = [1, 1]} : vector<256x128xf32> to vector<256x1xf32>
    %broadcast_in_dim3A = vector.shape_cast %slice3A_14 : vector<256x1xf32> to vector<256x1x1xf32>
    %broadcast_in_dim3A_15 = vector.shape_cast %broadcast_in_dim3A : vector<256x1x1xf32> to vector<256x1x1xf32>
    %broadcast_in_dim3A_16 = vector.broadcast %broadcast_in_dim3A_15 : vector<256x1x1xf32> to vector<256x16x1xf32>
    %reshape3A = vector.shape_cast %broadcast_in_dim3A_16 : vector<256x16x1xf32> to vector<4096x1xf32>
    %slice3A_17 = vector.extract_strided_slice %bitcast_convert_type3A_10 {offsets = [0, 0], sizes = [4096, 1], strides = [1, 1]} : vector<4096x16xf32> to vector<4096x1xf32>
    %sub3A = arith.subf %reshape3A, %slice3A_17 : vector<4096x1xf32>
    %slice3A_18 = vector.extract_strided_slice %get3A_13 {offsets = [0, 1], sizes = [256, 1], strides = [1, 1]} : vector<256x128xf32> to vector<256x1xf32>
    %broadcast_in_dim3A_19 = vector.shape_cast %slice3A_18 : vector<256x1xf32> to vector<256x1x1xf32>
    %broadcast_in_dim3A_20 = vector.shape_cast %broadcast_in_dim3A_19 : vector<256x1x1xf32> to vector<256x1x1xf32>
    %broadcast_in_dim3A_21 = vector.broadcast %broadcast_in_dim3A_20 : vector<256x1x1xf32> to vector<256x16x1xf32>
    %reshape3A_22 = vector.shape_cast %broadcast_in_dim3A_21 : vector<256x16x1xf32> to vector<4096x1xf32>
    %slice3A_23 = vector.extract_strided_slice %bitcast_convert_type3A_10 {offsets = [0, 1], sizes = [4096, 1], strides = [1, 1]} : vector<4096x16xf32> to vector<4096x1xf32>
    %sub3A_24 = arith.subf %reshape3A_22, %slice3A_23 : vector<4096x1xf32>
    %slice3A_25 = vector.extract_strided_slice %get3A_13 {offsets = [0, 2], sizes = [256, 1], strides = [1, 1]} : vector<256x128xf32> to vector<256x1xf32>
    %broadcast_in_dim3A_26 = vector.shape_cast %slice3A_25 : vector<256x1xf32> to vector<256x1x1xf32>
    %broadcast_in_dim3A_27 = vector.shape_cast %broadcast_in_dim3A_26 : vector<256x1x1xf32> to vector<256x1x1xf32>
    %broadcast_in_dim3A_28 = vector.broadcast %broadcast_in_dim3A_27 : vector<256x1x1xf32> to vector<256x16x1xf32>
    %reshape3A_29 = vector.shape_cast %broadcast_in_dim3A_28 : vector<256x16x1xf32> to vector<4096x1xf32>
    %slice3A_30 = vector.extract_strided_slice %bitcast_convert_type3A_10 {offsets = [0, 2], sizes = [4096, 1], strides = [1, 1]} : vector<4096x16xf32> to vector<4096x1xf32>
    %sub3A_31 = arith.subf %reshape3A_29, %slice3A_30 : vector<4096x1xf32>
    %get3A_32 = arith.constant 0 : index
    %get3A_33 = arith.constant 0 : index
    %get3A_34 = vector.load %arg5[%get3A_32, %get3A_33] : memref<8x64xf32, #tpu.memory_space<vmem>>, vector<8x64xf32>
    %slice3A_35 = vector.extract_strided_slice %get3A_34 {offsets = [0, 0], sizes = [1, 64], strides = [1, 1]} : vector<8x64xf32> to vector<1x64xf32>
    %mul3A = vector.broadcast %sub3A : vector<4096x1xf32> to vector<4096x64xf32>
    %mul3A_36 = vector.broadcast %slice3A_35 : vector<1x64xf32> to vector<4096x64xf32>
    %mul3A_37 = arith.mulf %mul3A, %mul3A_36 : vector<4096x64xf32>
    %slice3A_38 = vector.extract_strided_slice %get3A_34 {offsets = [1, 0], sizes = [1, 64], strides = [1, 1]} : vector<8x64xf32> to vector<1x64xf32>
    %mul3A_39 = vector.broadcast %sub3A_24 : vector<4096x1xf32> to vector<4096x64xf32>
    %mul3A_40 = vector.broadcast %slice3A_38 : vector<1x64xf32> to vector<4096x64xf32>
    %mul3A_41 = arith.mulf %mul3A_39, %mul3A_40 : vector<4096x64xf32>
    %add3A = arith.addf %mul3A_37, %mul3A_41 : vector<4096x64xf32>
    %slice3A_42 = vector.extract_strided_slice %get3A_34 {offsets = [2, 0], sizes = [1, 64], strides = [1, 1]} : vector<8x64xf32> to vector<1x64xf32>
    %mul3A_43 = vector.broadcast %sub3A_31 : vector<4096x1xf32> to vector<4096x64xf32>
    %mul3A_44 = vector.broadcast %slice3A_42 : vector<1x64xf32> to vector<4096x64xf32>
    %mul3A_45 = arith.mulf %mul3A_43, %mul3A_44 : vector<4096x64xf32>
    %add3A_46 = arith.addf %add3A, %mul3A_45 : vector<4096x64xf32>
    %slice3A_47 = vector.extract_strided_slice %get3A_34 {offsets = [3, 0], sizes = [1, 64], strides = [1, 1]} : vector<8x64xf32> to vector<1x64xf32>
    %add3A_48 = vector.broadcast %slice3A_47 : vector<1x64xf32> to vector<4096x64xf32>
    %add3A_49 = arith.addf %add3A_46, %add3A_48 : vector<4096x64xf32>
    %max3A = arith.constant 0.000000e+00 : f32
    %max3A_50 = vector.broadcast %max3A : f32 to vector<4096x64xf32>
    %max3A_51 = arith.maximumf %add3A_49, %max3A_50 : vector<4096x64xf32>
    %get3A_52 = arith.constant 0 : index
    %get3A_53 = arith.constant 0 : index
    %get3A_54 = vector.load %arg6[%get3A_52, %get3A_53] : memref<64x256xf32, #tpu.memory_space<vmem>>, vector<64x256xf32>
    %dot_general3A = arith.constant dense<0.000000e+00> : vector<4096x256xf32>
    %dot_general3A_55 = tpu.matmul %max3A_51, %get3A_54, %dot_general3A {dimension_numbers = #tpu.dot_dimension_numbers<[1], [0], [0], [1], [0, 0, 1, 1], [], []>, transpose_lhs_hint = false} : vector<4096x64xf32>, vector<64x256xf32>, vector<4096x256xf32> -> vector<4096x256xf32>
    %get3A_56 = arith.constant 0 : index
    %get3A_57 = arith.constant 0 : index
    %get3A_58 = vector.load %arg7[%get3A_56, %get3A_57] : memref<1x256xf32, #tpu.memory_space<vmem>>, vector<1x256xf32>
    %add3A_59 = vector.broadcast %get3A_58 : vector<1x256xf32> to vector<4096x256xf32>
    %add3A_60 = arith.addf %dot_general3A_55, %add3A_59 : vector<4096x256xf32>
    %get3A_61 = arith.constant 0 : index
    %get3A_62 = arith.constant 0 : index
    %get3A_63 = vector.load %arg4[%get3A_61, %get3A_62] : memref<256x256xf32, #tpu.memory_space<vmem>>, vector<256x256xf32>
    %broadcast_in_dim3A_64 = vector.shape_cast %get3A_63 : vector<256x256xf32> to vector<256x1x256xf32>
    %broadcast_in_dim3A_65 = vector.shape_cast %broadcast_in_dim3A_64 : vector<256x1x256xf32> to vector<256x1x256xf32>
    %broadcast_in_dim3A_66 = vector.broadcast %broadcast_in_dim3A_65 : vector<256x1x256xf32> to vector<256x16x256xf32>
    %reshape3A_67 = vector.shape_cast %broadcast_in_dim3A_66 : vector<256x16x256xf32> to vector<4096x256xf32>
    %sub3A_68 = arith.subf %reshape3A_67, %concatenate3A : vector<4096x256xf32>
    %add3A_69 = arith.addf %sub3A_68, %add3A_60 : vector<4096x256xf32>
    %dot_general3A_70 = arith.constant dense<0.000000e+00> : vector<256x256xf32>
    %dot_general3A_71 = tpu.matmul %add3A_69, %add3A_69, %dot_general3A_70 {dimension_numbers = #tpu.dot_dimension_numbers<[0], [0], [1], [1], [0, 1, 1, 1], [], []>, transpose_lhs_hint = false} : vector<4096x256xf32>, vector<4096x256xf32>, vector<256x256xf32> -> vector<256x256xf32>
    %reduce_sum3A = arith.constant dense<0.000000e+00> : vector<256xf32>
    %reduce_sum3A_72 = vector.multi_reduction <add>, %add3A_69, %reduce_sum3A [0] : vector<4096x256xf32> to vector<256xf32>
    %broadcast_in_dim3A_73 = vector.shape_cast %reduce_sum3A_72 : vector<256xf32> to vector<1x256xf32>
    %broadcast_in_dim3A_74 = vector.shape_cast %broadcast_in_dim3A_73 : vector<1x256xf32> to vector<1x256xf32>
    %broadcast_in_dim3A_75 = vector.broadcast %broadcast_in_dim3A_74 : vector<1x256xf32> to vector<8x256xf32>
    %eq3A = arith.constant 0 : i32
    %eq3A_76 = arith.cmpi eq, %arg0, %eq3A : i32
    %convert_element_type3A = arith.extui %eq3A_76 : i1 to i32
    %cond3A = arith.constant 0 : i32
    %cond3A_77 = arith.cmpi ne, %convert_element_type3A, %cond3A : i32
    scf.if %cond3A_77 {
      %broadcast_in_dim3A_91 = arith.constant 0.000000e+00 : f32
      %broadcast_in_dim3A_92 = vector.broadcast %broadcast_in_dim3A_91 : f32 to vector<256x256xf32>
      %swap3A_93 = arith.constant 0 : index
      %swap3A_94 = arith.constant 0 : index
      %swap3A_95 = vector.load %arg8[%swap3A_93, %swap3A_94] : memref<256x256xf32, #tpu.memory_space<vmem>>, vector<256x256xf32>
      tpu.vector_store %arg8[%swap3A_93, %swap3A_94], %broadcast_in_dim3A_92 {strides = array<i32>} : memref<256x256xf32, #tpu.memory_space<vmem>>, vector<256x256xf32>,
      %broadcast_in_dim3A_96 = arith.constant 0.000000e+00 : f32
      %broadcast_in_dim3A_97 = vector.broadcast %broadcast_in_dim3A_96 : f32 to vector<8x256xf32>
      %swap3A_98 = arith.constant 0 : index
      %swap3A_99 = arith.constant 0 : index
      %swap3A_100 = vector.load %arg9[%swap3A_98, %swap3A_99] : memref<8x256xf32, #tpu.memory_space<vmem>>, vector<8x256xf32>
      tpu.vector_store %arg9[%swap3A_98, %swap3A_99], %broadcast_in_dim3A_97 {strides = array<i32>} : memref<8x256xf32, #tpu.memory_space<vmem>>, vector<8x256xf32>,
    } else {
    }
    %get3A_78 = arith.constant 0 : index
    %get3A_79 = arith.constant 0 : index
    %get3A_80 = vector.load %arg8[%get3A_78, %get3A_79] : memref<256x256xf32, #tpu.memory_space<vmem>>, vector<256x256xf32>
    %add3A_81 = arith.addf %get3A_80, %dot_general3A_71 : vector<256x256xf32>
    %swap3A = arith.constant 0 : index
    %swap3A_82 = arith.constant 0 : index
    %swap3A_83 = vector.load %arg8[%swap3A, %swap3A_82] : memref<256x256xf32, #tpu.memory_space<vmem>>, vector<256x256xf32>
    tpu.vector_store %arg8[%swap3A, %swap3A_82], %add3A_81 {strides = array<i32>} : memref<256x256xf32, #tpu.memory_space<vmem>>, vector<256x256xf32>,
    %get3A_84 = arith.constant 0 : index
    %get3A_85 = arith.constant 0 : index
    %get3A_86 = vector.load %arg9[%get3A_84, %get3A_85] : memref<8x256xf32, #tpu.memory_space<vmem>>, vector<8x256xf32>
    %add3A_87 = arith.addf %get3A_86, %broadcast_in_dim3A_75 : vector<8x256xf32>
    %swap3A_88 = arith.constant 0 : index
    %swap3A_89 = arith.constant 0 : index
    %swap3A_90 = vector.load %arg9[%swap3A_88, %swap3A_89] : memref<8x256xf32, #tpu.memory_space<vmem>>, vector<8x256xf32>
    tpu.vector_store %arg9[%swap3A_88, %swap3A_89], %add3A_87 {strides = array<i32>} : memref<8x256xf32, #tpu.memory_space<vmem>>, vector<8x256xf32>,
    return
  }
  func.func @transform_0(%arg0: i32) -> (i32, i32) {
    %c0_i32 = arith.constant 0 : i32
    %c0_i32_0 = arith.constant 0 : i32
    return %arg0, %c0_i32 : i32, i32
  }
  func.func @transform_1(%arg0: i32) -> (i32, i32) {
    %c0_i32 = arith.constant 0 : i32
    %c0_i32_0 = arith.constant 0 : i32
    return %arg0, %c0_i32 : i32, i32
  }
  func.func @transform_2(%arg0: i32) -> (i32, i32) {
    %c1_i32 = arith.constant 1 : i32
    %c0_i32 = arith.constant 0 : i32
    return %arg0, %c1_i32 : i32, i32
  }
  func.func @transform_3(%arg0: i32) -> (i32, i32) {
    %c0_i32 = arith.constant 0 : i32
    %c0_i32_0 = arith.constant 0 : i32
    return %arg0, %c0_i32 : i32, i32
  }
  func.func @transform_4(%arg0: i32) -> (i32, i32) {
    %c0_i32 = arith.constant 0 : i32
    %c0_i32_0 = arith.constant 0 : i32
    %c0_i32_1 = arith.constant 0 : i32
    return %c0_i32, %c0_i32_0 : i32, i32
  }
  func.func @transform_5(%arg0: i32) -> (i32, i32) {
    %c0_i32 = arith.constant 0 : i32
    %c0_i32_0 = arith.constant 0 : i32
    %c0_i32_1 = arith.constant 0 : i32
    return %c0_i32, %c0_i32_0 : i32, i32
  }
  func.func @transform_6(%arg0: i32) -> (i32, i32) {
    %c0_i32 = arith.constant 0 : i32
    %c0_i32_0 = arith.constant 0 : i32
    %c0_i32_1 = arith.constant 0 : i32
    return %c0_i32, %c0_i32_0 : i32, i32
  }
  func.func @transform_7(%arg0: i32) -> (i32, i32) {
    %c0_i32 = arith.constant 0 : i32
    %c0_i32_0 = arith.constant 0 : i32
    %c0_i32_1 = arith.constant 0 : i32
    return %c0_i32, %c0_i32_0 : i32, i32
  }
  func.func @transform_8(%arg0: i32) -> (i32, i32) {
    %c0_i32 = arith.constant 0 : i32
    %c0_i32_0 = arith.constant 0 : i32
    %c0_i32_1 = arith.constant 0 : i32
    return %c0_i32, %c0_i32_0 : i32, i32
  }
}

module attributes {stable_mosaic.version = 14 : i64} {
  func.func @_attn_body(%arg0: i32, %arg1: memref<256x128xf32, #tpu.memory_space<vmem>>, %arg2: memref<4096x128xi32, #tpu.memory_space<vmem>>, %arg3: memref<4096x128xi32, #tpu.memory_space<vmem>>, %arg4: memref<256x256xf32, #tpu.memory_space<vmem>>, %arg5: memref<256x256xf32, #tpu.memory_space<vmem>>, %arg6: memref<256x128xf32, #tpu.memory_space<vmem>>, %arg7: memref<8x64xf32, #tpu.memory_space<vmem>>, %arg8: memref<256x1024xf32, #tpu.memory_space<vmem>>, %arg9: memref<1x1024xf32, #tpu.memory_space<vmem>>, %arg10: memref<1024x256xf32, #tpu.memory_space<vmem>>, %arg11: memref<1x256xf32, #tpu.memory_space<vmem>>, %arg12: memref<64x256xf32, #tpu.memory_space<vmem>>, %arg13: memref<1x256xf32, #tpu.memory_space<vmem>>, %arg14: memref<256x128xf32, #tpu.memory_space<vmem>>, %arg15: memref<1x128xf32, #tpu.memory_space<vmem>>, %arg16: memref<256x128xf32, #tpu.memory_space<vmem>>) attributes {dimension_semantics = [#tpu.dimension_semantics<arbitrary>], iteration_bounds = array<i64: 8>, scalar_prefetch = 0 : i64, scratch_operands = 0 : i64, tpu.core_type = #tpu.core_type<tc>, window_params = [{transform_indices = @transform_0, window_bounds = array<i64: 256, 128>}, {transform_indices = @transform_1, window_bounds = array<i64: 4096, 128>}, {transform_indices = @transform_2, window_bounds = array<i64: 4096, 128>}, {transform_indices = @transform_3, window_bounds = array<i64: 256, 256>}, {transform_indices = @transform_4, window_bounds = array<i64: 256, 256>}, {transform_indices = @transform_5, window_bounds = array<i64: 256, 128>}, {pipeline_mode = #tpu.pipeline_mode<synchronous>, transform_indices = @transform_6, window_bounds = array<i64: 8, 64>}, {pipeline_mode = #tpu.pipeline_mode<synchronous>, transform_indices = @transform_7, window_bounds = array<i64: 256, 1024>}, {pipeline_mode = #tpu.pipeline_mode<synchronous>, transform_indices = @transform_8, window_bounds = array<i64: 1, 1024>}, {pipeline_mode = #tpu.pipeline_mode<synchronous>, transform_indices = @transform_9, window_bounds = array<i64: 1024, 256>}, {pipeline_mode = #tpu.pipeline_mode<synchronous>, transform_indices = @transform_10, window_bounds = array<i64: 1, 256>}, {pipeline_mode = #tpu.pipeline_mode<synchronous>, transform_indices = @transform_11, window_bounds = array<i64: 64, 256>}, {pipeline_mode = #tpu.pipeline_mode<synchronous>, transform_indices = @transform_12, window_bounds = array<i64: 1, 256>}, {pipeline_mode = #tpu.pipeline_mode<synchronous>, transform_indices = @transform_13, window_bounds = array<i64: 256, 128>}, {pipeline_mode = #tpu.pipeline_mode<synchronous>, transform_indices = @transform_14, window_bounds = array<i64: 1, 128>}, {transform_indices = @transform_15, window_bounds = array<i64: 256, 128>}]} {
    %get3A = arith.constant 0 : index
    %get3A_0 = arith.constant 0 : index
    %get3A_1 = vector.load %arg2[%get3A, %get3A_0] : memref<4096x128xi32, #tpu.memory_space<vmem>>, vector<4096x128xi32>
    %shift_left3A = arith.constant 16 : i32
    %shift_left3A_2 = vector.broadcast %shift_left3A : i32 to vector<4096x128xi32>
    %shift_left3A_3 = arith.shli %get3A_1, %shift_left3A_2 : vector<4096x128xi32>
    %bitcast_convert_type3A = tpu.bitcast %shift_left3A_3 : vector<4096x128xi32> -> vector<4096x128xf32>
    %and3A = arith.constant -65536 : i32
    %and3A_4 = vector.broadcast %and3A : i32 to vector<4096x128xi32>
    %and3A_5 = arith.andi %get3A_1, %and3A_4 : vector<4096x128xi32>
    %bitcast_convert_type3A_6 = tpu.bitcast %and3A_5 : vector<4096x128xi32> -> vector<4096x128xf32>
    %concatenate3A = tpu.concatenate %bitcast_convert_type3A, %bitcast_convert_type3A_6 in 1 : vector<4096x128xf32>, vector<4096x128xf32> -> vector<4096x256xf32>
    %get3A_7 = arith.constant 0 : index
    %get3A_8 = arith.constant 0 : index
    %get3A_9 = vector.load %arg3[%get3A_7, %get3A_8] : memref<4096x128xi32, #tpu.memory_space<vmem>>, vector<4096x128xi32>
    %slice3A = vector.extract_strided_slice %get3A_9 {offsets = [0, 0], sizes = [4096, 16], strides = [1, 1]} : vector<4096x128xi32> to vector<4096x16xi32>
    %bitcast_convert_type3A_10 = tpu.bitcast %slice3A : vector<4096x16xi32> -> vector<4096x16xf32>
    %get3A_11 = arith.constant 0 : index
    %get3A_12 = arith.constant 0 : index
    %get3A_13 = vector.load %arg1[%get3A_11, %get3A_12] : memref<256x128xf32, #tpu.memory_space<vmem>>, vector<256x128xf32>
    %slice3A_14 = vector.extract_strided_slice %get3A_13 {offsets = [0, 0], sizes = [256, 1], strides = [1, 1]} : vector<256x128xf32> to vector<256x1xf32>
    %broadcast_in_dim3A = vector.shape_cast %slice3A_14 : vector<256x1xf32> to vector<256x1x1xf32>
    %broadcast_in_dim3A_15 = vector.shape_cast %broadcast_in_dim3A : vector<256x1x1xf32> to vector<256x1x1xf32>
    %broadcast_in_dim3A_16 = vector.broadcast %broadcast_in_dim3A_15 : vector<256x1x1xf32> to vector<256x16x1xf32>
    %reshape3A = vector.shape_cast %broadcast_in_dim3A_16 : vector<256x16x1xf32> to vector<4096x1xf32>
    %slice3A_17 = vector.extract_strided_slice %bitcast_convert_type3A_10 {offsets = [0, 0], sizes = [4096, 1], strides = [1, 1]} : vector<4096x16xf32> to vector<4096x1xf32>
    %sub3A = arith.subf %reshape3A, %slice3A_17 : vector<4096x1xf32>
    %slice3A_18 = vector.extract_strided_slice %get3A_13 {offsets = [0, 1], sizes = [256, 1], strides = [1, 1]} : vector<256x128xf32> to vector<256x1xf32>
    %broadcast_in_dim3A_19 = vector.shape_cast %slice3A_18 : vector<256x1xf32> to vector<256x1x1xf32>
    %broadcast_in_dim3A_20 = vector.shape_cast %broadcast_in_dim3A_19 : vector<256x1x1xf32> to vector<256x1x1xf32>
    %broadcast_in_dim3A_21 = vector.broadcast %broadcast_in_dim3A_20 : vector<256x1x1xf32> to vector<256x16x1xf32>
    %reshape3A_22 = vector.shape_cast %broadcast_in_dim3A_21 : vector<256x16x1xf32> to vector<4096x1xf32>
    %slice3A_23 = vector.extract_strided_slice %bitcast_convert_type3A_10 {offsets = [0, 1], sizes = [4096, 1], strides = [1, 1]} : vector<4096x16xf32> to vector<4096x1xf32>
    %sub3A_24 = arith.subf %reshape3A_22, %slice3A_23 : vector<4096x1xf32>
    %slice3A_25 = vector.extract_strided_slice %get3A_13 {offsets = [0, 2], sizes = [256, 1], strides = [1, 1]} : vector<256x128xf32> to vector<256x1xf32>
    %broadcast_in_dim3A_26 = vector.shape_cast %slice3A_25 : vector<256x1xf32> to vector<256x1x1xf32>
    %broadcast_in_dim3A_27 = vector.shape_cast %broadcast_in_dim3A_26 : vector<256x1x1xf32> to vector<256x1x1xf32>
    %broadcast_in_dim3A_28 = vector.broadcast %broadcast_in_dim3A_27 : vector<256x1x1xf32> to vector<256x16x1xf32>
    %reshape3A_29 = vector.shape_cast %broadcast_in_dim3A_28 : vector<256x16x1xf32> to vector<4096x1xf32>
    %slice3A_30 = vector.extract_strided_slice %bitcast_convert_type3A_10 {offsets = [0, 2], sizes = [4096, 1], strides = [1, 1]} : vector<4096x16xf32> to vector<4096x1xf32>
    %sub3A_31 = arith.subf %reshape3A_29, %slice3A_30 : vector<4096x1xf32>
    %get3A_32 = arith.constant 0 : index
    %get3A_33 = arith.constant 0 : index
    %get3A_34 = vector.load %arg7[%get3A_32, %get3A_33] : memref<8x64xf32, #tpu.memory_space<vmem>>, vector<8x64xf32>
    %slice3A_35 = vector.extract_strided_slice %get3A_34 {offsets = [0, 0], sizes = [1, 64], strides = [1, 1]} : vector<8x64xf32> to vector<1x64xf32>
    %mul3A = vector.broadcast %sub3A : vector<4096x1xf32> to vector<4096x64xf32>
    %mul3A_36 = vector.broadcast %slice3A_35 : vector<1x64xf32> to vector<4096x64xf32>
    %mul3A_37 = arith.mulf %mul3A, %mul3A_36 : vector<4096x64xf32>
    %slice3A_38 = vector.extract_strided_slice %get3A_34 {offsets = [1, 0], sizes = [1, 64], strides = [1, 1]} : vector<8x64xf32> to vector<1x64xf32>
    %mul3A_39 = vector.broadcast %sub3A_24 : vector<4096x1xf32> to vector<4096x64xf32>
    %mul3A_40 = vector.broadcast %slice3A_38 : vector<1x64xf32> to vector<4096x64xf32>
    %mul3A_41 = arith.mulf %mul3A_39, %mul3A_40 : vector<4096x64xf32>
    %add3A = arith.addf %mul3A_37, %mul3A_41 : vector<4096x64xf32>
    %slice3A_42 = vector.extract_strided_slice %get3A_34 {offsets = [2, 0], sizes = [1, 64], strides = [1, 1]} : vector<8x64xf32> to vector<1x64xf32>
    %mul3A_43 = vector.broadcast %sub3A_31 : vector<4096x1xf32> to vector<4096x64xf32>
    %mul3A_44 = vector.broadcast %slice3A_42 : vector<1x64xf32> to vector<4096x64xf32>
    %mul3A_45 = arith.mulf %mul3A_43, %mul3A_44 : vector<4096x64xf32>
    %add3A_46 = arith.addf %add3A, %mul3A_45 : vector<4096x64xf32>
    %slice3A_47 = vector.extract_strided_slice %get3A_34 {offsets = [3, 0], sizes = [1, 64], strides = [1, 1]} : vector<8x64xf32> to vector<1x64xf32>
    %add3A_48 = vector.broadcast %slice3A_47 : vector<1x64xf32> to vector<4096x64xf32>
    %add3A_49 = arith.addf %add3A_46, %add3A_48 : vector<4096x64xf32>
    %max3A = arith.constant 0.000000e+00 : f32
    %max3A_50 = vector.broadcast %max3A : f32 to vector<4096x64xf32>
    %max3A_51 = arith.maximumf %add3A_49, %max3A_50 : vector<4096x64xf32>
    %get3A_52 = arith.constant 0 : index
    %get3A_53 = arith.constant 0 : index
    %get3A_54 = vector.load %arg12[%get3A_52, %get3A_53] : memref<64x256xf32, #tpu.memory_space<vmem>>, vector<64x256xf32>
    %dot_general3A = arith.constant dense<0.000000e+00> : vector<4096x256xf32>
    %dot_general3A_55 = tpu.matmul %max3A_51, %get3A_54, %dot_general3A {dimension_numbers = #tpu.dot_dimension_numbers<[1], [0], [0], [1], [0, 0, 1, 1], [], []>, transpose_lhs_hint = false} : vector<4096x64xf32>, vector<64x256xf32>, vector<4096x256xf32> -> vector<4096x256xf32>
    %get3A_56 = arith.constant 0 : index
    %get3A_57 = arith.constant 0 : index
    %get3A_58 = vector.load %arg13[%get3A_56, %get3A_57] : memref<1x256xf32, #tpu.memory_space<vmem>>, vector<1x256xf32>
    %add3A_59 = vector.broadcast %get3A_58 : vector<1x256xf32> to vector<4096x256xf32>
    %add3A_60 = arith.addf %dot_general3A_55, %add3A_59 : vector<4096x256xf32>
    %get3A_61 = arith.constant 0 : index
    %get3A_62 = arith.constant 0 : index
    %get3A_63 = vector.load %arg4[%get3A_61, %get3A_62] : memref<256x256xf32, #tpu.memory_space<vmem>>, vector<256x256xf32>
    %broadcast_in_dim3A_64 = vector.shape_cast %get3A_63 : vector<256x256xf32> to vector<256x1x256xf32>
    %broadcast_in_dim3A_65 = vector.shape_cast %broadcast_in_dim3A_64 : vector<256x1x256xf32> to vector<256x1x256xf32>
    %broadcast_in_dim3A_66 = vector.broadcast %broadcast_in_dim3A_65 : vector<256x1x256xf32> to vector<256x16x256xf32>
    %reshape3A_67 = vector.shape_cast %broadcast_in_dim3A_66 : vector<256x16x256xf32> to vector<4096x256xf32>
    %sub3A_68 = arith.subf %reshape3A_67, %concatenate3A : vector<4096x256xf32>
    %add3A_69 = arith.addf %sub3A_68, %add3A_60 : vector<4096x256xf32>
    %get3A_70 = arith.constant 0 : index
    %get3A_71 = arith.constant 0 : index
    %get3A_72 = vector.load %arg8[%get3A_70, %get3A_71] : memref<256x1024xf32, #tpu.memory_space<vmem>>, vector<256x1024xf32>
    %dot_general3A_73 = arith.constant dense<0.000000e+00> : vector<4096x1024xf32>
    %dot_general3A_74 = tpu.matmul %add3A_69, %get3A_72, %dot_general3A_73 {dimension_numbers = #tpu.dot_dimension_numbers<[1], [0], [0], [1], [0, 0, 1, 1], [], []>, transpose_lhs_hint = false} : vector<4096x256xf32>, vector<256x1024xf32>, vector<4096x1024xf32> -> vector<4096x1024xf32>
    %get3A_75 = arith.constant 0 : index
    %get3A_76 = arith.constant 0 : index
    %get3A_77 = vector.load %arg9[%get3A_75, %get3A_76] : memref<1x1024xf32, #tpu.memory_space<vmem>>, vector<1x1024xf32>
    %add3A_78 = vector.broadcast %get3A_77 : vector<1x1024xf32> to vector<4096x1024xf32>
    %add3A_79 = arith.addf %dot_general3A_74, %add3A_78 : vector<4096x1024xf32>
    %max3A_80 = arith.constant 0.000000e+00 : f32
    %max3A_81 = vector.broadcast %max3A_80 : f32 to vector<4096x1024xf32>
    %max3A_82 = arith.maximumf %add3A_79, %max3A_81 : vector<4096x1024xf32>
    %get3A_83 = arith.constant 0 : index
    %get3A_84 = arith.constant 0 : index
    %get3A_85 = vector.load %arg10[%get3A_83, %get3A_84] : memref<1024x256xf32, #tpu.memory_space<vmem>>, vector<1024x256xf32>
    %dot_general3A_86 = arith.constant dense<0.000000e+00> : vector<4096x256xf32>
    %dot_general3A_87 = tpu.matmul %max3A_82, %get3A_85, %dot_general3A_86 {dimension_numbers = #tpu.dot_dimension_numbers<[1], [0], [0], [1], [0, 0, 1, 1], [], []>, transpose_lhs_hint = false} : vector<4096x1024xf32>, vector<1024x256xf32>, vector<4096x256xf32> -> vector<4096x256xf32>
    %get3A_88 = arith.constant 0 : index
    %get3A_89 = arith.constant 0 : index
    %get3A_90 = vector.load %arg11[%get3A_88, %get3A_89] : memref<1x256xf32, #tpu.memory_space<vmem>>, vector<1x256xf32>
    %add3A_91 = vector.broadcast %get3A_90 : vector<1x256xf32> to vector<4096x256xf32>
    %add3A_92 = arith.addf %dot_general3A_87, %add3A_91 : vector<4096x256xf32>
    %reshape3A_93 = vector.shape_cast %add3A_92 : vector<4096x256xf32> to vector<256x16x256xf32>
    %reduce_max3A = arith.constant dense<0xFF800000> : vector<256x256xf32>
    %reduce_max3A_94 = vector.multi_reduction <maximumf>, %reshape3A_93, %reduce_max3A [1] : vector<256x16x256xf32> to vector<256x256xf32>
    %broadcast_in_dim3A_95 = vector.shape_cast %reduce_max3A_94 : vector<256x256xf32> to vector<256x1x256xf32>
    %sub3A_96 = vector.broadcast %broadcast_in_dim3A_95 : vector<256x1x256xf32> to vector<256x16x256xf32>
    %sub3A_97 = arith.subf %reshape3A_93, %sub3A_96 : vector<256x16x256xf32>
    %exp3A = math.exp %sub3A_97 : vector<256x16x256xf32>
    %reduce_sum3A = arith.constant dense<0.000000e+00> : vector<256x256xf32>
    %reduce_sum3A_98 = vector.multi_reduction <add>, %exp3A, %reduce_sum3A [1] : vector<256x16x256xf32> to vector<256x256xf32>
    %broadcast_in_dim3A_99 = vector.shape_cast %reduce_sum3A_98 : vector<256x256xf32> to vector<256x1x256xf32>
    %div3A = vector.broadcast %broadcast_in_dim3A_99 : vector<256x1x256xf32> to vector<256x16x256xf32>
    %div3A_100 = arith.divf %exp3A, %div3A : vector<256x16x256xf32>
    %get3A_101 = arith.constant 0 : index
    %get3A_102 = arith.constant 0 : index
    %get3A_103 = vector.load %arg5[%get3A_101, %get3A_102] : memref<256x256xf32, #tpu.memory_space<vmem>>, vector<256x256xf32>
    %broadcast_in_dim3A_104 = vector.shape_cast %get3A_103 : vector<256x256xf32> to vector<256x1x256xf32>
    %broadcast_in_dim3A_105 = vector.shape_cast %broadcast_in_dim3A_104 : vector<256x1x256xf32> to vector<256x1x256xf32>
    %broadcast_in_dim3A_106 = vector.broadcast %broadcast_in_dim3A_105 : vector<256x1x256xf32> to vector<256x16x256xf32>
    %reshape3A_107 = vector.shape_cast %add3A_60 : vector<4096x256xf32> to vector<256x16x256xf32>
    %add3A_108 = arith.addf %broadcast_in_dim3A_106, %reshape3A_107 : vector<256x16x256xf32>
    %mul3A_109 = arith.mulf %div3A_100, %add3A_108 : vector<256x16x256xf32>
    %reduce_sum3A_110 = arith.constant dense<0.000000e+00> : vector<256x256xf32>
    %reduce_sum3A_111 = vector.multi_reduction <add>, %mul3A_109, %reduce_sum3A_110 [1] : vector<256x16x256xf32> to vector<256x256xf32>
    %get3A_112 = arith.constant 0 : index
    %get3A_113 = arith.constant 0 : index
    %get3A_114 = vector.load %arg14[%get3A_112, %get3A_113] : memref<256x128xf32, #tpu.memory_space<vmem>>, vector<256x128xf32>
    %dot_general3A_115 = arith.constant dense<0.000000e+00> : vector<256x128xf32>
    %dot_general3A_116 = tpu.matmul %reduce_sum3A_111, %get3A_114, %dot_general3A_115 {dimension_numbers = #tpu.dot_dimension_numbers<[1], [0], [0], [1], [0, 0, 1, 1], [], []>, transpose_lhs_hint = false} : vector<256x256xf32>, vector<256x128xf32>, vector<256x128xf32> -> vector<256x128xf32>
    %get3A_117 = arith.constant 0 : index
    %get3A_118 = arith.constant 0 : index
    %get3A_119 = vector.load %arg15[%get3A_117, %get3A_118] : memref<1x128xf32, #tpu.memory_space<vmem>>, vector<1x128xf32>
    %add3A_120 = vector.broadcast %get3A_119 : vector<1x128xf32> to vector<256x128xf32>
    %add3A_121 = arith.addf %dot_general3A_116, %add3A_120 : vector<256x128xf32>
    %get3A_122 = arith.constant 0 : index
    %get3A_123 = arith.constant 0 : index
    %get3A_124 = vector.load %arg6[%get3A_122, %get3A_123] : memref<256x128xf32, #tpu.memory_space<vmem>>, vector<256x128xf32>
    %add3A_125 = arith.addf %add3A_121, %get3A_124 : vector<256x128xf32>
    %swap3A = arith.constant 0 : index
    %swap3A_126 = arith.constant 0 : index
    %swap3A_127 = vector.load %arg16[%swap3A, %swap3A_126] : memref<256x128xf32, #tpu.memory_space<vmem>>, vector<256x128xf32>
    tpu.vector_store %arg16[%swap3A, %swap3A_126], %add3A_125 {strides = array<i32>} : memref<256x128xf32, #tpu.memory_space<vmem>>, vector<256x128xf32>,
    return
  }
  func.func @transform_0(%arg0: i32) -> (i32, i32) {
    %c0_i32 = arith.constant 0 : i32
    %c0_i32_0 = arith.constant 0 : i32
    return %arg0, %c0_i32 : i32, i32
  }
  func.func @transform_1(%arg0: i32) -> (i32, i32) {
    %c0_i32 = arith.constant 0 : i32
    %c0_i32_0 = arith.constant 0 : i32
    return %arg0, %c0_i32 : i32, i32
  }
  func.func @transform_2(%arg0: i32) -> (i32, i32) {
    %c1_i32 = arith.constant 1 : i32
    %c0_i32 = arith.constant 0 : i32
    return %arg0, %c1_i32 : i32, i32
  }
  func.func @transform_3(%arg0: i32) -> (i32, i32) {
    %c0_i32 = arith.constant 0 : i32
    %c0_i32_0 = arith.constant 0 : i32
    return %arg0, %c0_i32 : i32, i32
  }
  func.func @transform_4(%arg0: i32) -> (i32, i32) {
    %c0_i32 = arith.constant 0 : i32
    %c0_i32_0 = arith.constant 0 : i32
    return %arg0, %c0_i32 : i32, i32
  }
  func.func @transform_5(%arg0: i32) -> (i32, i32) {
    %c0_i32 = arith.constant 0 : i32
    %c0_i32_0 = arith.constant 0 : i32
    return %arg0, %c0_i32 : i32, i32
  }
  func.func @transform_6(%arg0: i32) -> (i32, i32) {
    %c0_i32 = arith.constant 0 : i32
    %c0_i32_0 = arith.constant 0 : i32
    %c0_i32_1 = arith.constant 0 : i32
    return %c0_i32, %c0_i32_0 : i32, i32
  }
  func.func @transform_7(%arg0: i32) -> (i32, i32) {
    %c0_i32 = arith.constant 0 : i32
    %c0_i32_0 = arith.constant 0 : i32
    %c0_i32_1 = arith.constant 0 : i32
    return %c0_i32, %c0_i32_0 : i32, i32
  }
  func.func @transform_8(%arg0: i32) -> (i32, i32) {
    %c0_i32 = arith.constant 0 : i32
    %c0_i32_0 = arith.constant 0 : i32
    %c0_i32_1 = arith.constant 0 : i32
    return %c0_i32, %c0_i32_0 : i32, i32
  }
  func.func @transform_9(%arg0: i32) -> (i32, i32) {
    %c0_i32 = arith.constant 0 : i32
    %c0_i32_0 = arith.constant 0 : i32
    %c0_i32_1 = arith.constant 0 : i32
    return %c0_i32, %c0_i32_0 : i32, i32
  }
  func.func @transform_10(%arg0: i32) -> (i32, i32) {
    %c0_i32 = arith.constant 0 : i32
    %c0_i32_0 = arith.constant 0 : i32
    %c0_i32_1 = arith.constant 0 : i32
    return %c0_i32, %c0_i32_0 : i32, i32
  }
  func.func @transform_11(%arg0: i32) -> (i32, i32) {
    %c0_i32 = arith.constant 0 : i32
    %c0_i32_0 = arith.constant 0 : i32
    %c0_i32_1 = arith.constant 0 : i32
    return %c0_i32, %c0_i32_0 : i32, i32
  }
  func.func @transform_12(%arg0: i32) -> (i32, i32) {
    %c0_i32 = arith.constant 0 : i32
    %c0_i32_0 = arith.constant 0 : i32
    %c0_i32_1 = arith.constant 0 : i32
    return %c0_i32, %c0_i32_0 : i32, i32
  }
  func.func @transform_13(%arg0: i32) -> (i32, i32) {
    %c0_i32 = arith.constant 0 : i32
    %c0_i32_0 = arith.constant 0 : i32
    %c0_i32_1 = arith.constant 0 : i32
    return %c0_i32, %c0_i32_0 : i32, i32
  }
  func.func @transform_14(%arg0: i32) -> (i32, i32) {
    %c0_i32 = arith.constant 0 : i32
    %c0_i32_0 = arith.constant 0 : i32
    %c0_i32_1 = arith.constant 0 : i32
    return %c0_i32, %c0_i32_0 : i32, i32
  }
  func.func @transform_15(%arg0: i32) -> (i32, i32) {
    %c0_i32 = arith.constant 0 : i32
    %c0_i32_0 = arith.constant 0 : i32
    return %arg0, %c0_i32 : i32, i32
  }
}

</mosaic_0001>

<sc_bundles>
// kernel: kernel.9.cloned.1.call-start
scs
__scs_entry_jumppad:
0x0: {  	(pc) =	sbr.rel $0x88, $3  }
0x1: {  	(tag) =	ssettag $0x0;
	lr =	simm.s32 $0x1  }
0x2: {  	[smem:$0x3F84] =	sst lr;
	_ =	strace $0xD0000000  }
0x3: {  	_ = 	snop  }
0x4: {  	_ = 	snop  }
0x5: {  	_ = 	snop  }
0x6: {  	_ = 	snop  }
0x7: {  	_ = 	snop  }
__scs_overlays_trampoline_lowered:
0x8: {  	[smem:$0x3F93] =	sst s0  }
0x9: {  	[smem:$0x3F94] =	sst s1  }
0xa: {  	[smem:$0x3F95] =	sst s2  }
0xb: {  	[smem:$0x3F96] =	sst s3  }
0xc: {  	[smem:$0x3F97] =	sst s4  }
0xd: {  	[smem:$0x3F98] =	sst s5  }
0xe: {  	[smem:$0x3F99] =	sst s6  }
0xf: {  	[smem:$0x3F9A] =	sst s7  }
0x10: {  	[smem:$0x3F9B] =	sst s8  }
0x11: {  	[smem:$0x3F9C] =	sst s9;
	s0 =	simm.s32 @!p0 $0x0  }
0x12: {  	s1 =	sld [smem:$0x3F82];
	s0 =	simm.s32 @p0 $0x1  }
0x13: {  	[smem:$0x3F9D] =	sst s0;
	s0 =	simm.s32 @!p1 $0x0  }
0x14: {  	s2 =	sld [smem:$0x3F81];
	s0 =	simm.s32 @p1 $0x1  }
0x15: {  	[smem:$0x3F9E] =	sst s0;
	s0 =	simm.s32 @!p2 $0x0  }
0x16: {  	s3 =	sld [smem:$0x3FDB];
	s0 =	simm.s32 @p2 $0x1  }
0x17: {  	s4 =	simm.s32 $0x1BF5;
	[smem:$0x3FA0] =	sst s0  }
0x18: {  	s0 =	sld [smem:$0x3F83];
	_ =	swait.ge [sflag:s4], $0x0  }
0x19: {  	s7 =	sld [smem:$0x3F84]  }
0x1a: {  	s8 =	sadd.s32 $0xFFFFE003, lr  }
0x1b: {  	s9 =	sadd.s32 $0xFFFFFEF7, lr;
	s5 =	simm.s32 $0xFFFFFFFF;
	p2 =	slt.u32 s8, $0xFFFFF086  }
0x1c: {  	p1 =	slt.u32 s9, $0xF7A;
	s5 =	simm.s32 @!p2 $0x0  }
0x1d: {  	s5 =	simm.s32 @p1 $0x1;
	p0 =	seq.s32 s7, s2  }
0x1e: {  	s7 =	smul.u32 @!p0 $0xF7A, s2;
	p2 =	seq.s32 @!p0 s5, $0x0  }
0x1f: {  	s9 =	smul.u32 $0xF7A, s1;
	s8 =	simm.s32 @!p0 $0x1BF5;
	p2 =	por !p2, p0  }
0x20: {  	[sflag:s8] =	ssyncset.s32 @!p0 $0xFFFFF086;
	s6 =	sadd.s32 @!p0 s3, s7;
	s7 =	simm.s32 @!p0 $0x108  }
0x21: {  	s3 =	sadd.s32 s3, s9;
	s6 =	sadd.s32 @!p0 $0x88, s6;
	s7 =	simm.s32 @p2 $0x1082  }
0x22: {  	[simem:s7], [sflag:s8] =	dma.local @!p0 [hbm:s6], $0xF7A  }
0x23: {  	s9 =	sor.u32 $0xD0000000, s2;
	s6 =	simm.s32 $0x108;
	_ =	swait.ge @!p0 [sflag:s8], $0x0  }
0x24: {  	s3 =	sadd.s32 $0x88, s3;
	s6 =	simm.s32 @!p1 $0x1082;
	[sflag:s4] =	ssyncset.s32 $0xFFFFF086  }
0x25: {  	[simem:s6], [sflag:s4] =	dma.local [hbm:s3], $0xF7A  }
0x26: {  	[smem:$0x3F84] =	sst s1;
	(tag) =	ssettag s2;
	_ =	strace s9  }
0x27: {  	s1 =	sld [smem:$0x3F94]  }
0x28: {  	s2 =	sld [smem:$0x3F95]  }
0x29: {  	s4 =	sld [smem:$0x3F97]  }
0x2a: {  	p0 =	seq.s32 s5, $0x0;
	s5 =	sld [smem:$0x3F98]  }
0x2b: {  	s6 =	sld [smem:$0x3F99]  }
0x2c: {  	s7 =	sld [smem:$0x3F9A]  }
0x2d: {  	s3 =	simm.s32 $0x108;
	s8 =	sld [smem:$0x3F9B]  }
0x2e: {  	s3 =	simm.s32 @!p0 $0x1082;
	s9 =	sld [smem:$0x3F9C]  }
0x2f: {  	lr =	sadd.s32 s0, s3;
	s0 =	sld [smem:$0x3F93]  }
0x30: {  	s3 =	sld [smem:$0x3F96]  }
0x31: {  	[smem:$0x3F9F] =	sst s10  }
0x32: {  	s10 =	sld [smem:$0x3F9D];
	_ =	sdelay $0x3  }
0x33: {  	p0 =	seq.s32 s10, $0x1;
	s10 =	sld [smem:$0x3F9F];
	_ =	sdelay $0x3  }
0x34: {  	[smem:$0x3F9F] =	sst s10  }
0x35: {  	s10 =	sld [smem:$0x3F9E];
	_ =	sdelay $0x3  }
0x36: {  	p1 =	seq.s32 s10, $0x1;
	s10 =	sld [smem:$0x3F9F];
	_ =	sdelay $0x3  }
0x37: {  	[smem:$0x3F9F] =	sst s10  }
0x38: {  	s10 =	sld [smem:$0x3FA0]  }
0x39: {  	_ = 	snop;
	(pc) =	sbr.ind lr, $3  }
0x3a: {  	_ = 	snop  }
0x3b: {  	_ = 	snop  }
0x3c: {  	p2 =	seq.s32 s10, $0x1;
	s10 =	sld [smem:$0x3F9F]  }
0x3d: {  	_ =	shalt  }
0x3e: {  	_ =	shalt  }
0x3f: {  	_ =	shalt  }
0x40: {  	_ =	shalt  }
0x41: {  	_ =	shalt  }
0x42: {  	_ =	shalt  }
0x43: {  	_ =	shalt  }
0x44: {  	_ =	shalt  }
0x45: {  	_ =	shalt  }
0x46: {  	_ =	shalt  }
0x47: {  	_ =	shalt  }
0x48: {  	_ =	shalt  }
0x49: {  	_ =	shalt  }
0x4a: {  	_ =	shalt  }
0x4b: {  	_ =	shalt  }
0x4c: {  	_ =	shalt  }
0x4d: {  	_ =	shalt  }
0x4e: {  	_ =	shalt  }
0x4f: {  	_ =	shalt  }
0x50: {  	_ =	shalt  }
0x51: {  	_ =	shalt  }
0x52: {  	_ =	shalt  }
0x53: {  	_ =	shalt  }
0x54: {  	_ =	shalt  }
0x55: {  	_ =	shalt  }
0x56: {  	_ =	shalt  }
0x57: {  	_ =	shalt  }
0x58: {  	_ =	shalt  }
0x59: {  	_ =	shalt  }
0x5a: {  	_ =	shalt  }
0x5b: {  	_ =	shalt  }
0x5c: {  	_ =	shalt  }
0x5d: {  	_ =	shalt  }
0x5e: {  	_ =	shalt  }
0x5f: {  	_ =	shalt  }
0x60: {  	_ =	shalt  }
0x61: {  	_ =	shalt  }
0x62: {  	_ =	shalt  }
0x63: {  	_ =	shalt  }
0x64: {  	_ =	shalt  }
0x65: {  	_ =	shalt  }
0x66: {  	_ =	shalt  }
0x67: {  	_ =	shalt  }
0x68: {  	_ =	shalt  }
0x69: {  	_ =	shalt  }
0x6a: {  	_ =	shalt  }
0x6b: {  	_ =	shalt  }
0x6c: {  	_ =	shalt  }
0x6d: {  	_ =	shalt  }
0x6e: {  	_ =	shalt  }
0x6f: {  	_ =	shalt  }
0x70: {  	_ =	shalt  }
0x71: {  	_ =	shalt  }
0x72: {  	_ =	shalt  }
0x73: {  	_ =	shalt  }
0x74: {  	_ =	shalt  }
0x75: {  	_ =	shalt  }
0x76: {  	_ =	shalt  }
0x77: {  	_ =	shalt  }
0x78: {  	_ =	shalt  }
0x79: {  	_ =	shalt  }
0x7a: {  	_ =	shalt  }
0x7b: {  	_ =	shalt  }
0x7c: {  	_ =	shalt  }
0x7d: {  	_ =	shalt  }
0x7e: {  	_ =	shalt  }
0x7f: {  	_ =	shalt  }
0x80: {  	_ =	shalt  }
0x81: {  	_ =	shalt  }
0x82: {  	_ =	shalt  }
0x83: {  	_ =	shalt  }
0x84: {  	_ =	shalt  }
0x85: {  	_ =	shalt  }
0x86: {  	_ =	shalt  }
0x87: {  	_ =	shalt  }
.Lfunc_end0:
.L_simem_size_0:
called_computation_lowered:
.L_overlay_start_0:
0x88: {  	s2 =	sld [smem:$0x3FD9]  }
0x89: {  	s3 =	sld [smem:$0x3FFE];
	_ =	sdelay $0x1  }
0x8a: {  	s1 =	srdreg.scid  }
0x8b: {  	s0 =	sand.u32 $0x1, s1  }
0x8c: {  	s17 =	sshll.u32 s0, $0xA;
	s2 =	sadd.s32 s3, s2  }
0x8d: {  	s2 =	sadd.s32 s2, s17  }
0x8e: {  	[smem:$0x3FAB] =	sst s2  }
0x8f: {  	_ = 	snop  }
0x90: {  	s2 =	sld [smem:$0x3FD0];
	(tm) =	ssettm $0x1  }
0x91: {  	s18 =	sld [smem:$0x3FFB];
	_ =	sdelay $0x3  }
0x92: {  	_ =	strace s18  }
0x93: {  	s3 =	sld [smem:$0x3FFC];
	_ =	sdelay $0x3  }
0x94: {  	_ =	strace s3  }
0x95: {  	s3 =	sld [smem:$0x3FFD];
	_ =	sdelay $0x3  }
0x96: {  	_ =	strace s3  }
0x97: {  	_ =	strace $0x8FFFFFFF  }
0x98: {  	s19 =	sld [smem:$0x3FDB];
	_ =	sdelay $0x1  }
0x99: {  	s4 =	simm.s32 $_scs_section_size  }
0x9a: {  	s5 =	simm.s32 $_size__tile_overlayer_lowered;
	s6 =	simm.s32 $_tile_overlayer_lowered  }
0x9b: {  	s22 =	simm.s32 $0x1BFF;
	s21 =	sshll.u32 s6, $0x1;
	s3 =	sadd.s32 s4, s19  }
0x9c: {  	s7 =	simm.s32 $0x0;
	s20 =	sshll.u32 s5, $0x1;
	s5 =	sadd.s32 s21, s3  }
0x9d: {  	[timem:s7], [sflag:s22] =	dma.local [hbm:s5], s20  }
0x9e: {  	_ =	swait.ge [sflag:s22], s20  }
0x9f: {  	s4 =	ssub.s32 $0x0, s20;
	[sflag:s22] =	ssyncset.done $0x0  }
0xa0: {  	[sflag:s22] =	ssyncadd.s32 s4;
	_ =	sdelay $0x1  }
0xa1: {  	s23 =	simm.s32 $0x1B8B  }
0xa2: {  	_ =	swait.ge [sflag:s23], $0x1  }
0xa3: {  	[sflag:s23] =	ssyncset.done $0x0  }
0xa4: {  	s25 =	simm.s32 $0x1B8E;
	s24 =	sld [smem:$0x3FFE];
	[sflag:s23] =	ssyncadd.s32 $0xFFFFFFFF  }
0xa5: {  	s26 =	simm.s32 $execute0_lowered;
	[smem:$0x3FD2] =	sst s25  }
0xa6: {  	s5 =	sshll.u32 s26, $0x1;
	_ =	strace $0x80000046;
	[dreg:$0x1] =	wrdreg $0xFFFFFFFF  }
0xa7: {  	s28 =	simm.s32 $_size_execute0_lowered;
	s3 =	sadd.s32 s3, s5;
	[dreg:$0x0] =	wrdreg $0x0  }
0xa8: {  	s5 =	sshll.u32 s28, $0x1;
	[dreg:$0x2] =	wrdreg s3  }
0xa9: {  	[dreg:$0x3] =	wrdreg s5  }
0xaa: {  	[dreg:$0x4] =	wrdreg $0xC0  }
0xab: {  	_ =	task [dreg:s7], $0x5FFFF  }
0xac: {  	[dreg:$0x1] =	wrdreg $0xFFFFFFFF  }
0xad: {  	[dreg:$0x0] =	wrdreg $0x60  }
0xae: {  	[dreg:$0x2] =	wrdreg s24  }
0xaf: {  	[dreg:$0x3] =	wrdreg s2  }
0xb0: {  	[dreg:$0x4] =	wrdreg $0x9  }
0xb1: {  	_ =	task.clear_ibuf [dreg:s7], $0x5FFFF;
	_ =	strace $0x90000046  }
0xb2: {  	s29 =	simm.s32 $0x9;
	_ =	strace $0x80000048  }
0xb3: {  	_ =	swait.ge [sflag:s29], $0x1  }
0xb4: {  	[sflag:s29] =	ssyncadd.s32 $0xFFFFFFFF  }
0xb5: {  	_ =	strace $0x90000048  }
0xb6: {  	_ =	sfence  }
0xb7: {  	s30 =	sld [smem:$0x0];
	_ =	sdelay $0x2  }
0xb8: {  	s31 =	sshll.u32 s1, $0xD;
	s1 =	sshrl.u32 s1, $0x2  }
0xb9: {  	s3 =	sand.u32 $0x4000, s31;
	s1 =	sadd.s32 s1, s30  }
0xba: {  	s0 =	sor.u32 s3, s0;
	s1 =	sshll.u32 s1, $0x11  }
0xbb: {  	s0 =	sor.u32 s1, s0  }
0xbc: {  	s0 =	sadd.s32 $0x8F2B, s0  }
0xbd: {  	[sflag:s0] =	ssyncadd.remote.s32 $0x1  }
0xbe: {  	_ =	sfence.sel $0xFFFF  }
0xbf: {  	[dreg:$0x0] =	wrdreg $0xFFFFFFFF;
	(pc) =	sbr.abs _section_cstart, $3  }
0xc0: {  	[dreg:$0x1] =	wrdreg $0xFFFFFFFF  }
0xc1: {  	_ =	task.clear_ibuf [dreg:s7], $0x2FFFF;
	_ =	strace $0x9FFFFFFF  }
0xc2: {  	(tm) =	ssettm $0x7FFFFFFF  }
0xc3: {  	_ =	shalt  }
tec
execute0_lowered:
.L_overlay_start_1:
0x0: {  	(tag) =	ssettag $0x1  }
0x1: {  	s0 =	rddreg [dreg:$0x0]  }
0x2: {  	s1 =	srdreg.scid;
	s2 =	stileid.u32  }
0x3: {  	s3 =	rddreg [dreg:$0x1];
	s1 =	sand.u32 $0x1, s1;
	s4 =	sshll.u32 s2, $0x1  }
0x4: {  	s11 =	simm.s32 $0x1;
	s12 =	simm.s32 $0x3;
	s4 =	sor.u32 s1, s4  }
0x5: {  	s2 =	simm.s32 $0x0;
	s5 =	sshll.u32 s4, $0xF;
	s4 =	sshll.u32 s4, $0x7  }
0x6: {  	[smem:$0x7FF] =	sst s2;
	s5 =	sadd.s32 s5, s0;
	s3 =	sadd.s32 s3, s4  }
0x7: {  	_ =	strace $0x80000047;
	[dreg:$0x3] =	wrdreg s3;
	s22 =	sadd.s32 $0x13400, s5  }
0x8: {  	s13 =	simm.s32 $0x2;
	s23 =	sadd.s32 $0x14400, s5;
	[dreg:$0x4] =	wrdreg s22  }
0x9: {  	s14 =	simm.s32 $0x4;
	s24 =	sadd.s32 $0x15400, s5;
	[dreg:$0x5] =	wrdreg s23  }
0xa: {  	s1 =	ssub.s32 $0x2, s1;
	s25 =	sadd.s32 $0x16400, s5;
	[dreg:$0x6] =	wrdreg s24  }
0xb: {  	s29 =	sshrl.u32 s1, $0x1;
	s26 =	sadd.s32 $0x17400, s5;
	[dreg:$0x7] =	wrdreg s25  }
0xc: {  	s1 =	ssub.s32 s1, s29;
	s28 =	sadd.s32 $0x18400, s5;
	[dreg:$0x8] =	wrdreg s26  }
0xd: {  	v2 =	vlaneseq.u32;
	s3 =	sadd.s32 $0x3400, s0;
	s30 =	sadd.s32 $0x19400, s5;
	[dreg:$0x9] =	wrdreg s28  }
0xe: {  	vm0 =	vmmov $0xffff;
	v1 =	vshrl.u32 v2, $0x3;
	s31 =	sadd.s32 $0x1A400, s5;
	s4 =	smax.u32 s1, $0x1;
	[dreg:$0xa] =	wrdreg s30  }
0xf: {  	v0 =	vand.u32 $0x7, v2;
	v2 =	vor.u32 $0x8, v2;
	v1 =	vmul.u32 $0x8, v1;
	[dreg:$0xb] =	wrdreg s31;
	s26 =	simm.s32 $0x400;
	s22 =	simm.s32 $0x8400  }
.LBB2_1:
0x10: {  	s15 =	rddreg [dreg:$0x3];
	s25 =	simm.s32 $0x5  }
0x11: {  	[tilespmem:s2], [sflag:$0x5] =	stream.linear.gather [hbm4b:s15+s2], $0x400, $0x38;
	[tilespmem:$0x10400] =	vst v63  }
0x12: {  	_ =	swait.ge [sflag:s25], $0x400  }
0x13: {  	[sflag:s25] =	ssyncset.done $0x0  }
0x14: {  	[sflag:s25] =	ssyncadd.s32 $0xFFFFFC00  }
0x15: {  	v3 =	vld [tilespmem:$0x0];
	_ =	sdelay $0x4  }
0x16: {  	v4 =	vshll.u32 v3, $0x1  }
0x17: {  	v3 =	vand.u32 $0x7, v3;
	v4 =	vand.u32 $0xFFFFFFF0, v4  }
0x18: {  	v3 =	vor.u32 v3, v4  }
0x19: {  	v4 =	vperm.xlane v3, v0;
	_ =	sdelay $0x1  }
0x1a: {  	v3 =	vperm.xlane v3, v2;
	v4 =	vadd.s32 v1, v4;
	_ =	sdelay $0x1  }
0x1b: {  	v3 =	vadd.s32 v1, v3;
	_ =	sdelay $0x2  }
0x1c: {  	[tilespmem:s26], [sflag:$0x1] =	stream.indirect_vreg.gather [hbm4b:s3+s2], $0x80, v4, vm0, $0xb8;
	[tilespmem:$0x10400] =	vst v63  }
0x1d: {  	s0 =	simm.s32 $0xC00  }
0x1e: {  	[tilespmem:s0], [sflag:$0x1] =	stream.indirect_vreg.gather [hbm4b:s3+s2], $0x80, v3, vm0, $0xb8;
	[tilespmem:$0x10400] =	vst v63  }
0x1f: {  	v3 =	vld [tilespmem:$0x10];
	_ =	sdelay $0x4  }
0x20: {  	v57 =	vshll.u32 v3, $0x1  }
0x21: {  	v3 =	vand.u32 $0x7, v3;
	v4 =	vand.u32 $0xFFFFFFF0, v57  }
0x22: {  	v3 =	vor.u32 v3, v4  }
0x23: {  	v4 =	vperm.xlane v3, v0;
	_ =	sdelay $0x1  }
0x24: {  	v3 =	vperm.xlane v3, v2;
	v4 =	vadd.s32 v1, v4;
	_ =	sdelay $0x1  }
0x25: {  	v3 =	vadd.s32 v1, v3;
	_ =	sdelay $0x1  }
0x26: {  	s28 =	simm.s32 $0x1400  }
0x27: {  	[tilespmem:s28], [sflag:$0x1] =	stream.indirect_vreg.gather [hbm4b:s3+s2], $0x80, v4, vm0, $0xb8;
	[tilespmem:$0x10400] =	vst v63  }
0x28: {  	s29 =	simm.s32 $0x1C00  }
0x29: {  	[tilespmem:s29], [sflag:$0x1] =	stream.indirect_vreg.gather [hbm4b:s3+s2], $0x80, v3, vm0, $0xb8;
	[tilespmem:$0x10400] =	vst v63  }
0x2a: {  	v3 =	vld [tilespmem:$0x20];
	_ =	sdelay $0x4  }
0x2b: {  	v58 =	vshll.u32 v3, $0x1  }
0x2c: {  	v3 =	vand.u32 $0x7, v3;
	v4 =	vand.u32 $0xFFFFFFF0, v58  }
0x2d: {  	v3 =	vor.u32 v3, v4  }
0x2e: {  	v4 =	vperm.xlane v3, v0;
	_ =	sdelay $0x1  }
0x2f: {  	v3 =	vperm.xlane v3, v2;
	v4 =	vadd.s32 v1, v4;
	_ =	sdelay $0x1  }
0x30: {  	v3 =	vadd.s32 v1, v3;
	_ =	sdelay $0x1  }
0x31: {  	s30 =	simm.s32 $0x2400  }
0x32: {  	[tilespmem:s30], [sflag:$0x1] =	stream.indirect_vreg.gather [hbm4b:s3+s2], $0x80, v4, vm0, $0xb8;
	[tilespmem:$0x10400] =	vst v63  }
0x33: {  	s31 =	simm.s32 $0x2C00  }
0x34: {  	[tilespmem:s31], [sflag:$0x1] =	stream.indirect_vreg.gather [hbm4b:s3+s2], $0x80, v3, vm0, $0xb8;
	[tilespmem:$0x10400] =	vst v63  }
0x35: {  	v3 =	vld [tilespmem:$0x30];
	_ =	sdelay $0x4  }
0x36: {  	v59 =	vshll.u32 v3, $0x1  }
0x37: {  	v3 =	vand.u32 $0x7, v3;
	v4 =	vand.u32 $0xFFFFFFF0, v59  }
0x38: {  	v3 =	vor.u32 v3, v4  }
0x39: {  	v4 =	vperm.xlane v3, v0;
	_ =	sdelay $0x1  }
0x3a: {  	v3 =	vperm.xlane v3, v2;
	v4 =	vadd.s32 v1, v4;
	_ =	sdelay $0x1  }
0x3b: {  	v3 =	vadd.s32 v1, v3;
	_ =	sdelay $0x1  }
0x3c: {  	s1 =	simm.s32 $0x3400  }
0x3d: {  	[tilespmem:s1], [sflag:$0x1] =	stream.indirect_vreg.gather [hbm4b:s3+s2], $0x80, v4, vm0, $0xb8;
	[tilespmem:$0x10400] =	vst v63  }
0x3e: {  	s9 =	simm.s32 $0x3C00  }
0x3f: {  	[tilespmem:s9], [sflag:$0x1] =	stream.indirect_vreg.gather [hbm4b:s3+s2], $0x80, v3, vm0, $0xb8;
	[tilespmem:$0x10400] =	vst v63  }
0x40: {  	v3 =	vld [tilespmem:$0x40];
	_ =	sdelay $0x4  }
0x41: {  	v60 =	vshll.u32 v3, $0x1  }
0x42: {  	v3 =	vand.u32 $0x7, v3;
	v4 =	vand.u32 $0xFFFFFFF0, v60  }
0x43: {  	v3 =	vor.u32 v3, v4  }
0x44: {  	v4 =	vperm.xlane v3, v0;
	_ =	sdelay $0x1  }
0x45: {  	v3 =	vperm.xlane v3, v2;
	v4 =	vadd.s32 v1, v4;
	_ =	sdelay $0x1  }
0x46: {  	v3 =	vadd.s32 v1, v3;
	_ =	sdelay $0x1  }
0x47: {  	s10 =	simm.s32 $0x4400  }
0x48: {  	[tilespmem:s10], [sflag:$0x1] =	stream.indirect_vreg.gather [hbm4b:s3+s2], $0x80, v4, vm0, $0xb8;
	[tilespmem:$0x10400] =	vst v63  }
0x49: {  	s15 =	simm.s32 $0x4C00  }
0x4a: {  	[tilespmem:s15], [sflag:$0x1] =	stream.indirect_vreg.gather [hbm4b:s3+s2], $0x80, v3, vm0, $0xb8;
	[tilespmem:$0x10400] =	vst v63  }
0x4b: {  	v3 =	vld [tilespmem:$0x50];
	_ =	sdelay $0x4  }
0x4c: {  	v61 =	vshll.u32 v3, $0x1  }
0x4d: {  	v3 =	vand.u32 $0x7, v3;
	v4 =	vand.u32 $0xFFFFFFF0, v61  }
0x4e: {  	v3 =	vor.u32 v3, v4  }
0x4f: {  	v4 =	vperm.xlane v3, v0;
	_ =	sdelay $0x1  }
0x50: {  	v3 =	vperm.xlane v3, v2;
	v4 =	vadd.s32 v1, v4;
	_ =	sdelay $0x1  }
0x51: {  	v3 =	vadd.s32 v1, v3;
	_ =	sdelay $0x1  }
0x52: {  	s16 =	simm.s32 $0x5400  }
0x53: {  	[tilespmem:s16], [sflag:$0x1] =	stream.indirect_vreg.gather [hbm4b:s3+s2], $0x80, v4, vm0, $0xb8;
	[tilespmem:$0x10400] =	vst v63  }
0x54: {  	s17 =	simm.s32 $0x5C00  }
0x55: {  	[tilespmem:s17], [sflag:$0x1] =	stream.indirect_vreg.gather [hbm4b:s3+s2], $0x80, v3, vm0, $0xb8;
	[tilespmem:$0x10400] =	vst v63  }
0x56: {  	v3 =	vld [tilespmem:$0x60];
	_ =	sdelay $0x4  }
0x57: {  	v62 =	vshll.u32 v3, $0x1  }
0x58: {  	v3 =	vand.u32 $0x7, v3;
	v4 =	vand.u32 $0xFFFFFFF0, v62  }
0x59: {  	v3 =	vor.u32 v3, v4  }
0x5a: {  	v4 =	vperm.xlane v3, v0;
	_ =	sdelay $0x1  }
0x5b: {  	v3 =	vperm.xlane v3, v2;
	v4 =	vadd.s32 v1, v4;
	_ =	sdelay $0x1  }
0x5c: {  	v3 =	vadd.s32 v1, v3;
	_ =	sdelay $0x1  }
0x5d: {  	s18 =	simm.s32 $0x6400  }
0x5e: {  	[tilespmem:s18], [sflag:$0x1] =	stream.indirect_vreg.gather [hbm4b:s3+s2], $0x80, v4, vm0, $0xb8;
	[tilespmem:$0x10400] =	vst v63  }
0x5f: {  	s19 =	simm.s32 $0x6C00  }
0x60: {  	[tilespmem:s19], [sflag:$0x1] =	stream.indirect_vreg.gather [hbm4b:s3+s2], $0x80, v3, vm0, $0xb8;
	[tilespmem:$0x10400] =	vst v63  }
0x61: {  	v3 =	vld [tilespmem:$0x70];
	_ =	sdelay $0x4  }
0x62: {  	v63 =	vshll.u32 v3, $0x1  }
0x63: {  	v3 =	vand.u32 $0x7, v3;
	v4 =	vand.u32 $0xFFFFFFF0, v63  }
0x64: {  	v3 =	vor.u32 v3, v4  }
0x65: {  	v4 =	vperm.xlane v3, v0;
	_ =	sdelay $0x1  }
0x66: {  	v3 =	vperm.xlane v3, v2;
	v4 =	vadd.s32 v1, v4;
	_ =	sdelay $0x1  }
0x67: {  	v3 =	vadd.s32 v1, v3;
	_ =	sdelay $0x1  }
0x68: {  	s20 =	simm.s32 $0x7400  }
0x69: {  	[tilespmem:s20], [sflag:$0x1] =	stream.indirect_vreg.gather [hbm4b:s3+s2], $0x80, v4, vm0, $0xb8;
	[tilespmem:$0x10400] =	vst v63  }
0x6a: {  	s21 =	simm.s32 $0x7C00  }
0x6b: {  	[tilespmem:s21], [sflag:$0x1] =	stream.indirect_vreg.gather [hbm4b:s3+s2], $0x80, v3, vm0, $0xb8;
	[tilespmem:$0x10400] =	vst v63  }
0x6c: {  	v3 =	vld [tilespmem:$0x80];
	_ =	sdelay $0x4  }
0x6d: {  	v8 =	vshll.u32 v3, $0x1  }
0x6e: {  	v3 =	vand.u32 $0x7, v3;
	v4 =	vand.u32 $0xFFFFFFF0, v8  }
0x6f: {  	v3 =	vor.u32 v3, v4  }
0x70: {  	v4 =	vperm.xlane v3, v0;
	_ =	sdelay $0x1  }
0x71: {  	v3 =	vperm.xlane v3, v2;
	v4 =	vadd.s32 v1, v4;
	_ =	sdelay $0x1  }
0x72: {  	v3 =	vadd.s32 v1, v3;
	_ =	sdelay $0x2  }
0x73: {  	[tilespmem:s22], [sflag:$0x2] =	stream.indirect_vreg.gather [hbm4b:s3+s2], $0x80, v4, vm0, $0xb8;
	[tilespmem:$0x10400] =	vst v63  }
0x74: {  	s23 =	simm.s32 $0x8C00  }
0x75: {  	[tilespmem:s23], [sflag:$0x2] =	stream.indirect_vreg.gather [hbm4b:s3+s2], $0x80, v3, vm0, $0xb8;
	[tilespmem:$0x10400] =	vst v63  }
0x76: {  	v3 =	vld [tilespmem:$0x90];
	_ =	sdelay $0x4  }
0x77: {  	v9 =	vshll.u32 v3, $0x1  }
0x78: {  	v3 =	vand.u32 $0x7, v3;
	v4 =	vand.u32 $0xFFFFFFF0, v9  }
0x79: {  	v3 =	vor.u32 v3, v4  }
0x7a: {  	v4 =	vperm.xlane v3, v0;
	_ =	sdelay $0x1  }
0x7b: {  	v3 =	vperm.xlane v3, v2;
	v4 =	vadd.s32 v1, v4;
	_ =	sdelay $0x1  }
0x7c: {  	v3 =	vadd.s32 v1, v3;
	_ =	sdelay $0x1  }
0x7d: {  	s24 =	simm.s32 $0x9400  }
0x7e: {  	[tilespmem:s24], [sflag:$0x2] =	stream.indirect_vreg.gather [hbm4b:s3+s2], $0x80, v4, vm0, $0xb8;
	[tilespmem:$0x10400] =	vst v63  }
0x7f: {  	s25 =	simm.s32 $0x9C00  }
0x80: {  	[tilespmem:s25], [sflag:$0x2] =	stream.indirect_vreg.gather [hbm4b:s3+s2], $0x80, v3, vm0, $0xb8;
	[tilespmem:$0x10400] =	vst v63  }
0x81: {  	v3 =	vld [tilespmem:$0xA0];
	_ =	sdelay $0x4  }
0x82: {  	v10 =	vshll.u32 v3, $0x1  }
0x83: {  	v3 =	vand.u32 $0x7, v3;
	v4 =	vand.u32 $0xFFFFFFF0, v10  }
0x84: {  	v3 =	vor.u32 v3, v4  }
0x85: {  	v4 =	vperm.xlane v3, v0;
	_ =	sdelay $0x1  }
0x86: {  	v3 =	vperm.xlane v3, v2;
	v4 =	vadd.s32 v1, v4;
	_ =	sdelay $0x1  }
0x87: {  	v3 =	vadd.s32 v1, v3;
	_ =	sdelay $0x1  }
0x88: {  	s28 =	simm.s32 $0xA400  }
0x89: {  	[tilespmem:s28], [sflag:$0x2] =	stream.indirect_vreg.gather [hbm4b:s3+s2], $0x80, v4, vm0, $0xb8;
	[tilespmem:$0x10400] =	vst v63  }
0x8a: {  	s29 =	simm.s32 $0xAC00  }
0x8b: {  	[tilespmem:s29], [sflag:$0x2] =	stream.indirect_vreg.gather [hbm4b:s3+s2], $0x80, v3, vm0, $0xb8;
	[tilespmem:$0x10400] =	vst v63  }
0x8c: {  	v3 =	vld [tilespmem:$0xB0];
	_ =	sdelay $0x4  }
0x8d: {  	v11 =	vshll.u32 v3, $0x1  }
0x8e: {  	v3 =	vand.u32 $0x7, v3;
	v4 =	vand.u32 $0xFFFFFFF0, v11  }
0x8f: {  	v3 =	vor.u32 v3, v4  }
0x90: {  	v4 =	vperm.xlane v3, v0;
	_ =	sdelay $0x1  }
0x91: {  	v3 =	vperm.xlane v3, v2;
	v4 =	vadd.s32 v1, v4;
	_ =	sdelay $0x1  }
0x92: {  	v3 =	vadd.s32 v1, v3;
	_ =	sdelay $0x1  }
0x93: {  	s30 =	simm.s32 $0xB400  }
0x94: {  	[tilespmem:s30], [sflag:$0x2] =	stream.indirect_vreg.gather [hbm4b:s3+s2], $0x80, v4, vm0, $0xb8;
	[tilespmem:$0x10400] =	vst v63  }
0x95: {  	s31 =	simm.s32 $0xBC00  }
0x96: {  	[tilespmem:s31], [sflag:$0x2] =	stream.indirect_vreg.gather [hbm4b:s3+s2], $0x80, v3, vm0, $0xb8;
	[tilespmem:$0x10400] =	vst v63  }
0x97: {  	v3 =	vld [tilespmem:$0xC0];
	_ =	sdelay $0x4  }
0x98: {  	v12 =	vshll.u32 v3, $0x1  }
0x99: {  	v3 =	vand.u32 $0x7, v3;
	v4 =	vand.u32 $0xFFFFFFF0, v12  }
0x9a: {  	v3 =	vor.u32 v3, v4  }
0x9b: {  	v4 =	vperm.xlane v3, v0;
	_ =	sdelay $0x1  }
0x9c: {  	v3 =	vperm.xlane v3, v2;
	v4 =	vadd.s32 v1, v4;
	_ =	sdelay $0x1  }
0x9d: {  	v3 =	vadd.s32 v1, v3;
	_ =	sdelay $0x1  }
0x9e: {  	s0 =	simm.s32 $0xC400  }
0x9f: {  	[tilespmem:s0], [sflag:$0x2] =	stream.indirect_vreg.gather [hbm4b:s3+s2], $0x80, v4, vm0, $0xb8;
	[tilespmem:$0x10400] =	vst v63  }
0xa0: {  	s16 =	simm.s32 $0xCC00  }
0xa1: {  	[tilespmem:s16], [sflag:$0x2] =	stream.indirect_vreg.gather [hbm4b:s3+s2], $0x80, v3, vm0, $0xb8;
	[tilespmem:$0x10400] =	vst v63  }
0xa2: {  	v3 =	vld [tilespmem:$0xD0];
	_ =	sdelay $0x4  }
0xa3: {  	v13 =	vshll.u32 v3, $0x1  }
0xa4: {  	v3 =	vand.u32 $0x7, v3;
	v4 =	vand.u32 $0xFFFFFFF0, v13  }
0xa5: {  	v3 =	vor.u32 v3, v4  }
0xa6: {  	v4 =	vperm.xlane v3, v0;
	_ =	sdelay $0x1  }
0xa7: {  	v3 =	vperm.xlane v3, v2;
	v4 =	vadd.s32 v1, v4;
	_ =	sdelay $0x1  }
0xa8: {  	v3 =	vadd.s32 v1, v3;
	_ =	sdelay $0x1  }
0xa9: {  	s17 =	simm.s32 $0xD400  }
0xaa: {  	[tilespmem:s17], [sflag:$0x2] =	stream.indirect_vreg.gather [hbm4b:s3+s2], $0x80, v4, vm0, $0xb8;
	[tilespmem:$0x10400] =	vst v63  }
0xab: {  	s19 =	simm.s32 $0xDC00  }
0xac: {  	[tilespmem:s19], [sflag:$0x2] =	stream.indirect_vreg.gather [hbm4b:s3+s2], $0x80, v3, vm0, $0xb8;
	[tilespmem:$0x10400] =	vst v63  }
0xad: {  	v3 =	vld [tilespmem:$0xE0];
	_ =	sdelay $0x4  }
0xae: {  	v14 =	vshll.u32 v3, $0x1  }
0xaf: {  	v3 =	vand.u32 $0x7, v3;
	v4 =	vand.u32 $0xFFFFFFF0, v14  }
0xb0: {  	v3 =	vor.u32 v3, v4  }
0xb1: {  	v4 =	vperm.xlane v3, v0;
	_ =	sdelay $0x1  }
0xb2: {  	v3 =	vperm.xlane v3, v2;
	v4 =	vadd.s32 v1, v4;
	_ =	sdelay $0x1  }
0xb3: {  	v3 =	vadd.s32 v1, v3;
	_ =	sdelay $0x1  }
0xb4: {  	s20 =	simm.s32 $0xE400  }
0xb5: {  	[tilespmem:s20], [sflag:$0x2] =	stream.indirect_vreg.gather [hbm4b:s3+s2], $0x80, v4, vm0, $0xb8;
	[tilespmem:$0x10400] =	vst v63  }
0xb6: {  	s23 =	simm.s32 $0xEC00  }
0xb7: {  	[tilespmem:s23], [sflag:$0x2] =	stream.indirect_vreg.gather [hbm4b:s3+s2], $0x80, v3, vm0, $0xb8;
	[tilespmem:$0x10400] =	vst v63  }
0xb8: {  	v3 =	vld [tilespmem:$0xF0];
	_ =	sdelay $0x4  }
0xb9: {  	v15 =	vshll.u32 v3, $0x1  }
0xba: {  	v3 =	vand.u32 $0x7, v3;
	v4 =	vand.u32 $0xFFFFFFF0, v15  }
0xbb: {  	v3 =	vor.u32 v3, v4  }
0xbc: {  	v4 =	vperm.xlane v3, v0;
	_ =	sdelay $0x1  }
0xbd: {  	v3 =	vperm.xlane v3, v2;
	v4 =	vadd.s32 v1, v4;
	_ =	sdelay $0x1  }
0xbe: {  	v3 =	vadd.s32 v1, v3;
	_ =	sdelay $0x1  }
0xbf: {  	s28 =	simm.s32 $0xF400  }
0xc0: {  	[tilespmem:s28], [sflag:$0x2] =	stream.indirect_vreg.gather [hbm4b:s3+s2], $0x80, v4, vm0, $0xb8;
	[tilespmem:$0x10400] =	vst v63  }
0xc1: {  	s31 =	simm.s32 $0xFC00  }
0xc2: {  	[tilespmem:s31], [sflag:$0x2] =	stream.indirect_vreg.gather [hbm4b:s3+s2], $0x80, v3, vm0, $0xb8;
	[tilespmem:$0x10400] =	vst v63  }
0xc3: {  	_ =	swait.ge [sflag:s11], $0x8000  }
0xc4: {  	[sflag:s11] =	ssyncset.done $0x0  }
0xc5: {  	s0 =	rddreg [dreg:$0x4];
	[sflag:s11] =	ssyncadd.s32 $0xFFFF8000  }
0xc6: {  	[hbm4b:s0+s2] =	stream.linear.scatter [tilespmem:s26], [sflag:$0x3], $0x8000, $0x38;
	[tilespmem:$0x10400] =	vst v63  }
0xc7: {  	_ =	swait.ge [sflag:s12], $0x8000  }
0xc8: {  	[sflag:s12] =	ssyncset.done $0x0  }
0xc9: {  	[sflag:s12] =	ssyncadd.s32 $0xFFFF8000  }
0xca: {  	v3 =	vld [tilespmem:$0x100];
	_ =	sdelay $0x4  }
0xcb: {  	v16 =	vshll.u32 v3, $0x1  }
0xcc: {  	v3 =	vand.u32 $0x7, v3;
	v4 =	vand.u32 $0xFFFFFFF0, v16  }
0xcd: {  	v3 =	vor.u32 v3, v4  }
0xce: {  	v4 =	vperm.xlane v3, v0;
	_ =	sdelay $0x1  }
0xcf: {  	v3 =	vperm.xlane v3, v2;
	v4 =	vadd.s32 v1, v4;
	_ =	sdelay $0x1  }
0xd0: {  	v3 =	vadd.s32 v1, v3;
	_ =	sdelay $0x2  }
0xd1: {  	[tilespmem:s26], [sflag:$0x1] =	stream.indirect_vreg.gather [hbm4b:s3+s2], $0x80, v4, vm0, $0xb8;
	[tilespmem:$0x10400] =	vst v63  }
0xd2: {  	s7 =	simm.s32 $0xC00  }
0xd3: {  	[tilespmem:s7], [sflag:$0x1] =	stream.indirect_vreg.gather [hbm4b:s3+s2], $0x80, v3, vm0, $0xb8;
	[tilespmem:$0x10400] =	vst v63  }
0xd4: {  	v3 =	vld [tilespmem:$0x110];
	_ =	sdelay $0x4  }
0xd5: {  	v17 =	vshll.u32 v3, $0x1  }
0xd6: {  	v3 =	vand.u32 $0x7, v3;
	v4 =	vand.u32 $0xFFFFFFF0, v17  }
0xd7: {  	v3 =	vor.u32 v3, v4  }
0xd8: {  	v4 =	vperm.xlane v3, v0;
	_ =	sdelay $0x1  }
0xd9: {  	v3 =	vperm.xlane v3, v2;
	v4 =	vadd.s32 v1, v4;
	_ =	sdelay $0x1  }
0xda: {  	v3 =	vadd.s32 v1, v3;
	_ =	sdelay $0x1  }
0xdb: {  	s5 =	simm.s32 $0x1400  }
0xdc: {  	[tilespmem:s5], [sflag:$0x1] =	stream.indirect_vreg.gather [hbm4b:s3+s2], $0x80, v4, vm0, $0xb8;
	[tilespmem:$0x10400] =	vst v63  }
0xdd: {  	s8 =	simm.s32 $0x1C00  }
0xde: {  	[tilespmem:s8], [sflag:$0x1] =	stream.indirect_vreg.gather [hbm4b:s3+s2], $0x80, v3, vm0, $0xb8;
	[tilespmem:$0x10400] =	vst v63  }
0xdf: {  	v3 =	vld [tilespmem:$0x120];
	_ =	sdelay $0x4  }
0xe0: {  	v18 =	vshll.u32 v3, $0x1  }
0xe1: {  	v3 =	vand.u32 $0x7, v3;
	v4 =	vand.u32 $0xFFFFFFF0, v18  }
0xe2: {  	v3 =	vor.u32 v3, v4  }
0xe3: {  	v4 =	vperm.xlane v3, v0;
	_ =	sdelay $0x1  }
0xe4: {  	v3 =	vperm.xlane v3, v2;
	v4 =	vadd.s32 v1, v4;
	_ =	sdelay $0x1  }
0xe5: {  	v3 =	vadd.s32 v1, v3;
	_ =	sdelay $0x1  }
0xe6: {  	s6 =	simm.s32 $0x2400  }
0xe7: {  	[tilespmem:s6], [sflag:$0x1] =	stream.indirect_vreg.gather [hbm4b:s3+s2], $0x80, v4, vm0, $0xb8;
	[tilespmem:$0x10400] =	vst v63  }
0xe8: {  	s23 =	simm.s32 $0x2C00  }
0xe9: {  	[tilespmem:s23], [sflag:$0x1] =	stream.indirect_vreg.gather [hbm4b:s3+s2], $0x80, v3, vm0, $0xb8;
	[tilespmem:$0x10400] =	vst v63  }
0xea: {  	v3 =	vld [tilespmem:$0x130];
	_ =	sdelay $0x4  }
0xeb: {  	v19 =	vshll.u32 v3, $0x1  }
0xec: {  	v3 =	vand.u32 $0x7, v3;
	v4 =	vand.u32 $0xFFFFFFF0, v19  }
0xed: {  	v3 =	vor.u32 v3, v4  }
0xee: {  	v4 =	vperm.xlane v3, v0;
	_ =	sdelay $0x1  }
0xef: {  	v3 =	vperm.xlane v3, v2;
	v4 =	vadd.s32 v1, v4;
	_ =	sdelay $0x1  }
0xf0: {  	v3 =	vadd.s32 v1, v3;
	_ =	sdelay $0x1  }
0xf1: {  	s7 =	simm.s32 $0x3400  }
0xf2: {  	[tilespmem:s7], [sflag:$0x1] =	stream.indirect_vreg.gather [hbm4b:s3+s2], $0x80, v4, vm0, $0xb8;
	[tilespmem:$0x10400] =	vst v63  }
0xf3: {  	s9 =	simm.s32 $0x3C00  }
0xf4: {  	[tilespmem:s9], [sflag:$0x1] =	stream.indirect_vreg.gather [hbm4b:s3+s2], $0x80, v3, vm0, $0xb8;
	[tilespmem:$0x10400] =	vst v63  }
0xf5: {  	v3 =	vld [tilespmem:$0x140];
	_ =	sdelay $0x4  }
0xf6: {  	v20 =	vshll.u32 v3, $0x1  }
0xf7: {  	v3 =	vand.u32 $0x7, v3;
	v4 =	vand.u32 $0xFFFFFFF0, v20  }
0xf8: {  	v3 =	vor.u32 v3, v4  }
0xf9: {  	v4 =	vperm.xlane v3, v0;
	_ =	sdelay $0x1  }
0xfa: {  	v3 =	vperm.xlane v3, v2;
	v4 =	vadd.s32 v1, v4;
	_ =	sdelay $0x1  }
0xfb: {  	v3 =	vadd.s32 v1, v3;
	_ =	sdelay $0x1  }
0xfc: {  	s8 =	simm.s32 $0x4400  }
0xfd: {  	[tilespmem:s8], [sflag:$0x1] =	stream.indirect_vreg.gather [hbm4b:s3+s2], $0x80, v4, vm0, $0xb8;
	[tilespmem:$0x10400] =	vst v63  }
0xfe: {  	s16 =	simm.s32 $0x4C00  }
0xff: {  	[tilespmem:s16], [sflag:$0x1] =	stream.indirect_vreg.gather [hbm4b:s3+s2], $0x80, v3, vm0, $0xb8;
	[tilespmem:$0x10400] =	vst v63  }
0x100: {  	v3 =	vld [tilespmem:$0x150];
	_ =	sdelay $0x4  }
0x101: {  	v21 =	vshll.u32 v3, $0x1  }
0x102: {  	v3 =	vand.u32 $0x7, v3;
	v4 =	vand.u32 $0xFFFFFFF0, v21  }
0x103: {  	v3 =	vor.u32 v3, v4  }
0x104: {  	v4 =	vperm.xlane v3, v0;
	_ =	sdelay $0x1  }
0x105: {  	v3 =	vperm.xlane v3, v2;
	v4 =	vadd.s32 v1, v4;
	_ =	sdelay $0x1  }
0x106: {  	v3 =	vadd.s32 v1, v3;
	_ =	sdelay $0x1  }
0x107: {  	s9 =	simm.s32 $0x5400  }
0x108: {  	[tilespmem:s9], [sflag:$0x1] =	stream.indirect_vreg.gather [hbm4b:s3+s2], $0x80, v4, vm0, $0xb8;
	[tilespmem:$0x10400] =	vst v63  }
0x109: {  	s17 =	simm.s32 $0x5C00  }
0x10a: {  	[tilespmem:s17], [sflag:$0x1] =	stream.indirect_vreg.gather [hbm4b:s3+s2], $0x80, v3, vm0, $0xb8;
	[tilespmem:$0x10400] =	vst v63  }
0x10b: {  	v3 =	vld [tilespmem:$0x160];
	_ =	sdelay $0x4  }
0x10c: {  	v22 =	vshll.u32 v3, $0x1  }
0x10d: {  	v3 =	vand.u32 $0x7, v3;
	v4 =	vand.u32 $0xFFFFFFF0, v22  }
0x10e: {  	v3 =	vor.u32 v3, v4  }
0x10f: {  	v4 =	vperm.xlane v3, v0;
	_ =	sdelay $0x1  }
0x110: {  	v3 =	vperm.xlane v3, v2;
	v4 =	vadd.s32 v1, v4;
	_ =	sdelay $0x1  }
0x111: {  	v3 =	vadd.s32 v1, v3;
	_ =	sdelay $0x1  }
0x112: {  	s10 =	simm.s32 $0x6400  }
0x113: {  	[tilespmem:s10], [sflag:$0x1] =	stream.indirect_vreg.gather [hbm4b:s3+s2], $0x80, v4, vm0, $0xb8;
	[tilespmem:$0x10400] =	vst v63  }
0x114: {  	s18 =	simm.s32 $0x6C00  }
0x115: {  	[tilespmem:s18], [sflag:$0x1] =	stream.indirect_vreg.gather [hbm4b:s3+s2], $0x80, v3, vm0, $0xb8;
	[tilespmem:$0x10400] =	vst v63  }
0x116: {  	v3 =	vld [tilespmem:$0x170];
	_ =	sdelay $0x4  }
0x117: {  	v23 =	vshll.u32 v3, $0x1  }
0x118: {  	v3 =	vand.u32 $0x7, v3;
	v4 =	vand.u32 $0xFFFFFFF0, v23  }
0x119: {  	v3 =	vor.u32 v3, v4  }
0x11a: {  	v4 =	vperm.xlane v3, v0;
	_ =	sdelay $0x1  }
0x11b: {  	v3 =	vperm.xlane v3, v2;
	v4 =	vadd.s32 v1, v4;
	_ =	sdelay $0x1  }
0x11c: {  	v3 =	vadd.s32 v1, v3;
	_ =	sdelay $0x1  }
0x11d: {  	s18 =	simm.s32 $0x7400  }
0x11e: {  	[tilespmem:s18], [sflag:$0x1] =	stream.indirect_vreg.gather [hbm4b:s3+s2], $0x80, v4, vm0, $0xb8;
	[tilespmem:$0x10400] =	vst v63  }
0x11f: {  	s10 =	simm.s32 $0x7C00  }
0x120: {  	[tilespmem:s10], [sflag:$0x1] =	stream.indirect_vreg.gather [hbm4b:s3+s2], $0x80, v3, vm0, $0xb8;
	[tilespmem:$0x10400] =	vst v63  }
0x121: {  	_ =	swait.ge [sflag:s13], $0x8000  }
0x122: {  	[sflag:s13] =	ssyncset.done $0x0  }
0x123: {  	s6 =	rddreg [dreg:$0x5];
	[sflag:s13] =	ssyncadd.s32 $0xFFFF8000  }
0x124: {  	[hbm4b:s6+s2] =	stream.linear.scatter [tilespmem:s22], [sflag:$0x4], $0x8000, $0x38;
	[tilespmem:$0x10400] =	vst v63  }
0x125: {  	_ =	swait.ge [sflag:s14], $0x8000  }
0x126: {  	[sflag:s14] =	ssyncset.done $0x0  }
0x127: {  	[sflag:s14] =	ssyncadd.s32 $0xFFFF8000  }
0x128: {  	v3 =	vld [tilespmem:$0x180];
	_ =	sdelay $0x4  }
0x129: {  	v24 =	vshll.u32 v3, $0x1  }
0x12a: {  	v3 =	vand.u32 $0x7, v3;
	v4 =	vand.u32 $0xFFFFFFF0, v24  }
0x12b: {  	v3 =	vor.u32 v3, v4  }
0x12c: {  	v4 =	vperm.xlane v3, v0;
	_ =	sdelay $0x1  }
0x12d: {  	v3 =	vperm.xlane v3, v2;
	v4 =	vadd.s32 v1, v4;
	_ =	sdelay $0x1  }
0x12e: {  	v3 =	vadd.s32 v1, v3;
	_ =	sdelay $0x2  }
0x12f: {  	[tilespmem:s22], [sflag:$0x2] =	stream.indirect_vreg.gather [hbm4b:s3+s2], $0x80, v4, vm0, $0xb8;
	[tilespmem:$0x10400] =	vst v63  }
0x130: {  	s1 =	simm.s32 $0x8C00  }
0x131: {  	[tilespmem:s1], [sflag:$0x2] =	stream.indirect_vreg.gather [hbm4b:s3+s2], $0x80, v3, vm0, $0xb8;
	[tilespmem:$0x10400] =	vst v63  }
0x132: {  	v3 =	vld [tilespmem:$0x190];
	_ =	sdelay $0x4  }
0x133: {  	v25 =	vshll.u32 v3, $0x1  }
0x134: {  	v3 =	vand.u32 $0x7, v3;
	v4 =	vand.u32 $0xFFFFFFF0, v25  }
0x135: {  	v3 =	vor.u32 v3, v4  }
0x136: {  	v4 =	vperm.xlane v3, v0;
	_ =	sdelay $0x1  }
0x137: {  	v3 =	vperm.xlane v3, v2;
	v4 =	vadd.s32 v1, v4;
	_ =	sdelay $0x1  }
0x138: {  	v3 =	vadd.s32 v1, v3;
	_ =	sdelay $0x1  }
0x139: {  	s0 =	simm.s32 $0x9400  }
0x13a: {  	[tilespmem:s0], [sflag:$0x2] =	stream.indirect_vreg.gather [hbm4b:s3+s2], $0x80, v4, vm0, $0xb8;
	[tilespmem:$0x10400] =	vst v63  }
0x13b: {  	s5 =	simm.s32 $0x9C00  }
0x13c: {  	[tilespmem:s5], [sflag:$0x2] =	stream.indirect_vreg.gather [hbm4b:s3+s2], $0x80, v3, vm0, $0xb8;
	[tilespmem:$0x10400] =	vst v63  }
0x13d: {  	v3 =	vld [tilespmem:$0x1A0];
	_ =	sdelay $0x4  }
0x13e: {  	v26 =	vshll.u32 v3, $0x1  }
0x13f: {  	v3 =	vand.u32 $0x7, v3;
	v4 =	vand.u32 $0xFFFFFFF0, v26  }
0x140: {  	v3 =	vor.u32 v3, v4  }
0x141: {  	v4 =	vperm.xlane v3, v0;
	_ =	sdelay $0x1  }
0x142: {  	v3 =	vperm.xlane v3, v2;
	v4 =	vadd.s32 v1, v4;
	_ =	sdelay $0x1  }
0x143: {  	v3 =	vadd.s32 v1, v3;
	_ =	sdelay $0x1  }
0x144: {  	s1 =	simm.s32 $0xA400  }
0x145: {  	[tilespmem:s1], [sflag:$0x2] =	stream.indirect_vreg.gather [hbm4b:s3+s2], $0x80, v4, vm0, $0xb8;
	[tilespmem:$0x10400] =	vst v63  }
0x146: {  	s6 =	simm.s32 $0xAC00  }
0x147: {  	[tilespmem:s6], [sflag:$0x2] =	stream.indirect_vreg.gather [hbm4b:s3+s2], $0x80, v3, vm0, $0xb8;
	[tilespmem:$0x10400] =	vst v63  }
0x148: {  	v3 =	vld [tilespmem:$0x1B0];
	_ =	sdelay $0x4  }
0x149: {  	v27 =	vshll.u32 v3, $0x1  }
0x14a: {  	v3 =	vand.u32 $0x7, v3;
	v4 =	vand.u32 $0xFFFFFFF0, v27  }
0x14b: {  	v3 =	vor.u32 v3, v4  }
0x14c: {  	v4 =	vperm.xlane v3, v0;
	_ =	sdelay $0x1  }
0x14d: {  	v3 =	vperm.xlane v3, v2;
	v4 =	vadd.s32 v1, v4;
	_ =	sdelay $0x1  }
0x14e: {  	v3 =	vadd.s32 v1, v3;
	_ =	sdelay $0x1  }
0x14f: {  	s29 =	simm.s32 $0xB400  }
0x150: {  	[tilespmem:s29], [sflag:$0x2] =	stream.indirect_vreg.gather [hbm4b:s3+s2], $0x80, v4, vm0, $0xb8;
	[tilespmem:$0x10400] =	vst v63  }
0x151: {  	s21 =	simm.s32 $0xBC00  }
0x152: {  	[tilespmem:s21], [sflag:$0x2] =	stream.indirect_vreg.gather [hbm4b:s3+s2], $0x80, v3, vm0, $0xb8;
	[tilespmem:$0x10400] =	vst v63  }
0x153: {  	v3 =	vld [tilespmem:$0x1C0];
	_ =	sdelay $0x4  }
0x154: {  	v28 =	vshll.u32 v3, $0x1  }
0x155: {  	v3 =	vand.u32 $0x7, v3;
	v4 =	vand.u32 $0xFFFFFFF0, v28  }
0x156: {  	v3 =	vor.u32 v3, v4  }
0x157: {  	v4 =	vperm.xlane v3, v0;
	_ =	sdelay $0x1  }
0x158: {  	v3 =	vperm.xlane v3, v2;
	v4 =	vadd.s32 v1, v4;
	_ =	sdelay $0x1  }
0x159: {  	v3 =	vadd.s32 v1, v3;
	_ =	sdelay $0x1  }
0x15a: {  	s30 =	simm.s32 $0xC400  }
0x15b: {  	[tilespmem:s30], [sflag:$0x2] =	stream.indirect_vreg.gather [hbm4b:s3+s2], $0x80, v4, vm0, $0xb8;
	[tilespmem:$0x10400] =	vst v63  }
0x15c: {  	s24 =	simm.s32 $0xCC00  }
0x15d: {  	[tilespmem:s24], [sflag:$0x2] =	stream.indirect_vreg.gather [hbm4b:s3+s2], $0x80, v3, vm0, $0xb8;
	[tilespmem:$0x10400] =	vst v63  }
0x15e: {  	v3 =	vld [tilespmem:$0x1D0];
	_ =	sdelay $0x4  }
0x15f: {  	v29 =	vshll.u32 v3, $0x1  }
0x160: {  	v3 =	vand.u32 $0x7, v3;
	v4 =	vand.u32 $0xFFFFFFF0, v29  }
0x161: {  	v3 =	vor.u32 v3, v4  }
0x162: {  	v4 =	vperm.xlane v3, v0;
	_ =	sdelay $0x1  }
0x163: {  	v3 =	vperm.xlane v3, v2;
	v4 =	vadd.s32 v1, v4;
	_ =	sdelay $0x1  }
0x164: {  	v3 =	vadd.s32 v1, v3;
	_ =	sdelay $0x1  }
0x165: {  	s21 =	simm.s32 $0xD400  }
0x166: {  	[tilespmem:s21], [sflag:$0x2] =	stream.indirect_vreg.gather [hbm4b:s3+s2], $0x80, v4, vm0, $0xb8;
	[tilespmem:$0x10400] =	vst v63  }
0x167: {  	s25 =	simm.s32 $0xDC00  }
0x168: {  	[tilespmem:s25], [sflag:$0x2] =	stream.indirect_vreg.gather [hbm4b:s3+s2], $0x80, v3, vm0, $0xb8;
	[tilespmem:$0x10400] =	vst v63  }
0x169: {  	v3 =	vld [tilespmem:$0x1E0];
	_ =	sdelay $0x4  }
0x16a: {  	v30 =	vshll.u32 v3, $0x1  }
0x16b: {  	v3 =	vand.u32 $0x7, v3;
	v4 =	vand.u32 $0xFFFFFFF0, v30  }
0x16c: {  	v3 =	vor.u32 v3, v4  }
0x16d: {  	v4 =	vperm.xlane v3, v0;
	_ =	sdelay $0x1  }
0x16e: {  	v3 =	vperm.xlane v3, v2;
	v4 =	vadd.s32 v1, v4;
	_ =	sdelay $0x1  }
0x16f: {  	v3 =	vadd.s32 v1, v3;
	_ =	sdelay $0x1  }
0x170: {  	s24 =	simm.s32 $0xE400  }
0x171: {  	[tilespmem:s24], [sflag:$0x2] =	stream.indirect_vreg.gather [hbm4b:s3+s2], $0x80, v4, vm0, $0xb8;
	[tilespmem:$0x10400] =	vst v63  }
0x172: {  	s19 =	simm.s32 $0xEC00  }
0x173: {  	[tilespmem:s19], [sflag:$0x2] =	stream.indirect_vreg.gather [hbm4b:s3+s2], $0x80, v3, vm0, $0xb8;
	[tilespmem:$0x10400] =	vst v63  }
0x174: {  	v3 =	vld [tilespmem:$0x1F0];
	_ =	sdelay $0x4  }
0x175: {  	v31 =	vshll.u32 v3, $0x1  }
0x176: {  	v3 =	vand.u32 $0x7, v3;
	v4 =	vand.u32 $0xFFFFFFF0, v31  }
0x177: {  	v3 =	vor.u32 v3, v4  }
0x178: {  	v4 =	vperm.xlane v3, v0;
	_ =	sdelay $0x1  }
0x179: {  	v3 =	vperm.xlane v3, v2;
	v4 =	vadd.s32 v1, v4;
	_ =	sdelay $0x1  }
0x17a: {  	v3 =	vadd.s32 v1, v3;
	_ =	sdelay $0x1  }
0x17b: {  	s19 =	simm.s32 $0xF400  }
0x17c: {  	[tilespmem:s19], [sflag:$0x2] =	stream.indirect_vreg.gather [hbm4b:s3+s2], $0x80, v4, vm0, $0xb8;
	[tilespmem:$0x10400] =	vst v63  }
0x17d: {  	s20 =	simm.s32 $0xFC00  }
0x17e: {  	[tilespmem:s20], [sflag:$0x2] =	stream.indirect_vreg.gather [hbm4b:s3+s2], $0x80, v3, vm0, $0xb8;
	[tilespmem:$0x10400] =	vst v63  }
0x17f: {  	_ =	swait.ge [sflag:s11], $0x8000  }
0x180: {  	[sflag:s11] =	ssyncset.done $0x0  }
0x181: {  	s20 =	rddreg [dreg:$0x6];
	[sflag:s11] =	ssyncadd.s32 $0xFFFF8000  }
0x182: {  	[hbm4b:s20+s2] =	stream.linear.scatter [tilespmem:s26], [sflag:$0x3], $0x8000, $0x38;
	[tilespmem:$0x10400] =	vst v63  }
0x183: {  	_ =	swait.ge [sflag:s12], $0x8000  }
0x184: {  	[sflag:s12] =	ssyncset.done $0x0  }
0x185: {  	[sflag:s12] =	ssyncadd.s32 $0xFFFF8000  }
0x186: {  	v3 =	vld [tilespmem:$0x200];
	_ =	sdelay $0x4  }
0x187: {  	v32 =	vshll.u32 v3, $0x1  }
0x188: {  	v3 =	vand.u32 $0x7, v3;
	v4 =	vand.u32 $0xFFFFFFF0, v32  }
0x189: {  	v3 =	vor.u32 v3, v4  }
0x18a: {  	v4 =	vperm.xlane v3, v0;
	_ =	sdelay $0x1  }
0x18b: {  	v3 =	vperm.xlane v3, v2;
	v4 =	vadd.s32 v1, v4;
	_ =	sdelay $0x1  }
0x18c: {  	v3 =	vadd.s32 v1, v3;
	_ =	sdelay $0x2  }
0x18d: {  	[tilespmem:s26], [sflag:$0x1] =	stream.indirect_vreg.gather [hbm4b:s3+s2], $0x80, v4, vm0, $0xb8;
	[tilespmem:$0x10400] =	vst v63  }
0x18e: {  	s19 =	simm.s32 $0xC00  }
0x18f: {  	[tilespmem:s19], [sflag:$0x1] =	stream.indirect_vreg.gather [hbm4b:s3+s2], $0x80, v3, vm0, $0xb8;
	[tilespmem:$0x10400] =	vst v63  }
0x190: {  	v3 =	vld [tilespmem:$0x210];
	_ =	sdelay $0x4  }
0x191: {  	v33 =	vshll.u32 v3, $0x1  }
0x192: {  	v3 =	vand.u32 $0x7, v3;
	v4 =	vand.u32 $0xFFFFFFF0, v33  }
0x193: {  	v3 =	vor.u32 v3, v4  }
0x194: {  	v4 =	vperm.xlane v3, v0;
	_ =	sdelay $0x1  }
0x195: {  	v3 =	vperm.xlane v3, v2;
	v4 =	vadd.s32 v1, v4;
	_ =	sdelay $0x1  }
0x196: {  	v3 =	vadd.s32 v1, v3;
	_ =	sdelay $0x1  }
0x197: {  	s20 =	simm.s32 $0x1400  }
0x198: {  	[tilespmem:s20], [sflag:$0x1] =	stream.indirect_vreg.gather [hbm4b:s3+s2], $0x80, v4, vm0, $0xb8;
	[tilespmem:$0x10400] =	vst v63  }
0x199: {  	s19 =	simm.s32 $0x1C00  }
0x19a: {  	[tilespmem:s19], [sflag:$0x1] =	stream.indirect_vreg.gather [hbm4b:s3+s2], $0x80, v3, vm0, $0xb8;
	[tilespmem:$0x10400] =	vst v63  }
0x19b: {  	v3 =	vld [tilespmem:$0x220];
	_ =	sdelay $0x4  }
0x19c: {  	v34 =	vshll.u32 v3, $0x1  }
0x19d: {  	v3 =	vand.u32 $0x7, v3;
	v4 =	vand.u32 $0xFFFFFFF0, v34  }
0x19e: {  	v3 =	vor.u32 v3, v4  }
0x19f: {  	v4 =	vperm.xlane v3, v0;
	_ =	sdelay $0x1  }
0x1a0: {  	v3 =	vperm.xlane v3, v2;
	v4 =	vadd.s32 v1, v4;
	_ =	sdelay $0x1  }
0x1a1: {  	v3 =	vadd.s32 v1, v3;
	_ =	sdelay $0x1  }
0x1a2: {  	s20 =	simm.s32 $0x2400  }
0x1a3: {  	[tilespmem:s20], [sflag:$0x1] =	stream.indirect_vreg.gather [hbm4b:s3+s2], $0x80, v4, vm0, $0xb8;
	[tilespmem:$0x10400] =	vst v63  }
0x1a4: {  	_ = 	snop  }
0x1a5: {  	[tilespmem:s23], [sflag:$0x1] =	stream.indirect_vreg.gather [hbm4b:s3+s2], $0x80, v3, vm0, $0xb8;
	[tilespmem:$0x10400] =	vst v63  }
0x1a6: {  	v3 =	vld [tilespmem:$0x230];
	_ =	sdelay $0x4  }
0x1a7: {  	v35 =	vshll.u32 v3, $0x1  }
0x1a8: {  	v3 =	vand.u32 $0x7, v3;
	v4 =	vand.u32 $0xFFFFFFF0, v35  }
0x1a9: {  	v3 =	vor.u32 v3, v4  }
0x1aa: {  	v4 =	vperm.xlane v3, v0;
	_ =	sdelay $0x1  }
0x1ab: {  	v3 =	vperm.xlane v3, v2;
	v4 =	vadd.s32 v1, v4;
	_ =	sdelay $0x1  }
0x1ac: {  	v3 =	vadd.s32 v1, v3;
	_ =	sdelay $0x2  }
0x1ad: {  	[tilespmem:s7], [sflag:$0x1] =	stream.indirect_vreg.gather [hbm4b:s3+s2], $0x80, v4, vm0, $0xb8;
	[tilespmem:$0x10400] =	vst v63  }
0x1ae: {  	s23 =	simm.s32 $0x3C00  }
0x1af: {  	[tilespmem:s23], [sflag:$0x1] =	stream.indirect_vreg.gather [hbm4b:s3+s2], $0x80, v3, vm0, $0xb8;
	[tilespmem:$0x10400] =	vst v63  }
0x1b0: {  	v3 =	vld [tilespmem:$0x240];
	_ =	sdelay $0x4  }
0x1b1: {  	v36 =	vshll.u32 v3, $0x1  }
0x1b2: {  	v3 =	vand.u32 $0x7, v3;
	v4 =	vand.u32 $0xFFFFFFF0, v36  }
0x1b3: {  	v3 =	vor.u32 v3, v4  }
0x1b4: {  	v4 =	vperm.xlane v3, v0;
	_ =	sdelay $0x1  }
0x1b5: {  	v3 =	vperm.xlane v3, v2;
	v4 =	vadd.s32 v1, v4;
	_ =	sdelay $0x1  }
0x1b6: {  	v3 =	vadd.s32 v1, v3;
	_ =	sdelay $0x2  }
0x1b7: {  	[tilespmem:s8], [sflag:$0x1] =	stream.indirect_vreg.gather [hbm4b:s3+s2], $0x80, v4, vm0, $0xb8;
	[tilespmem:$0x10400] =	vst v63  }
0x1b8: {  	_ = 	snop  }
0x1b9: {  	[tilespmem:s16], [sflag:$0x1] =	stream.indirect_vreg.gather [hbm4b:s3+s2], $0x80, v3, vm0, $0xb8;
	[tilespmem:$0x10400] =	vst v63  }
0x1ba: {  	v3 =	vld [tilespmem:$0x250];
	_ =	sdelay $0x4  }
0x1bb: {  	v37 =	vshll.u32 v3, $0x1  }
0x1bc: {  	v3 =	vand.u32 $0x7, v3;
	v4 =	vand.u32 $0xFFFFFFF0, v37  }
0x1bd: {  	v3 =	vor.u32 v3, v4  }
0x1be: {  	v4 =	vperm.xlane v3, v0;
	_ =	sdelay $0x1  }
0x1bf: {  	v3 =	vperm.xlane v3, v2;
	v4 =	vadd.s32 v1, v4;
	_ =	sdelay $0x1  }
0x1c0: {  	v3 =	vadd.s32 v1, v3;
	_ =	sdelay $0x2  }
0x1c1: {  	[tilespmem:s9], [sflag:$0x1] =	stream.indirect_vreg.gather [hbm4b:s3+s2], $0x80, v4, vm0, $0xb8;
	[tilespmem:$0x10400] =	vst v63  }
0x1c2: {  	_ = 	snop  }
0x1c3: {  	[tilespmem:s17], [sflag:$0x1] =	stream.indirect_vreg.gather [hbm4b:s3+s2], $0x80, v3, vm0, $0xb8;
	[tilespmem:$0x10400] =	vst v63  }
0x1c4: {  	v3 =	vld [tilespmem:$0x260];
	_ =	sdelay $0x4  }
0x1c5: {  	v38 =	vshll.u32 v3, $0x1  }
0x1c6: {  	v3 =	vand.u32 $0x7, v3;
	v4 =	vand.u32 $0xFFFFFFF0, v38  }
0x1c7: {  	v3 =	vor.u32 v3, v4  }
0x1c8: {  	v4 =	vperm.xlane v3, v0;
	_ =	sdelay $0x1  }
0x1c9: {  	v3 =	vperm.xlane v3, v2;
	v4 =	vadd.s32 v1, v4;
	_ =	sdelay $0x1  }
0x1ca: {  	v3 =	vadd.s32 v1, v3;
	_ =	sdelay $0x1  }
0x1cb: {  	s19 =	simm.s32 $0x6400  }
0x1cc: {  	[tilespmem:s19], [sflag:$0x1] =	stream.indirect_vreg.gather [hbm4b:s3+s2], $0x80, v4, vm0, $0xb8;
	[tilespmem:$0x10400] =	vst v63  }
0x1cd: {  	s23 =	simm.s32 $0x6C00  }
0x1ce: {  	[tilespmem:s23], [sflag:$0x1] =	stream.indirect_vreg.gather [hbm4b:s3+s2], $0x80, v3, vm0, $0xb8;
	[tilespmem:$0x10400] =	vst v63  }
0x1cf: {  	v3 =	vld [tilespmem:$0x270];
	_ =	sdelay $0x4  }
0x1d0: {  	v39 =	vshll.u32 v3, $0x1  }
0x1d1: {  	v3 =	vand.u32 $0x7, v3;
	v4 =	vand.u32 $0xFFFFFFF0, v39  }
0x1d2: {  	v3 =	vor.u32 v3, v4  }
0x1d3: {  	v4 =	vperm.xlane v3, v0;
	_ =	sdelay $0x1  }
0x1d4: {  	v3 =	vperm.xlane v3, v2;
	v4 =	vadd.s32 v1, v4;
	_ =	sdelay $0x1  }
0x1d5: {  	v3 =	vadd.s32 v1, v3;
	_ =	sdelay $0x2  }
0x1d6: {  	[tilespmem:s18], [sflag:$0x1] =	stream.indirect_vreg.gather [hbm4b:s3+s2], $0x80, v4, vm0, $0xb8;
	[tilespmem:$0x10400] =	vst v63  }
0x1d7: {  	_ = 	snop  }
0x1d8: {  	[tilespmem:s10], [sflag:$0x1] =	stream.indirect_vreg.gather [hbm4b:s3+s2], $0x80, v3, vm0, $0xb8;
	[tilespmem:$0x10400] =	vst v63  }
0x1d9: {  	_ =	swait.ge [sflag:s13], $0x8000  }
0x1da: {  	[sflag:s13] =	ssyncset.done $0x0  }
0x1db: {  	s19 =	rddreg [dreg:$0x7];
	[sflag:s13] =	ssyncadd.s32 $0xFFFF8000  }
0x1dc: {  	[hbm4b:s19+s2] =	stream.linear.scatter [tilespmem:s22], [sflag:$0x4], $0x8000, $0x38;
	[tilespmem:$0x10400] =	vst v63  }
0x1dd: {  	_ =	swait.ge [sflag:s14], $0x8000  }
0x1de: {  	[sflag:s14] =	ssyncset.done $0x0  }
0x1df: {  	[sflag:s14] =	ssyncadd.s32 $0xFFFF8000  }
0x1e0: {  	v3 =	vld [tilespmem:$0x280];
	_ =	sdelay $0x4  }
0x1e1: {  	v40 =	vshll.u32 v3, $0x1  }
0x1e2: {  	v3 =	vand.u32 $0x7, v3;
	v4 =	vand.u32 $0xFFFFFFF0, v40  }
0x1e3: {  	v3 =	vor.u32 v3, v4  }
0x1e4: {  	v4 =	vperm.xlane v3, v0;
	_ =	sdelay $0x1  }
0x1e5: {  	v3 =	vperm.xlane v3, v2;
	v4 =	vadd.s32 v1, v4;
	_ =	sdelay $0x1  }
0x1e6: {  	v3 =	vadd.s32 v1, v3;
	_ =	sdelay $0x2  }
0x1e7: {  	[tilespmem:s22], [sflag:$0x2] =	stream.indirect_vreg.gather [hbm4b:s3+s2], $0x80, v4, vm0, $0xb8;
	[tilespmem:$0x10400] =	vst v63  }
0x1e8: {  	s31 =	simm.s32 $0x8C00  }
0x1e9: {  	[tilespmem:s31], [sflag:$0x2] =	stream.indirect_vreg.gather [hbm4b:s3+s2], $0x80, v3, vm0, $0xb8;
	[tilespmem:$0x10400] =	vst v63  }
0x1ea: {  	v3 =	vld [tilespmem:$0x290];
	_ =	sdelay $0x4  }
0x1eb: {  	v41 =	vshll.u32 v3, $0x1  }
0x1ec: {  	v3 =	vand.u32 $0x7, v3;
	v4 =	vand.u32 $0xFFFFFFF0, v41  }
0x1ed: {  	v3 =	vor.u32 v3, v4  }
0x1ee: {  	v4 =	vperm.xlane v3, v0;
	_ =	sdelay $0x1  }
0x1ef: {  	v3 =	vperm.xlane v3, v2;
	v4 =	vadd.s32 v1, v4;
	_ =	sdelay $0x1  }
0x1f0: {  	v3 =	vadd.s32 v1, v3;
	_ =	sdelay $0x2  }
0x1f1: {  	[tilespmem:s0], [sflag:$0x2] =	stream.indirect_vreg.gather [hbm4b:s3+s2], $0x80, v4, vm0, $0xb8;
	[tilespmem:$0x10400] =	vst v63  }
0x1f2: {  	_ = 	snop  }
0x1f3: {  	[tilespmem:s5], [sflag:$0x2] =	stream.indirect_vreg.gather [hbm4b:s3+s2], $0x80, v3, vm0, $0xb8;
	[tilespmem:$0x10400] =	vst v63  }
0x1f4: {  	v3 =	vld [tilespmem:$0x2A0];
	_ =	sdelay $0x4  }
0x1f5: {  	v42 =	vshll.u32 v3, $0x1  }
0x1f6: {  	v3 =	vand.u32 $0x7, v3;
	v4 =	vand.u32 $0xFFFFFFF0, v42  }
0x1f7: {  	v3 =	vor.u32 v3, v4  }
0x1f8: {  	v4 =	vperm.xlane v3, v0;
	_ =	sdelay $0x1  }
0x1f9: {  	v3 =	vperm.xlane v3, v2;
	v4 =	vadd.s32 v1, v4;
	_ =	sdelay $0x1  }
0x1fa: {  	v3 =	vadd.s32 v1, v3;
	_ =	sdelay $0x2  }
0x1fb: {  	[tilespmem:s1], [sflag:$0x2] =	stream.indirect_vreg.gather [hbm4b:s3+s2], $0x80, v4, vm0, $0xb8;
	[tilespmem:$0x10400] =	vst v63  }
0x1fc: {  	_ = 	snop  }
0x1fd: {  	[tilespmem:s6], [sflag:$0x2] =	stream.indirect_vreg.gather [hbm4b:s3+s2], $0x80, v3, vm0, $0xb8;
	[tilespmem:$0x10400] =	vst v63  }
0x1fe: {  	v3 =	vld [tilespmem:$0x2B0];
	_ =	sdelay $0x4  }
0x1ff: {  	v43 =	vshll.u32 v3, $0x1  }
0x200: {  	v3 =	vand.u32 $0x7, v3;
	v4 =	vand.u32 $0xFFFFFFF0, v43  }
0x201: {  	v3 =	vor.u32 v3, v4  }
0x202: {  	v4 =	vperm.xlane v3, v0;
	_ =	sdelay $0x1  }
0x203: {  	v3 =	vperm.xlane v3, v2;
	v4 =	vadd.s32 v1, v4;
	_ =	sdelay $0x1  }
0x204: {  	v3 =	vadd.s32 v1, v3;
	_ =	sdelay $0x1  }
0x205: {  	s28 =	simm.s32 $0xB400  }
0x206: {  	[tilespmem:s28], [sflag:$0x2] =	stream.indirect_vreg.gather [hbm4b:s3+s2], $0x80, v4, vm0, $0xb8;
	[tilespmem:$0x10400] =	vst v63  }
0x207: {  	s29 =	simm.s32 $0xBC00  }
0x208: {  	[tilespmem:s29], [sflag:$0x2] =	stream.indirect_vreg.gather [hbm4b:s3+s2], $0x80, v3, vm0, $0xb8;
	[tilespmem:$0x10400] =	vst v63  }
0x209: {  	v3 =	vld [tilespmem:$0x2C0];
	_ =	sdelay $0x4  }
0x20a: {  	v44 =	vshll.u32 v3, $0x1  }
0x20b: {  	v3 =	vand.u32 $0x7, v3;
	v4 =	vand.u32 $0xFFFFFFF0, v44  }
0x20c: {  	v3 =	vor.u32 v3, v4  }
0x20d: {  	v4 =	vperm.xlane v3, v0;
	_ =	sdelay $0x1  }
0x20e: {  	v3 =	vperm.xlane v3, v2;
	v4 =	vadd.s32 v1, v4;
	_ =	sdelay $0x1  }
0x20f: {  	v3 =	vadd.s32 v1, v3;
	_ =	sdelay $0x1  }
0x210: {  	s30 =	simm.s32 $0xC400  }
0x211: {  	[tilespmem:s30], [sflag:$0x2] =	stream.indirect_vreg.gather [hbm4b:s3+s2], $0x80, v4, vm0, $0xb8;
	[tilespmem:$0x10400] =	vst v63  }
0x212: {  	s23 =	simm.s32 $0xCC00  }
0x213: {  	[tilespmem:s23], [sflag:$0x2] =	stream.indirect_vreg.gather [hbm4b:s3+s2], $0x80, v3, vm0, $0xb8;
	[tilespmem:$0x10400] =	vst v63  }
0x214: {  	v3 =	vld [tilespmem:$0x2D0];
	_ =	sdelay $0x4  }
0x215: {  	v45 =	vshll.u32 v3, $0x1  }
0x216: {  	v3 =	vand.u32 $0x7, v3;
	v4 =	vand.u32 $0xFFFFFFF0, v45  }
0x217: {  	v3 =	vor.u32 v3, v4  }
0x218: {  	v4 =	vperm.xlane v3, v0;
	_ =	sdelay $0x1  }
0x219: {  	v3 =	vperm.xlane v3, v2;
	v4 =	vadd.s32 v1, v4;
	_ =	sdelay $0x1  }
0x21a: {  	v3 =	vadd.s32 v1, v3;
	_ =	sdelay $0x1  }
0x21b: {  	s21 =	simm.s32 $0xD400  }
0x21c: {  	[tilespmem:s21], [sflag:$0x2] =	stream.indirect_vreg.gather [hbm4b:s3+s2], $0x80, v4, vm0, $0xb8;
	[tilespmem:$0x10400] =	vst v63  }
0x21d: {  	s25 =	simm.s32 $0xDC00  }
0x21e: {  	[tilespmem:s25], [sflag:$0x2] =	stream.indirect_vreg.gather [hbm4b:s3+s2], $0x80, v3, vm0, $0xb8;
	[tilespmem:$0x10400] =	vst v63  }
0x21f: {  	v3 =	vld [tilespmem:$0x2E0];
	_ =	sdelay $0x4  }
0x220: {  	v46 =	vshll.u32 v3, $0x1  }
0x221: {  	v3 =	vand.u32 $0x7, v3;
	v4 =	vand.u32 $0xFFFFFFF0, v46  }
0x222: {  	v3 =	vor.u32 v3, v4  }
0x223: {  	v4 =	vperm.xlane v3, v0;
	_ =	sdelay $0x1  }
0x224: {  	v3 =	vperm.xlane v3, v2;
	v4 =	vadd.s32 v1, v4;
	_ =	sdelay $0x1  }
0x225: {  	v3 =	vadd.s32 v1, v3;
	_ =	sdelay $0x1  }
0x226: {  	s24 =	simm.s32 $0xE400  }
0x227: {  	[tilespmem:s24], [sflag:$0x2] =	stream.indirect_vreg.gather [hbm4b:s3+s2], $0x80, v4, vm0, $0xb8;
	[tilespmem:$0x10400] =	vst v63  }
0x228: {  	s25 =	simm.s32 $0xEC00  }
0x229: {  	[tilespmem:s25], [sflag:$0x2] =	stream.indirect_vreg.gather [hbm4b:s3+s2], $0x80, v3, vm0, $0xb8;
	[tilespmem:$0x10400] =	vst v63  }
0x22a: {  	v3 =	vld [tilespmem:$0x2F0];
	_ =	sdelay $0x4  }
0x22b: {  	v47 =	vshll.u32 v3, $0x1  }
0x22c: {  	v3 =	vand.u32 $0x7, v3;
	v4 =	vand.u32 $0xFFFFFFF0, v47  }
0x22d: {  	v3 =	vor.u32 v3, v4  }
0x22e: {  	v4 =	vperm.xlane v3, v0;
	_ =	sdelay $0x1  }
0x22f: {  	v3 =	vperm.xlane v3, v2;
	v4 =	vadd.s32 v1, v4;
	_ =	sdelay $0x1  }
0x230: {  	v3 =	vadd.s32 v1, v3;
	_ =	sdelay $0x1  }
0x231: {  	s24 =	simm.s32 $0xF400  }
0x232: {  	[tilespmem:s24], [sflag:$0x2] =	stream.indirect_vreg.gather [hbm4b:s3+s2], $0x80, v4, vm0, $0xb8;
	[tilespmem:$0x10400] =	vst v63  }
0x233: {  	s15 =	simm.s32 $0xFC00  }
0x234: {  	[tilespmem:s15], [sflag:$0x2] =	stream.indirect_vreg.gather [hbm4b:s3+s2], $0x80, v3, vm0, $0xb8;
	[tilespmem:$0x10400] =	vst v63  }
0x235: {  	_ =	swait.ge [sflag:s11], $0x8000  }
0x236: {  	[sflag:s11] =	ssyncset.done $0x0  }
0x237: {  	s15 =	rddreg [dreg:$0x8];
	[sflag:s11] =	ssyncadd.s32 $0xFFFF8000  }
0x238: {  	[hbm4b:s15+s2] =	stream.linear.scatter [tilespmem:s26], [sflag:$0x3], $0x8000, $0x38;
	[tilespmem:$0x10400] =	vst v63  }
0x239: {  	_ =	swait.ge [sflag:s12], $0x8000  }
0x23a: {  	[sflag:s12] =	ssyncset.done $0x0  }
0x23b: {  	[sflag:s12] =	ssyncadd.s32 $0xFFFF8000  }
0x23c: {  	v3 =	vld [tilespmem:$0x300];
	_ =	sdelay $0x4  }
0x23d: {  	v48 =	vshll.u32 v3, $0x1  }
0x23e: {  	v3 =	vand.u32 $0x7, v3;
	v4 =	vand.u32 $0xFFFFFFF0, v48  }
0x23f: {  	v3 =	vor.u32 v3, v4  }
0x240: {  	v4 =	vperm.xlane v3, v0;
	_ =	sdelay $0x1  }
0x241: {  	v3 =	vperm.xlane v3, v2;
	v4 =	vadd.s32 v1, v4;
	_ =	sdelay $0x1  }
0x242: {  	v3 =	vadd.s32 v1, v3;
	_ =	sdelay $0x2  }
0x243: {  	[tilespmem:s26], [sflag:$0x1] =	stream.indirect_vreg.gather [hbm4b:s3+s2], $0x80, v4, vm0, $0xb8;
	[tilespmem:$0x10400] =	vst v63  }
0x244: {  	s15 =	simm.s32 $0xC00  }
0x245: {  	[tilespmem:s15], [sflag:$0x1] =	stream.indirect_vreg.gather [hbm4b:s3+s2], $0x80, v3, vm0, $0xb8;
	[tilespmem:$0x10400] =	vst v63  }
0x246: {  	v3 =	vld [tilespmem:$0x310];
	_ =	sdelay $0x4  }
0x247: {  	v49 =	vshll.u32 v3, $0x1  }
0x248: {  	v3 =	vand.u32 $0x7, v3;
	v4 =	vand.u32 $0xFFFFFFF0, v49  }
0x249: {  	v3 =	vor.u32 v3, v4  }
0x24a: {  	v4 =	vperm.xlane v3, v0;
	_ =	sdelay $0x1  }
0x24b: {  	v3 =	vperm.xlane v3, v2;
	v4 =	vadd.s32 v1, v4;
	_ =	sdelay $0x1  }
0x24c: {  	v3 =	vadd.s32 v1, v3;
	_ =	sdelay $0x1  }
0x24d: {  	s15 =	simm.s32 $0x1400  }
0x24e: {  	[tilespmem:s15], [sflag:$0x1] =	stream.indirect_vreg.gather [hbm4b:s3+s2], $0x80, v4, vm0, $0xb8;
	[tilespmem:$0x10400] =	vst v63  }
0x24f: {  	s15 =	simm.s32 $0x1C00  }
0x250: {  	[tilespmem:s15], [sflag:$0x1] =	stream.indirect_vreg.gather [hbm4b:s3+s2], $0x80, v3, vm0, $0xb8;
	[tilespmem:$0x10400] =	vst v63  }
0x251: {  	v3 =	vld [tilespmem:$0x320];
	_ =	sdelay $0x4  }
0x252: {  	v50 =	vshll.u32 v3, $0x1  }
0x253: {  	v3 =	vand.u32 $0x7, v3;
	v4 =	vand.u32 $0xFFFFFFF0, v50  }
0x254: {  	v3 =	vor.u32 v3, v4  }
0x255: {  	v4 =	vperm.xlane v3, v0;
	_ =	sdelay $0x1  }
0x256: {  	v3 =	vperm.xlane v3, v2;
	v4 =	vadd.s32 v1, v4;
	_ =	sdelay $0x1  }
0x257: {  	v3 =	vadd.s32 v1, v3;
	_ =	sdelay $0x1  }
0x258: {  	s15 =	simm.s32 $0x2400  }
0x259: {  	[tilespmem:s15], [sflag:$0x1] =	stream.indirect_vreg.gather [hbm4b:s3+s2], $0x80, v4, vm0, $0xb8;
	[tilespmem:$0x10400] =	vst v63  }
0x25a: {  	s20 =	simm.s32 $0x2C00  }
0x25b: {  	[tilespmem:s20], [sflag:$0x1] =	stream.indirect_vreg.gather [hbm4b:s3+s2], $0x80, v3, vm0, $0xb8;
	[tilespmem:$0x10400] =	vst v63  }
0x25c: {  	v3 =	vld [tilespmem:$0x330];
	_ =	sdelay $0x4  }
0x25d: {  	v51 =	vshll.u32 v3, $0x1  }
0x25e: {  	v3 =	vand.u32 $0x7, v3;
	v4 =	vand.u32 $0xFFFFFFF0, v51  }
0x25f: {  	v3 =	vor.u32 v3, v4  }
0x260: {  	v4 =	vperm.xlane v3, v0;
	_ =	sdelay $0x1  }
0x261: {  	v3 =	vperm.xlane v3, v2;
	v4 =	vadd.s32 v1, v4;
	_ =	sdelay $0x1  }
0x262: {  	v3 =	vadd.s32 v1, v3;
	_ =	sdelay $0x1  }
0x263: {  	s7 =	simm.s32 $0x3400  }
0x264: {  	[tilespmem:s7], [sflag:$0x1] =	stream.indirect_vreg.gather [hbm4b:s3+s2], $0x80, v4, vm0, $0xb8;
	[tilespmem:$0x10400] =	vst v63  }
0x265: {  	s15 =	simm.s32 $0x3C00  }
0x266: {  	[tilespmem:s15], [sflag:$0x1] =	stream.indirect_vreg.gather [hbm4b:s3+s2], $0x80, v3, vm0, $0xb8;
	[tilespmem:$0x10400] =	vst v63  }
0x267: {  	v3 =	vld [tilespmem:$0x340];
	_ =	sdelay $0x4  }
0x268: {  	v52 =	vshll.u32 v3, $0x1  }
0x269: {  	v3 =	vand.u32 $0x7, v3;
	v4 =	vand.u32 $0xFFFFFFF0, v52  }
0x26a: {  	v3 =	vor.u32 v3, v4  }
0x26b: {  	v4 =	vperm.xlane v3, v0;
	_ =	sdelay $0x1  }
0x26c: {  	v3 =	vperm.xlane v3, v2;
	v4 =	vadd.s32 v1, v4;
	_ =	sdelay $0x1  }
0x26d: {  	v3 =	vadd.s32 v1, v3;
	_ =	sdelay $0x1  }
0x26e: {  	s8 =	simm.s32 $0x4400  }
0x26f: {  	[tilespmem:s8], [sflag:$0x1] =	stream.indirect_vreg.gather [hbm4b:s3+s2], $0x80, v4, vm0, $0xb8;
	[tilespmem:$0x10400] =	vst v63  }
0x270: {  	s16 =	simm.s32 $0x4C00  }
0x271: {  	[tilespmem:s16], [sflag:$0x1] =	stream.indirect_vreg.gather [hbm4b:s3+s2], $0x80, v3, vm0, $0xb8;
	[tilespmem:$0x10400] =	vst v63  }
0x272: {  	v3 =	vld [tilespmem:$0x350];
	_ =	sdelay $0x4  }
0x273: {  	v53 =	vshll.u32 v3, $0x1  }
0x274: {  	v3 =	vand.u32 $0x7, v3;
	v4 =	vand.u32 $0xFFFFFFF0, v53  }
0x275: {  	v3 =	vor.u32 v3, v4  }
0x276: {  	v4 =	vperm.xlane v3, v0;
	_ =	sdelay $0x1  }
0x277: {  	v3 =	vperm.xlane v3, v2;
	v4 =	vadd.s32 v1, v4;
	_ =	sdelay $0x1  }
0x278: {  	v3 =	vadd.s32 v1, v3;
	_ =	sdelay $0x1  }
0x279: {  	s9 =	simm.s32 $0x5400  }
0x27a: {  	[tilespmem:s9], [sflag:$0x1] =	stream.indirect_vreg.gather [hbm4b:s3+s2], $0x80, v4, vm0, $0xb8;
	[tilespmem:$0x10400] =	vst v63  }
0x27b: {  	s17 =	simm.s32 $0x5C00  }
0x27c: {  	[tilespmem:s17], [sflag:$0x1] =	stream.indirect_vreg.gather [hbm4b:s3+s2], $0x80, v3, vm0, $0xb8;
	[tilespmem:$0x10400] =	vst v63  }
0x27d: {  	v3 =	vld [tilespmem:$0x360];
	_ =	sdelay $0x4  }
0x27e: {  	v54 =	vshll.u32 v3, $0x1  }
0x27f: {  	v3 =	vand.u32 $0x7, v3;
	v4 =	vand.u32 $0xFFFFFFF0, v54  }
0x280: {  	v3 =	vor.u32 v3, v4  }
0x281: {  	v4 =	vperm.xlane v3, v0;
	_ =	sdelay $0x1  }
0x282: {  	v3 =	vperm.xlane v3, v2;
	v4 =	vadd.s32 v1, v4;
	_ =	sdelay $0x1  }
0x283: {  	v3 =	vadd.s32 v1, v3;
	_ =	sdelay $0x1  }
0x284: {  	s16 =	simm.s32 $0x6400  }
0x285: {  	[tilespmem:s16], [sflag:$0x1] =	stream.indirect_vreg.gather [hbm4b:s3+s2], $0x80, v4, vm0, $0xb8;
	[tilespmem:$0x10400] =	vst v63  }
0x286: {  	s17 =	simm.s32 $0x6C00  }
0x287: {  	[tilespmem:s17], [sflag:$0x1] =	stream.indirect_vreg.gather [hbm4b:s3+s2], $0x80, v3, vm0, $0xb8;
	[tilespmem:$0x10400] =	vst v63  }
0x288: {  	v3 =	vld [tilespmem:$0x370];
	_ =	sdelay $0x4  }
0x289: {  	v55 =	vshll.u32 v3, $0x1  }
0x28a: {  	v3 =	vand.u32 $0x7, v3;
	v4 =	vand.u32 $0xFFFFFFF0, v55  }
0x28b: {  	v3 =	vor.u32 v3, v4  }
0x28c: {  	v4 =	vperm.xlane v3, v0;
	_ =	sdelay $0x1  }
0x28d: {  	v3 =	vperm.xlane v3, v2;
	v4 =	vadd.s32 v1, v4;
	_ =	sdelay $0x1  }
0x28e: {  	v3 =	vadd.s32 v1, v3;
	_ =	sdelay $0x1  }
0x28f: {  	s18 =	simm.s32 $0x7400  }
0x290: {  	[tilespmem:s18], [sflag:$0x1] =	stream.indirect_vreg.gather [hbm4b:s3+s2], $0x80, v4, vm0, $0xb8;
	[tilespmem:$0x10400] =	vst v63  }
0x291: {  	s10 =	simm.s32 $0x7C00  }
0x292: {  	[tilespmem:s10], [sflag:$0x1] =	stream.indirect_vreg.gather [hbm4b:s3+s2], $0x80, v3, vm0, $0xb8;
	[tilespmem:$0x10400] =	vst v63  }
0x293: {  	_ =	swait.ge [sflag:s13], $0x8000  }
0x294: {  	[sflag:s13] =	ssyncset.done $0x0  }
0x295: {  	s18 =	rddreg [dreg:$0x9];
	[sflag:s13] =	ssyncadd.s32 $0xFFFF8000  }
0x296: {  	[hbm4b:s18+s2] =	stream.linear.scatter [tilespmem:s22], [sflag:$0x4], $0x8000, $0x38;
	[tilespmem:$0x10400] =	vst v63  }
0x297: {  	_ =	swait.ge [sflag:s14], $0x8000  }
0x298: {  	[sflag:s14] =	ssyncset.done $0x0  }
0x299: {  	[sflag:s14] =	ssyncadd.s32 $0xFFFF8000  }
0x29a: {  	v3 =	vld [tilespmem:$0x380];
	_ =	sdelay $0x4  }
0x29b: {  	v56 =	vshll.u32 v3, $0x1  }
0x29c: {  	v3 =	vand.u32 $0x7, v3;
	v4 =	vand.u32 $0xFFFFFFF0, v56  }
0x29d: {  	v3 =	vor.u32 v3, v4  }
0x29e: {  	v4 =	vperm.xlane v3, v0;
	_ =	sdelay $0x1  }
0x29f: {  	v3 =	vperm.xlane v3, v2;
	v4 =	vadd.s32 v1, v4;
	_ =	sdelay $0x1  }
0x2a0: {  	v3 =	vadd.s32 v1, v3;
	_ =	sdelay $0x2  }
0x2a1: {  	[tilespmem:s22], [sflag:$0x2] =	stream.indirect_vreg.gather [hbm4b:s3+s2], $0x80, v4, vm0, $0xb8;
	[tilespmem:$0x10400] =	vst v63  }
0x2a2: {  	s20 =	simm.s32 $0x8C00  }
0x2a3: {  	[tilespmem:s20], [sflag:$0x2] =	stream.indirect_vreg.gather [hbm4b:s3+s2], $0x80, v3, vm0, $0xb8;
	[tilespmem:$0x10400] =	vst v63  }
0x2a4: {  	v3 =	vld [tilespmem:$0x390];
	_ =	sdelay $0x4  }
0x2a5: {  	v57 =	vshll.u32 v3, $0x1  }
0x2a6: {  	v3 =	vand.u32 $0x7, v3;
	v4 =	vand.u32 $0xFFFFFFF0, v57  }
0x2a7: {  	v3 =	vor.u32 v3, v4  }
0x2a8: {  	v4 =	vperm.xlane v3, v0;
	_ =	sdelay $0x1  }
0x2a9: {  	v3 =	vperm.xlane v3, v2;
	v4 =	vadd.s32 v1, v4;
	_ =	sdelay $0x1  }
0x2aa: {  	v3 =	vadd.s32 v1, v3;
	_ =	sdelay $0x1  }
0x2ab: {  	s0 =	simm.s32 $0x9400  }
0x2ac: {  	[tilespmem:s0], [sflag:$0x2] =	stream.indirect_vreg.gather [hbm4b:s3+s2], $0x80, v4, vm0, $0xb8;
	[tilespmem:$0x10400] =	vst v63  }
0x2ad: {  	s5 =	simm.s32 $0x9C00  }
0x2ae: {  	[tilespmem:s5], [sflag:$0x2] =	stream.indirect_vreg.gather [hbm4b:s3+s2], $0x80, v3, vm0, $0xb8;
	[tilespmem:$0x10400] =	vst v63  }
0x2af: {  	v3 =	vld [tilespmem:$0x3A0];
	_ =	sdelay $0x4  }
0x2b0: {  	v58 =	vshll.u32 v3, $0x1  }
0x2b1: {  	v3 =	vand.u32 $0x7, v3;
	v4 =	vand.u32 $0xFFFFFFF0, v58  }
0x2b2: {  	v3 =	vor.u32 v3, v4  }
0x2b3: {  	v4 =	vperm.xlane v3, v0;
	_ =	sdelay $0x1  }
0x2b4: {  	v3 =	vperm.xlane v3, v2;
	v4 =	vadd.s32 v1, v4;
	_ =	sdelay $0x1  }
0x2b5: {  	v3 =	vadd.s32 v1, v3;
	_ =	sdelay $0x1  }
0x2b6: {  	s1 =	simm.s32 $0xA400  }
0x2b7: {  	[tilespmem:s1], [sflag:$0x2] =	stream.indirect_vreg.gather [hbm4b:s3+s2], $0x80, v4, vm0, $0xb8;
	[tilespmem:$0x10400] =	vst v63  }
0x2b8: {  	s6 =	simm.s32 $0xAC00  }
0x2b9: {  	[tilespmem:s6], [sflag:$0x2] =	stream.indirect_vreg.gather [hbm4b:s3+s2], $0x80, v3, vm0, $0xb8;
	[tilespmem:$0x10400] =	vst v63  }
0x2ba: {  	v3 =	vld [tilespmem:$0x3B0];
	_ =	sdelay $0x4  }
0x2bb: {  	v59 =	vshll.u32 v3, $0x1  }
0x2bc: {  	v3 =	vand.u32 $0x7, v3;
	v4 =	vand.u32 $0xFFFFFFF0, v59  }
0x2bd: {  	v3 =	vor.u32 v3, v4  }
0x2be: {  	v4 =	vperm.xlane v3, v0;
	_ =	sdelay $0x1  }
0x2bf: {  	v3 =	vperm.xlane v3, v2;
	v4 =	vadd.s32 v1, v4;
	_ =	sdelay $0x1  }
0x2c0: {  	v3 =	vadd.s32 v1, v3;
	_ =	sdelay $0x1  }
0x2c1: {  	s31 =	simm.s32 $0xB400  }
0x2c2: {  	[tilespmem:s31], [sflag:$0x2] =	stream.indirect_vreg.gather [hbm4b:s3+s2], $0x80, v4, vm0, $0xb8;
	[tilespmem:$0x10400] =	vst v63  }
0x2c3: {  	s28 =	simm.s32 $0xBC00  }
0x2c4: {  	[tilespmem:s28], [sflag:$0x2] =	stream.indirect_vreg.gather [hbm4b:s3+s2], $0x80, v3, vm0, $0xb8;
	[tilespmem:$0x10400] =	vst v63  }
0x2c5: {  	v3 =	vld [tilespmem:$0x3C0];
	_ =	sdelay $0x4  }
0x2c6: {  	v60 =	vshll.u32 v3, $0x1  }
0x2c7: {  	v3 =	vand.u32 $0x7, v3;
	v4 =	vand.u32 $0xFFFFFFF0, v60  }
0x2c8: {  	v3 =	vor.u32 v3, v4  }
0x2c9: {  	v4 =	vperm.xlane v3, v0;
	_ =	sdelay $0x1  }
0x2ca: {  	v3 =	vperm.xlane v3, v2;
	v4 =	vadd.s32 v1, v4;
	_ =	sdelay $0x1  }
0x2cb: {  	v3 =	vadd.s32 v1, v3;
	_ =	sdelay $0x1  }
0x2cc: {  	s29 =	simm.s32 $0xC400  }
0x2cd: {  	[tilespmem:s29], [sflag:$0x2] =	stream.indirect_vreg.gather [hbm4b:s3+s2], $0x80, v4, vm0, $0xb8;
	[tilespmem:$0x10400] =	vst v63  }
0x2ce: {  	s30 =	simm.s32 $0xCC00  }
0x2cf: {  	[tilespmem:s30], [sflag:$0x2] =	stream.indirect_vreg.gather [hbm4b:s3+s2], $0x80, v3, vm0, $0xb8;
	[tilespmem:$0x10400] =	vst v63  }
0x2d0: {  	v3 =	vld [tilespmem:$0x3D0];
	_ =	sdelay $0x4  }
0x2d1: {  	v61 =	vshll.u32 v3, $0x1  }
0x2d2: {  	v3 =	vand.u32 $0x7, v3;
	v4 =	vand.u32 $0xFFFFFFF0, v61  }
0x2d3: {  	v3 =	vor.u32 v3, v4  }
0x2d4: {  	v4 =	vperm.xlane v3, v0;
	_ =	sdelay $0x1  }
0x2d5: {  	v3 =	vperm.xlane v3, v2;
	v4 =	vadd.s32 v1, v4;
	_ =	sdelay $0x1  }
0x2d6: {  	v3 =	vadd.s32 v1, v3;
	_ =	sdelay $0x1  }
0x2d7: {  	s23 =	simm.s32 $0xD400  }
0x2d8: {  	[tilespmem:s23], [sflag:$0x2] =	stream.indirect_vreg.gather [hbm4b:s3+s2], $0x80, v4, vm0, $0xb8;
	[tilespmem:$0x10400] =	vst v63  }
0x2d9: {  	s19 =	simm.s32 $0xDC00  }
0x2da: {  	[tilespmem:s19], [sflag:$0x2] =	stream.indirect_vreg.gather [hbm4b:s3+s2], $0x80, v3, vm0, $0xb8;
	[tilespmem:$0x10400] =	vst v63  }
0x2db: {  	v3 =	vld [tilespmem:$0x3E0];
	_ =	sdelay $0x4  }
0x2dc: {  	v62 =	vshll.u32 v3, $0x1  }
0x2dd: {  	v3 =	vand.u32 $0x7, v3;
	v4 =	vand.u32 $0xFFFFFFF0, v62  }
0x2de: {  	v3 =	vor.u32 v3, v4  }
0x2df: {  	v4 =	vperm.xlane v3, v0;
	_ =	sdelay $0x1  }
0x2e0: {  	v3 =	vperm.xlane v3, v2;
	v4 =	vadd.s32 v1, v4;
	_ =	sdelay $0x1  }
0x2e1: {  	v3 =	vadd.s32 v1, v3;
	_ =	sdelay $0x1  }
0x2e2: {  	s21 =	simm.s32 $0xE400  }
0x2e3: {  	[tilespmem:s21], [sflag:$0x2] =	stream.indirect_vreg.gather [hbm4b:s3+s2], $0x80, v4, vm0, $0xb8;
	[tilespmem:$0x10400] =	vst v63  }
0x2e4: {  	s25 =	simm.s32 $0xEC00  }
0x2e5: {  	[tilespmem:s25], [sflag:$0x2] =	stream.indirect_vreg.gather [hbm4b:s3+s2], $0x80, v3, vm0, $0xb8;
	[tilespmem:$0x10400] =	vst v63  }
0x2e6: {  	v3 =	vld [tilespmem:$0x3F0];
	_ =	sdelay $0x4  }
0x2e7: {  	v63 =	vshll.u32 v3, $0x1  }
0x2e8: {  	v3 =	vand.u32 $0x7, v3;
	v4 =	vand.u32 $0xFFFFFFF0, v63  }
0x2e9: {  	v3 =	vor.u32 v3, v4  }
0x2ea: {  	v4 =	vperm.xlane v3, v0;
	_ =	sdelay $0x1  }
0x2eb: {  	v3 =	vperm.xlane v3, v2;
	v4 =	vadd.s32 v1, v4;
	_ =	sdelay $0x1  }
0x2ec: {  	v3 =	vadd.s32 v1, v3;
	_ =	sdelay $0x1  }
0x2ed: {  	s24 =	simm.s32 $0xF400  }
0x2ee: {  	[tilespmem:s24], [sflag:$0x2] =	stream.indirect_vreg.gather [hbm4b:s3+s2], $0x80, v4, vm0, $0xb8;
	[tilespmem:$0x10400] =	vst v63  }
0x2ef: {  	s29 =	simm.s32 $0xFC00  }
0x2f0: {  	[tilespmem:s29], [sflag:$0x2] =	stream.indirect_vreg.gather [hbm4b:s3+s2], $0x80, v3, vm0, $0xb8;
	[tilespmem:$0x10400] =	vst v63  }
0x2f1: {  	_ =	swait.ge [sflag:s11], $0x8000  }
0x2f2: {  	[sflag:s11] =	ssyncset.done $0x0  }
0x2f3: {  	s30 =	rddreg [dreg:$0xa];
	[sflag:s11] =	ssyncadd.s32 $0xFFFF8000  }
0x2f4: {  	[hbm4b:s30+s2] =	stream.linear.scatter [tilespmem:s26], [sflag:$0x3], $0x8000, $0x38;
	[tilespmem:$0x10400] =	vst v63  }
0x2f5: {  	_ =	swait.ge [sflag:s13], $0x8000  }
0x2f6: {  	[sflag:s13] =	ssyncset.done $0x0  }
0x2f7: {  	s31 =	rddreg [dreg:$0xb];
	[sflag:s13] =	ssyncadd.s32 $0xFFFF8000  }
0x2f8: {  	[hbm4b:s31+s2] =	stream.linear.scatter [tilespmem:s22], [sflag:$0x4], $0x8000, $0x38;
	[tilespmem:$0x10400] =	vst v63  }
0x2f9: {  	p0 =	sne.s32 s4, $0x1;
	_ =	swait.ge [sflag:s14], $0x8000  }
.Ltmp0:
0x2fa: {  	[sflag:s14] =	ssyncset.done $0x0;
	(pc) =	sbr.rel @p0 .LBB2_1-.Ltmp0, $4  }
0x2fb: {  	[sflag:s14] =	ssyncadd.s32 $0xFFFF8000  }
0x2fc: {  	_ =	swait.ge [sflag:s12], $0x8000  }
0x2fd: {  	[sflag:s12] =	ssyncset.done $0x0  }
0x2fe: {  	s4 =	sadd.s32 $0xFFFFFFFF, s4;
	[sflag:s12] =	ssyncadd.s32 $0xFFFF8000  }
0x2ff: {  	_ =	sfence.sel $0x180000  }
0x300: {  	[bflag:$0x0] =	sbarrier.arrive $0xFFFF  }
0x301: {  	_ =	strace $0x90000047  }
0x302: {  	s0 =	stileid.u32;
	[bflag:$0x2] =	sbarrier.arrive $0xFFFF  }
0x303: {  	p0 =	sne.s32 s0, $0x0;
	s0 =	rddreg [dreg:$0x2]  }
0x304: {  	s0 =	sadd.s32 @!p0 $0x100000, s0  }
0x305: {  	[sflag:s0] =	ssyncadd.tile.s32 @!p0 $0x1;
	_ =	shalt  }
.Lfunc_end2:
_tile_overlayer_lowered:
.L_overlay_start_2:
0x306: {  	(tag) =	ssettag $0x2  }
0x307: {  	s0 =	rddreg [dreg:$0x0];
	s2 =	stileid.u32  }
0x308: {  	s1 =	rddreg [dreg:$0x1];
	p0 =	sne.s32 s2, $0x0  }
0x309: {  	s3 =	rddreg [dreg:$0x2];
	[bflag:$0x3] =	sbarrier.arrive $0xFFFF;
	s2 =	simm.s32 @!p0 $0x1C05  }
0x30a: {  	[timem:s3], [sflag:s2] =	dma.local @!p0 [hbm:s0], s1  }
0x30b: {  	s0 =	simm.s32 @!p0 $0x5  }
0x30c: {  	_ =	swait.ge @!p0 [sflag:s0], s1  }
0x30d: {  	s1 =	ssub.s32 @!p0 $0x0, s1;
	[sflag:s0] =	ssyncset.done @!p0 $0x0  }
0x30e: {  	[sflag:s0] =	ssyncadd.s32 @!p0 s1  }
0x30f: {  	[bflag:$0x3] =	sbarrier.arrive $0xFFFF  }
0x310: {  	_ =	shalt  }

</sc_bundles>
